<compile_context>
chip_gen: v7x
topology: tpu7x:2x2x1
jax: 0.10.2.dev20260603
libtpu: 0.0.44.dev20260713+nightly
codegen_flags: <defaults>
</compile_context>

<pallas_src>
import functools

import jax
import jax.numpy as jnp
from jax import lax
from jax.experimental import pallas as pl
from jax.experimental.pallas import tpu as pltpu
from jax.experimental.pallas import tpu_sc as plsc

B, C, H, W = 4, 96, 224, 224
N, S = 20000, 4
NS = N * S
NPLANES = B * C
SCALE_X = 223.0
SCALE_Y = 223.0

NC, NSUB = 2, 16
NW = NC * NSUB
TILES_PER_BATCH = NW // B
CPT = C // TILES_PER_BATCH

CHN = 256
CH = CHN * S
NCH = N // CHN
CHNT = N - NCH * CHN
CHT = CHNT * S


def _coef_body(cx_ref, cy_ref, pk_ref, wx_ref, wy_ref):
    cx = cx_ref[...]
    cy = cy_ref[...]
    gx = 2.0 * cx * SCALE_X / (W - 1) - 1.0
    gy = 2.0 * cy * SCALE_Y / (H - 1) - 1.0
    ix = (gx + 1.0) * 0.5 * (W - 1)
    iy = (gy + 1.0) * 0.5 * (H - 1)
    ix0 = jnp.floor(ix)
    iy0 = jnp.floor(iy)
    wx_ref[...] = ix - ix0
    wy_ref[...] = iy - iy0
    ix0i = jnp.clip(ix0.astype(jnp.int32), 0, W - 2)
    iy0i = jnp.clip(iy0.astype(jnp.int32), 0, H - 2)
    pk_ref[...] = iy0i * 256 + ix0i


_coef = pl.pallas_call(
    _coef_body,
    out_shape=(
        jax.ShapeDtypeStruct((B * NS,), jnp.int32),
        jax.ShapeDtypeStruct((B * NS,), jnp.float32),
        jax.ShapeDtypeStruct((B * NS,), jnp.float32),
    ),
)


@functools.partial(
    pl.kernel,
    mesh=plsc.VectorSubcoreMesh(core_axis_name="c", subcore_axis_name="s"),
    out_type=jax.ShapeDtypeStruct((B, C, S, N), jnp.float32),
    compiler_params=pltpu.CompilerParams(needs_layout_passes=False),
    scratch_types=[
        pltpu.VMEM((H, W), jnp.float32),
        pltpu.VMEM((H, W), jnp.float32),
        pltpu.VMEM((CH,), jnp.int32),
        pltpu.VMEM((CH,), jnp.int32),
        pltpu.VMEM((CH,), jnp.float32),
        pltpu.VMEM((CH,), jnp.float32),
        pltpu.VMEM((CH,), jnp.float32),
        pltpu.VMEM((CH,), jnp.float32),
        pltpu.VMEM((S, CHN), jnp.float32),
        pltpu.VMEM((S, CHN), jnp.float32),
        pltpu.VMEM((S, CHN), jnp.float32),
        pltpu.VMEM((S, CHN), jnp.float32),
        pltpu.VMEM((S, CHNT), jnp.float32),
        pltpu.VMEM((S, CHNT), jnp.float32),
        pltpu.SemaphoreType.DMA,
        pltpu.SemaphoreType.DMA,
        pltpu.SemaphoreType.DMA,
        pltpu.SemaphoreType.DMA,
    ],
)
def _sc_sample(feat_hbm, pk_hbm, wx_hbm, wy_hbm, out_hbm,
               plane0_v, plane1_v, pk0_v, pk1_v, wx0_v, wx1_v, wy0_v, wy1_v,
               om00_v, om01_v, om10_v, om11_v, ot0_v, ot1_v,
               sem_in0, sem_in1, sem_out0, sem_out1):
    wid = lax.axis_index("s") * NC + lax.axis_index("c")
    batch = wid // TILES_PER_BATCH
    c_base = (wid % TILES_PER_BATCH) * CPT
    iota = lax.iota(jnp.int32, 16)
    s_vec = jnp.bitwise_and(iota, 3)
    n_off = lax.shift_right_logical(iota, 2)

    pk_v = (pk0_v, pk1_v)
    wx_v = (wx0_v, wx1_v)
    wy_v = (wy0_v, wy1_v)
    om0_v = (om00_v, om01_v)
    om1_v = (om10_v, om11_v)
    sem_in = (sem_in0, sem_in1)
    sem_out = (sem_out0, sem_out1)

    def coef_start(ck, p):
        off = batch * NS + ck * CH
        pltpu.async_copy(pk_hbm.at[pl.ds(off, CH)], pk_v[p], sem_in[p])
        pltpu.async_copy(wx_hbm.at[pl.ds(off, CH)], wx_v[p], sem_in[p])
        pltpu.async_copy(wy_hbm.at[pl.ds(off, CH)], wy_v[p], sem_in[p])

    def coef_wait(p):
        pltpu.make_async_copy(pk_hbm.at[pl.ds(0, CH)], pk_v[p], sem_in[p]).wait()
        pltpu.make_async_copy(wx_hbm.at[pl.ds(0, CH)], wx_v[p], sem_in[p]).wait()
        pltpu.make_async_copy(wy_hbm.at[pl.ds(0, CH)], wy_v[p], sem_in[p]).wait()

    def out_wait(c0, p):
        pltpu.make_async_copy(
            om0_v[p], out_hbm.at[batch, c0, :, pl.ds(0, CHN)], sem_out[p]).wait()
        pltpu.make_async_copy(
            om1_v[p], out_hbm.at[batch, c0 + 1, :, pl.ds(0, CHN)], sem_out[p]).wait()

    def make_body(pk_r, wx_r, wy_r, outs):
        def body(i):
            sl = pl.ds(i * 16, 16)
            pk = pk_r[sl]
            wx1 = wx_r[sl]
            wy1 = wy_r[sl]
            iy0 = lax.shift_right_logical(pk, 8)
            ix0 = jnp.bitwise_and(pk, 255)
            iy1 = iy0 + 1
            ix1 = ix0 + 1
            wx0 = 1.0 - wx1
            wy0 = 1.0 - wy1
            w00 = wx0 * wy0
            w10 = wx1 * wy0
            w01 = wx0 * wy1
            w11 = wx1 * wy1
            n_vec = n_off + i * 4
            for plane_v, ov in outs:
                g00 = plsc.load_gather(plane_v, [iy0, ix0])
                g10 = plsc.load_gather(plane_v, [iy0, ix1])
                g01 = plsc.load_gather(plane_v, [iy1, ix0])
                g11 = plsc.load_gather(plane_v, [iy1, ix1])
                acc = g00 * w00 + g10 * w10 + g01 * w01 + g11 * w11
                plsc.store_scatter(ov, [s_vec, n_vec], acc)
        return body

    def plane_pair(pp, carry):
        c0 = c_base + 2 * pp
        pltpu.sync_copy(feat_hbm.at[batch, c0], plane0_v)
        pltpu.sync_copy(feat_hbm.at[batch, c0 + 1], plane1_v)
        coef_start(0, 0)
        coef_start(1, 1)

        def chunk2(g, carry2):
            for p in (0, 1):
                ck = 2 * g + p
                coef_wait(p)

                @pl.when(g > 0)
                def _():
                    out_wait(c0, p)

                body = make_body(
                    pk_v[p], wx_v[p], wy_v[p],
                    ((plane0_v, om0_v[p]), (plane1_v, om1_v[p])))
                plsc.parallel_loop(0, CH // 16, unroll=4)(body)

                @pl.when(ck + 2 < NCH)
                def _():
                    coef_start(ck + 2, p)

                n0 = ck * CHN
                pltpu.async_copy(
                    om0_v[p], out_hbm.at[batch, c0, :, pl.ds(n0, CHN)],
                    sem_out[p])
                pltpu.async_copy(
                    om1_v[p], out_hbm.at[batch, c0 + 1, :, pl.ds(n0, CHN)],
                    sem_out[p])
            return carry2

        lax.fori_loop(0, NCH // 2, chunk2, 0)

        offt = batch * NS + NCH * CH
        pltpu.sync_copy(pk_hbm.at[pl.ds(offt, CHT)], pk0_v.at[pl.ds(0, CHT)])
        pltpu.sync_copy(wx_hbm.at[pl.ds(offt, CHT)], wx0_v.at[pl.ds(0, CHT)])
        pltpu.sync_copy(wy_hbm.at[pl.ds(offt, CHT)], wy0_v.at[pl.ds(0, CHT)])
        tail_body = make_body(
            pk0_v, wx0_v, wy0_v,
            ((plane0_v, ot0_v), (plane1_v, ot1_v)))
        plsc.parallel_loop(0, CHT // 16, unroll=4)(tail_body)
        nt = NCH * CHN
        pltpu.sync_copy(ot0_v, out_hbm.at[batch, c0, :, pl.ds(nt, CHNT)])
        pltpu.sync_copy(ot1_v, out_hbm.at[batch, c0 + 1, :, pl.ds(nt, CHNT)])
        out_wait(c0, 0)
        out_wait(c0, 1)
        return carry

    lax.fori_loop(0, CPT // 2, plane_pair, 0)


def kernel(grid_feat, grid_coord):
    cx = grid_coord[:, :, 1, :].reshape(B * NS)
    cy = grid_coord[:, :, 0, :].reshape(B * NS)
    pk, wx1, wy1 = _coef(cx, cy)
    out_scn = _sc_sample(grid_feat, pk, wx1, wy1)
    return jnp.transpose(out_scn, (0, 1, 3, 2))

# --- scband reference (transcript-rebuilt; emitter-appended) ---
"""Pipeline reference for scband-bilinear-sample-30270929502284 (READ-ONLY COPY).

The authoritative reference and input builder live on the scoring server;
editing this copy changes nothing except your own understanding.
"""

import jax, jax.numpy as jnp
import numpy as np

SCALE_RATE = (223.0, 223.0)


def setup_inputs(seed: int = 0) -> dict:
    key = jax.random.key(seed)
    k1, k2 = jax.random.split(key)
    grid_feat = jax.random.normal(k1, (4, 96, 224, 224), dtype=jnp.float32)
    grid_coord = jax.random.uniform(k2, (4, 20000, 2, 4), dtype=jnp.float32)
    return {"grid_feat": grid_feat, "grid_coord": grid_coord}


def _grid_sample_bilinear_zeros(feat, grid):
    # feat: (B, C, H, W); grid: (B, N, S, 2) with (x, y) in [-1, 1], align_corners=True,
    # padding_mode='zeros' -- matches torch.nn.functional.grid_sample semantics.
    B, C, H, W = feat.shape
    x = grid[..., 0]
    y = grid[..., 1]
    ix = (x + 1.0) * 0.5 * (W - 1)
    iy = (y + 1.0) * 0.5 * (H - 1)
    ix0 = jnp.floor(ix)
    iy0 = jnp.floor(iy)
    ix1 = ix0 + 1.0
    iy1 = iy0 + 1.0
    wx1 = ix - ix0
    wx0 = 1.0 - wx1
    wy1 = iy - iy0
    wy0 = 1.0 - wy1
    flat = feat.reshape(B, C, H * W)

    def gather(iy_, ix_):
        valid = (ix_ >= 0) & (ix_ <= W - 1) & (iy_ >= 0) & (iy_ <= H - 1)
        ixc = jnp.clip(ix_, 0, W - 1).astype(jnp.int32)
        iyc = jnp.clip(iy_, 0, H - 1).astype(jnp.int32)
        idx = (iyc * W + ixc).reshape(B, 1, -1)
        g = jnp.take_along_axis(flat, jnp.broadcast_to(idx, (B, C, idx.shape[-1])), axis=2)
        g = g.reshape(B, C, ix_.shape[1], ix_.shape[2])
        return g * valid[:, None, :, :].astype(feat.dtype)

    w00 = (wx0 * wy0)[:, None, :, :]
    w10 = (wx1 * wy0)[:, None, :, :]
    w01 = (wx0 * wy1)[:, None, :, :]
    w11 = (wx1 * wy1)[:, None, :, :]
    out = (gather(iy0, ix0) * w00 + gather(iy0, ix1) * w10
           + gather(iy1, ix0) * w01 + gather(iy1, ix1) * w11)
    return out


def reference(grid_feat, grid_coord):
    # grid_feat: (BS, C, H, W); grid_coord: (BS, N, 2, S) -> pc_feat: (BS, C, N, S)
    H = grid_feat.shape[2]
    W = grid_feat.shape[3]
    gx = 2.0 * grid_coord[:, :, 1] * SCALE_RATE[1] / (W - 1) - 1.0
    gy = 2.0 * grid_coord[:, :, 0] * SCALE_RATE[0] / (H - 1) - 1.0
    grid = jnp.stack((gx, gy), axis=-1)  # (BS, N, S, 2)
    return _grid_sample_bilinear_zeros(grid_feat, grid)

if __name__ == "__main__":
    import jax
    _d = setup_inputs()
    print(jax.jit(kernel)(*tuple(_d.values())))

</pallas_src>

<mosaic_0001>
#map = affine_map<(d0, d1) -> (0, 0, 0, 0)>
#map1 = affine_map<(d0, d1) -> (0)>
module attributes {stable_mosaic.version = 14 : i64} {
  func.func @_sc_sample(%arg0: i32, %arg1: i32, %arg2: memref<4x96x224x224xf32, #tpu.memory_space<hbm>>, %arg3: memref<320000xi32, #tpu.memory_space<hbm>>, %arg4: memref<320000xf32, #tpu.memory_space<hbm>>, %arg5: memref<320000xf32, #tpu.memory_space<hbm>>, %arg6: memref<4x96x4x20000xf32, #tpu.memory_space<hbm>>, %arg7: memref<224x224xf32, #tpu.memory_space<vmem>>, %arg8: memref<224x224xf32, #tpu.memory_space<vmem>>, %arg9: memref<1024xi32, #tpu.memory_space<vmem>>, %arg10: memref<1024xi32, #tpu.memory_space<vmem>>, %arg11: memref<1024xf32, #tpu.memory_space<vmem>>, %arg12: memref<1024xf32, #tpu.memory_space<vmem>>, %arg13: memref<1024xf32, #tpu.memory_space<vmem>>, %arg14: memref<1024xf32, #tpu.memory_space<vmem>>, %arg15: memref<4x256xf32, #tpu.memory_space<vmem>>, %arg16: memref<4x256xf32, #tpu.memory_space<vmem>>, %arg17: memref<4x256xf32, #tpu.memory_space<vmem>>, %arg18: memref<4x256xf32, #tpu.memory_space<vmem>>, %arg19: memref<4x32xf32, #tpu.memory_space<vmem>>, %arg20: memref<4x32xf32, #tpu.memory_space<vmem>>, %arg21: memref<!tpu.dma_semaphore, #tpu.memory_space<semaphore_mem>>, %arg22: memref<!tpu.dma_semaphore, #tpu.memory_space<semaphore_mem>>, %arg23: memref<!tpu.dma_semaphore, #tpu.memory_space<semaphore_mem>>, %arg24: memref<!tpu.dma_semaphore, #tpu.memory_space<semaphore_mem>>) attributes {dimension_semantics = [#tpu.dimension_semantics<core_parallel>, #tpu.dimension_semantics<subcore_parallel>], iteration_bounds = array<i64: 2, 16>, scalar_prefetch = 0 : i64, scratch_operands = 18 : i64, tpu.core_type = #tpu.core_type<sc_vector_subcore>, window_params = [{transform_indices = #map}, {transform_indices = #map1}, {transform_indices = #map1}, {transform_indices = #map1}, {transform_indices = #map}]} {
    %mul3A = arith.constant 2 : i32
    %mul3A_0 = arith.muli %arg1, %mul3A : i32
    %add3A = arith.addi %mul3A_0, %arg0 : i32
    %jit3A = arith.constant 8 : i32
    %div3A = arith.divsi %add3A, %jit3A : i32
    %sign3A = arith.constant 0 : i32
    %sign3A_1 = arith.cmpi sgt, %add3A, %sign3A : i32
    %sign3A_2 = arith.extui %sign3A_1 : i1 to i32
    %sign3A_3 = arith.constant 0 : i32
    %sign3A_4 = arith.cmpi slt, %add3A, %sign3A_3 : i32
    %sign3A_5 = arith.extui %sign3A_4 : i1 to i32
    %sign3A_6 = arith.subi %sign3A_2, %sign3A_5 : i32
    %sign3A_7 = arith.constant 0 : i32
    %sign3A_8 = arith.cmpi sgt, %jit3A, %sign3A_7 : i32
    %sign3A_9 = arith.extui %sign3A_8 : i1 to i32
    %sign3A_10 = arith.constant 0 : i32
    %sign3A_11 = arith.cmpi slt, %jit3A, %sign3A_10 : i32
    %sign3A_12 = arith.extui %sign3A_11 : i1 to i32
    %sign3A_13 = arith.subi %sign3A_9, %sign3A_12 : i32
    %ne3A = arith.cmpi ne, %sign3A_6, %sign3A_13 : i32
    %rem3A = arith.remsi %add3A, %jit3A : i32
    %ne3A_14 = arith.constant 0 : i32
    %ne3A_15 = arith.cmpi ne, %rem3A, %ne3A_14 : i32
    %and3A = arith.andi %ne3A, %ne3A_15 : i1
    %sub3A = arith.constant 1 : i32
    %sub3A_16 = arith.subi %div3A, %sub3A : i32
    %select_n3A = arith.select %and3A, %sub3A_16, %div3A : i32
    %jit3A_17 = arith.constant 8 : i32
    %eq3A = arith.constant 0 : i32
    %eq3A_18 = arith.cmpi eq, %jit3A_17, %eq3A : i32
    %jit3A_19 = arith.constant 1 : i32
    %select_n3A_20 = arith.select %eq3A_18, %jit3A_19, %jit3A_17 : i32
    %rem3A_21 = arith.remsi %add3A, %select_n3A_20 : i32
    %ne3A_22 = arith.constant 0 : i32
    %ne3A_23 = arith.cmpi ne, %rem3A_21, %ne3A_22 : i32
    %lt3A = arith.constant 0 : i32
    %lt3A_24 = arith.cmpi slt, %rem3A_21, %lt3A : i32
    %lt3A_25 = arith.constant 0 : i32
    %lt3A_26 = arith.cmpi slt, %select_n3A_20, %lt3A_25 : i32
    %ne3A_27 = arith.xori %lt3A_24, %lt3A_26 : i1
    %and3A_28 = arith.andi %ne3A_27, %ne3A_23 : i1
    %add3A_29 = arith.addi %rem3A_21, %select_n3A_20 : i32
    %select_n3A_30 = arith.select %and3A_28, %add3A_29, %rem3A_21 : i32
    %mul3A_31 = arith.constant 12 : i32
    %mul3A_32 = arith.muli %select_n3A_30, %mul3A_31 : i32
    %iota3A = tpu.iota {dimensions = array<i32: 0>} : vector<16xi32>
    %and3A_33 = arith.constant 3 : i32
    %and3A_34 = vector.broadcast %and3A_33 : i32 to vector<16xi32>
    %and3A_35 = arith.andi %iota3A, %and3A_34 : vector<16xi32>
    %shift_right_logical3A = arith.constant 2 : i32
    %shift_right_logical3A_36 = vector.broadcast %shift_right_logical3A : i32 to vector<16xi32>
    %shift_right_logical3A_37 = arith.shrui %iota3A, %shift_right_logical3A_36 : vector<16xi32>
    %scan3A = arith.constant 0 : i32
    %scan3A_38 = arith.constant 0 : i32
    %scan3A_39 = arith.constant 6 : i32
    %scan3A_40 = arith.addi %scan3A_38, %scan3A_39 : i32
    %scan3A_41 = arith.constant 1 : i32
    scf.for %scan3A_43 = %scan3A_38 to %scan3A_40 step %scan3A_41  : i32 {
      %mul3A_44 = arith.constant 2 : i32
      %mul3A_45 = arith.muli %mul3A_44, %scan3A_43 : i32
      %add3A_46 = arith.addi %mul3A_32, %mul3A_45 : i32
      "tpu.region"() ({
        %run_scoped3A = tpu.sem_alloc : memref<!tpu.dma_semaphore, #tpu.memory_space<semaphore_mem>>
        %dma_start3A_117 = arith.constant 0 : i32
        %dma_start3A_118 = arith.constant 0 : i32
        %dma_start3A_119 = tpu.memref_slice %arg2[%select_n3A, %add3A_46, %dma_start3A_117, %dma_start3A_118] : memref<4x96x224x224xf32, #tpu.memory_space<hbm>> -> memref<1x1x224x224xf32, #tpu.memory_space<hbm>>
        %dma_start3A_120 = tpu.memref_squeeze %dma_start3A_119 : memref<1x1x224x224xf32, #tpu.memory_space<hbm>> -> memref<224x224xf32, #tpu.memory_space<hbm>>
        %dma_start3A_121 = arith.constant 0 : i32
        %dma_start3A_122 = arith.constant 0 : i32
        %dma_start3A_123 = tpu.memref_slice %arg2[%select_n3A, %add3A_46, %dma_start3A_121, %dma_start3A_122] : memref<4x96x224x224xf32, #tpu.memory_space<hbm>> -> memref<1x1x224x224xf32, #tpu.memory_space<hbm>>
        %dma_start3A_124 = tpu.memref_squeeze %dma_start3A_123 : memref<1x1x224x224xf32, #tpu.memory_space<hbm>> -> memref<224x224xf32, #tpu.memory_space<hbm>>
        tpu.enqueue_dma source(%dma_start3A_124 : memref<224x224xf32, #tpu.memory_space<hbm>>) target(%arg7 : memref<224x224xf32, #tpu.memory_space<vmem>>) target_semaphore(%run_scoped3A : memref<!tpu.dma_semaphore, #tpu.memory_space<semaphore_mem>>)
        %dma_wait3A_125 = arith.constant 0 : i32
        %dma_wait3A_126 = arith.constant 0 : i32
        %dma_wait3A_127 = tpu.memref_slice %arg2[%select_n3A, %add3A_46, %dma_wait3A_125, %dma_wait3A_126] : memref<4x96x224x224xf32, #tpu.memory_space<hbm>> -> memref<1x1x224x224xf32, #tpu.memory_space<hbm>>
        %dma_wait3A_128 = tpu.memref_squeeze %dma_wait3A_127 : memref<1x1x224x224xf32, #tpu.memory_space<hbm>> -> memref<224x224xf32, #tpu.memory_space<hbm>>
        %dma_wait3A_129 = arith.constant 0 : i32
        %dma_wait3A_130 = arith.constant 0 : i32
        %dma_wait3A_131 = tpu.memref_slice %arg2[%select_n3A, %add3A_46, %dma_wait3A_129, %dma_wait3A_130] : memref<4x96x224x224xf32, #tpu.memory_space<hbm>> -> memref<1x1x224x224xf32, #tpu.memory_space<hbm>>
        %dma_wait3A_132 = tpu.memref_squeeze %dma_wait3A_131 : memref<1x1x224x224xf32, #tpu.memory_space<hbm>> -> memref<224x224xf32, #tpu.memory_space<hbm>>
        tpu.wait_dma2 semaphore(%run_scoped3A : memref<!tpu.dma_semaphore, #tpu.memory_space<semaphore_mem>>) src(%dma_wait3A_132 : memref<224x224xf32, #tpu.memory_space<hbm>>) dst(%arg7 : memref<224x224xf32, #tpu.memory_space<vmem>>)
        tpu.yield
      }) : () -> ()
      %add3A_47 = arith.constant 1 : i32
      %add3A_48 = arith.addi %add3A_46, %add3A_47 : i32
      "tpu.region"() ({
        %run_scoped3A = tpu.sem_alloc : memref<!tpu.dma_semaphore, #tpu.memory_space<semaphore_mem>>
        %dma_start3A_117 = arith.constant 0 : i32
        %dma_start3A_118 = arith.constant 0 : i32
        %dma_start3A_119 = tpu.memref_slice %arg2[%select_n3A, %add3A_48, %dma_start3A_117, %dma_start3A_118] : memref<4x96x224x224xf32, #tpu.memory_space<hbm>> -> memref<1x1x224x224xf32, #tpu.memory_space<hbm>>
        %dma_start3A_120 = tpu.memref_squeeze %dma_start3A_119 : memref<1x1x224x224xf32, #tpu.memory_space<hbm>> -> memref<224x224xf32, #tpu.memory_space<hbm>>
        %dma_start3A_121 = arith.constant 0 : i32
        %dma_start3A_122 = arith.constant 0 : i32
        %dma_start3A_123 = tpu.memref_slice %arg2[%select_n3A, %add3A_48, %dma_start3A_121, %dma_start3A_122] : memref<4x96x224x224xf32, #tpu.memory_space<hbm>> -> memref<1x1x224x224xf32, #tpu.memory_space<hbm>>
        %dma_start3A_124 = tpu.memref_squeeze %dma_start3A_123 : memref<1x1x224x224xf32, #tpu.memory_space<hbm>> -> memref<224x224xf32, #tpu.memory_space<hbm>>
        tpu.enqueue_dma source(%dma_start3A_124 : memref<224x224xf32, #tpu.memory_space<hbm>>) target(%arg8 : memref<224x224xf32, #tpu.memory_space<vmem>>) target_semaphore(%run_scoped3A : memref<!tpu.dma_semaphore, #tpu.memory_space<semaphore_mem>>)
        %dma_wait3A_125 = arith.constant 0 : i32
        %dma_wait3A_126 = arith.constant 0 : i32
        %dma_wait3A_127 = tpu.memref_slice %arg2[%select_n3A, %add3A_48, %dma_wait3A_125, %dma_wait3A_126] : memref<4x96x224x224xf32, #tpu.memory_space<hbm>> -> memref<1x1x224x224xf32, #tpu.memory_space<hbm>>
        %dma_wait3A_128 = tpu.memref_squeeze %dma_wait3A_127 : memref<1x1x224x224xf32, #tpu.memory_space<hbm>> -> memref<224x224xf32, #tpu.memory_space<hbm>>
        %dma_wait3A_129 = arith.constant 0 : i32
        %dma_wait3A_130 = arith.constant 0 : i32
        %dma_wait3A_131 = tpu.memref_slice %arg2[%select_n3A, %add3A_48, %dma_wait3A_129, %dma_wait3A_130] : memref<4x96x224x224xf32, #tpu.memory_space<hbm>> -> memref<1x1x224x224xf32, #tpu.memory_space<hbm>>
        %dma_wait3A_132 = tpu.memref_squeeze %dma_wait3A_131 : memref<1x1x224x224xf32, #tpu.memory_space<hbm>> -> memref<224x224xf32, #tpu.memory_space<hbm>>
        tpu.wait_dma2 semaphore(%run_scoped3A : memref<!tpu.dma_semaphore, #tpu.memory_space<semaphore_mem>>) src(%dma_wait3A_132 : memref<224x224xf32, #tpu.memory_space<hbm>>) dst(%arg8 : memref<224x224xf32, #tpu.memory_space<vmem>>)
        tpu.yield
      }) : () -> ()
      %mul3A_49 = arith.constant 80000 : i32
      %mul3A_50 = arith.muli %select_n3A, %mul3A_49 : i32
      %add3A_51 = arith.constant 0 : i32
      %add3A_52 = arith.addi %mul3A_50, %add3A_51 : i32
      %dma_start3A = tpu.memref_slice %arg3[%add3A_52] : memref<320000xi32, #tpu.memory_space<hbm>> -> memref<1024xi32, #tpu.memory_space<hbm>>
      %dma_start3A_53 = tpu.memref_slice %arg3[%add3A_52] : memref<320000xi32, #tpu.memory_space<hbm>> -> memref<1024xi32, #tpu.memory_space<hbm>>
      tpu.enqueue_dma source(%dma_start3A_53 : memref<1024xi32, #tpu.memory_space<hbm>>) target(%arg9 : memref<1024xi32, #tpu.memory_space<vmem>>) target_semaphore(%arg21 : memref<!tpu.dma_semaphore, #tpu.memory_space<semaphore_mem>>)
      %dma_start3A_54 = tpu.memref_slice %arg4[%add3A_52] : memref<320000xf32, #tpu.memory_space<hbm>> -> memref<1024xf32, #tpu.memory_space<hbm>>
      %dma_start3A_55 = tpu.memref_slice %arg4[%add3A_52] : memref<320000xf32, #tpu.memory_space<hbm>> -> memref<1024xf32, #tpu.memory_space<hbm>>
      tpu.enqueue_dma source(%dma_start3A_55 : memref<1024xf32, #tpu.memory_space<hbm>>) target(%arg11 : memref<1024xf32, #tpu.memory_space<vmem>>) target_semaphore(%arg21 : memref<!tpu.dma_semaphore, #tpu.memory_space<semaphore_mem>>)
      %dma_start3A_56 = tpu.memref_slice %arg5[%add3A_52] : memref<320000xf32, #tpu.memory_space<hbm>> -> memref<1024xf32, #tpu.memory_space<hbm>>
      %dma_start3A_57 = tpu.memref_slice %arg5[%add3A_52] : memref<320000xf32, #tpu.memory_space<hbm>> -> memref<1024xf32, #tpu.memory_space<hbm>>
      tpu.enqueue_dma source(%dma_start3A_57 : memref<1024xf32, #tpu.memory_space<hbm>>) target(%arg13 : memref<1024xf32, #tpu.memory_space<vmem>>) target_semaphore(%arg21 : memref<!tpu.dma_semaphore, #tpu.memory_space<semaphore_mem>>)
      %mul3A_58 = arith.constant 80000 : i32
      %mul3A_59 = arith.muli %select_n3A, %mul3A_58 : i32
      %add3A_60 = arith.constant 1024 : i32
      %add3A_61 = arith.addi %mul3A_59, %add3A_60 : i32
      %dma_start3A_62 = tpu.memref_slice %arg3[%add3A_61] : memref<320000xi32, #tpu.memory_space<hbm>> -> memref<1024xi32, #tpu.memory_space<hbm>>
      %dma_start3A_63 = tpu.memref_slice %arg3[%add3A_61] : memref<320000xi32, #tpu.memory_space<hbm>> -> memref<1024xi32, #tpu.memory_space<hbm>>
      tpu.enqueue_dma source(%dma_start3A_63 : memref<1024xi32, #tpu.memory_space<hbm>>) target(%arg10 : memref<1024xi32, #tpu.memory_space<vmem>>) target_semaphore(%arg22 : memref<!tpu.dma_semaphore, #tpu.memory_space<semaphore_mem>>)
      %dma_start3A_64 = tpu.memref_slice %arg4[%add3A_61] : memref<320000xf32, #tpu.memory_space<hbm>> -> memref<1024xf32, #tpu.memory_space<hbm>>
      %dma_start3A_65 = tpu.memref_slice %arg4[%add3A_61] : memref<320000xf32, #tpu.memory_space<hbm>> -> memref<1024xf32, #tpu.memory_space<hbm>>
      tpu.enqueue_dma source(%dma_start3A_65 : memref<1024xf32, #tpu.memory_space<hbm>>) target(%arg12 : memref<1024xf32, #tpu.memory_space<vmem>>) target_semaphore(%arg22 : memref<!tpu.dma_semaphore, #tpu.memory_space<semaphore_mem>>)
      %dma_start3A_66 = tpu.memref_slice %arg5[%add3A_61] : memref<320000xf32, #tpu.memory_space<hbm>> -> memref<1024xf32, #tpu.memory_space<hbm>>
      %dma_start3A_67 = tpu.memref_slice %arg5[%add3A_61] : memref<320000xf32, #tpu.memory_space<hbm>> -> memref<1024xf32, #tpu.memory_space<hbm>>
      tpu.enqueue_dma source(%dma_start3A_67 : memref<1024xf32, #tpu.memory_space<hbm>>) target(%arg14 : memref<1024xf32, #tpu.memory_space<vmem>>) target_semaphore(%arg22 : memref<!tpu.dma_semaphore, #tpu.memory_space<semaphore_mem>>)
      %scan3A_68 = arith.constant 0 : i32
      %scan3A_69 = arith.constant 0 : i32
      %scan3A_70 = arith.constant 39 : i32
      %scan3A_71 = arith.addi %scan3A_69, %scan3A_70 : i32
      %scan3A_72 = arith.constant 1 : i32
      scf.for %scan3A_117 = %scan3A_69 to %scan3A_71 step %scan3A_72  : i32 {
        %mul3A_118 = arith.constant 2 : i32
        %mul3A_119 = arith.muli %mul3A_118, %scan3A_117 : i32
        %add3A_120 = arith.constant 0 : i32
        %add3A_121 = arith.addi %mul3A_119, %add3A_120 : i32
        %dma_wait3A_122 = arith.constant 0 : i32
        %dma_wait3A_123 = tpu.memref_slice %arg3[%dma_wait3A_122] : memref<320000xi32, #tpu.memory_space<hbm>> -> memref<1024xi32, #tpu.memory_space<hbm>>
        %dma_wait3A_124 = arith.constant 0 : i32
        %dma_wait3A_125 = tpu.memref_slice %arg3[%dma_wait3A_124] : memref<320000xi32, #tpu.memory_space<hbm>> -> memref<1024xi32, #tpu.memory_space<hbm>>
        tpu.wait_dma2 semaphore(%arg21 : memref<!tpu.dma_semaphore, #tpu.memory_space<semaphore_mem>>) src(%dma_wait3A_125 : memref<1024xi32, #tpu.memory_space<hbm>>) dst(%arg9 : memref<1024xi32, #tpu.memory_space<vmem>>)
        %dma_wait3A_126 = arith.constant 0 : i32
        %dma_wait3A_127 = tpu.memref_slice %arg4[%dma_wait3A_126] : memref<320000xf32, #tpu.memory_space<hbm>> -> memref<1024xf32, #tpu.memory_space<hbm>>
        %dma_wait3A_128 = arith.constant 0 : i32
        %dma_wait3A_129 = tpu.memref_slice %arg4[%dma_wait3A_128] : memref<320000xf32, #tpu.memory_space<hbm>> -> memref<1024xf32, #tpu.memory_space<hbm>>
        tpu.wait_dma2 semaphore(%arg21 : memref<!tpu.dma_semaphore, #tpu.memory_space<semaphore_mem>>) src(%dma_wait3A_129 : memref<1024xf32, #tpu.memory_space<hbm>>) dst(%arg11 : memref<1024xf32, #tpu.memory_space<vmem>>)
        %dma_wait3A_130 = arith.constant 0 : i32
        %dma_wait3A_131 = tpu.memref_slice %arg5[%dma_wait3A_130] : memref<320000xf32, #tpu.memory_space<hbm>> -> memref<1024xf32, #tpu.memory_space<hbm>>
        %dma_wait3A_132 = arith.constant 0 : i32
        %dma_wait3A_133 = tpu.memref_slice %arg5[%dma_wait3A_132] : memref<320000xf32, #tpu.memory_space<hbm>> -> memref<1024xf32, #tpu.memory_space<hbm>>
        tpu.wait_dma2 semaphore(%arg21 : memref<!tpu.dma_semaphore, #tpu.memory_space<semaphore_mem>>) src(%dma_wait3A_133 : memref<1024xf32, #tpu.memory_space<hbm>>) dst(%arg13 : memref<1024xf32, #tpu.memory_space<vmem>>)
        %gt3A = arith.constant 0 : i32
        %gt3A_134 = arith.cmpi sgt, %scan3A_117, %gt3A : i32
        %convert_element_type3A = arith.extui %gt3A_134 : i1 to i32
        %cond3A = arith.constant 0 : i32
        %cond3A_135 = arith.cmpi ne, %convert_element_type3A, %cond3A : i32
        scf.if %cond3A_135 {
          %dma_wait3A_209 = arith.constant 0 : i32
          %dma_wait3A_210 = arith.constant 0 : i32
          %dma_wait3A_211 = tpu.memref_slice %arg6[%select_n3A, %add3A_46, %dma_wait3A_209, %dma_wait3A_210] : memref<4x96x4x20000xf32, #tpu.memory_space<hbm>> -> memref<1x1x4x256xf32, #tpu.memory_space<hbm>>
          %dma_wait3A_212 = tpu.memref_squeeze %dma_wait3A_211 : memref<1x1x4x256xf32, #tpu.memory_space<hbm>> -> memref<4x256xf32, #tpu.memory_space<hbm>>
          %dma_wait3A_213 = arith.constant 0 : i32
          %dma_wait3A_214 = arith.constant 0 : i32
          %dma_wait3A_215 = tpu.memref_slice %arg6[%select_n3A, %add3A_46, %dma_wait3A_213, %dma_wait3A_214] : memref<4x96x4x20000xf32, #tpu.memory_space<hbm>> -> memref<1x1x4x256xf32, #tpu.memory_space<hbm>>
          %dma_wait3A_216 = tpu.memref_squeeze %dma_wait3A_215 : memref<1x1x4x256xf32, #tpu.memory_space<hbm>> -> memref<4x256xf32, #tpu.memory_space<hbm>>
          tpu.wait_dma2 semaphore(%arg23 : memref<!tpu.dma_semaphore, #tpu.memory_space<semaphore_mem>>) src(%arg15 : memref<4x256xf32, #tpu.memory_space<vmem>>) dst(%dma_wait3A_216 : memref<4x256xf32, #tpu.memory_space<hbm>>)
          %add3A_217 = arith.constant 1 : i32
          %add3A_218 = arith.addi %add3A_46, %add3A_217 : i32
          %dma_wait3A_219 = arith.constant 0 : i32
          %dma_wait3A_220 = arith.constant 0 : i32
          %dma_wait3A_221 = tpu.memref_slice %arg6[%select_n3A, %add3A_218, %dma_wait3A_219, %dma_wait3A_220] : memref<4x96x4x20000xf32, #tpu.memory_space<hbm>> -> memref<1x1x4x256xf32, #tpu.memory_space<hbm>>
          %dma_wait3A_222 = tpu.memref_squeeze %dma_wait3A_221 : memref<1x1x4x256xf32, #tpu.memory_space<hbm>> -> memref<4x256xf32, #tpu.memory_space<hbm>>
          %dma_wait3A_223 = arith.constant 0 : i32
          %dma_wait3A_224 = arith.constant 0 : i32
          %dma_wait3A_225 = tpu.memref_slice %arg6[%select_n3A, %add3A_218, %dma_wait3A_223, %dma_wait3A_224] : memref<4x96x4x20000xf32, #tpu.memory_space<hbm>> -> memref<1x1x4x256xf32, #tpu.memory_space<hbm>>
          %dma_wait3A_226 = tpu.memref_squeeze %dma_wait3A_225 : memref<1x1x4x256xf32, #tpu.memory_space<hbm>> -> memref<4x256xf32, #tpu.memory_space<hbm>>
          tpu.wait_dma2 semaphore(%arg23 : memref<!tpu.dma_semaphore, #tpu.memory_space<semaphore_mem>>) src(%arg17 : memref<4x256xf32, #tpu.memory_space<vmem>>) dst(%dma_wait3A_226 : memref<4x256xf32, #tpu.memory_space<hbm>>)
        } else {
        }
        %parallel_loop3A_136 = arith.constant 0 : i32
        %parallel_loop3A_137 = arith.constant 64 : i32
        %parallel_loop3A_138 = arith.constant 1 : i32
        scf.for %parallel_loop3A_209 = %parallel_loop3A_136 to %parallel_loop3A_137 step %parallel_loop3A_138  : i32 {
          %parallel_loop3A_210 = arith.constant 16 : i32
          %parallel_loop3A_211 = arith.muli %parallel_loop3A_209, %parallel_loop3A_210 : i32
          %parallel_loop3A_212 = arith.index_cast %parallel_loop3A_211 : i32 to index
          %parallel_loop3A_213 = tpu.vector_load %arg9[%parallel_loop3A_212] {strides = array<i32>} : memref<1024xi32, #tpu.memory_space<vmem>>, vector<16xi32>,
          %parallel_loop3A_214 = arith.index_cast %parallel_loop3A_211 : i32 to index
          %parallel_loop3A_215 = tpu.vector_load %arg11[%parallel_loop3A_214] {strides = array<i32>} : memref<1024xf32, #tpu.memory_space<vmem>>, vector<16xf32>,
          %parallel_loop3A_216 = arith.index_cast %parallel_loop3A_211 : i32 to index
          %parallel_loop3A_217 = tpu.vector_load %arg13[%parallel_loop3A_216] {strides = array<i32>} : memref<1024xf32, #tpu.memory_space<vmem>>, vector<16xf32>,
          %parallel_loop3A_218 = arith.constant 8 : i32
          %parallel_loop3A_219 = vector.broadcast %parallel_loop3A_218 : i32 to vector<16xi32>
          %parallel_loop3A_220 = arith.shrui %parallel_loop3A_213, %parallel_loop3A_219 : vector<16xi32>
          %parallel_loop3A_221 = arith.constant 255 : i32
          %parallel_loop3A_222 = vector.broadcast %parallel_loop3A_221 : i32 to vector<16xi32>
          %parallel_loop3A_223 = arith.andi %parallel_loop3A_213, %parallel_loop3A_222 : vector<16xi32>
          %parallel_loop3A_224 = arith.constant 1 : i32
          %parallel_loop3A_225 = vector.broadcast %parallel_loop3A_224 : i32 to vector<16xi32>
          %parallel_loop3A_226 = arith.addi %parallel_loop3A_220, %parallel_loop3A_225 : vector<16xi32>
          %parallel_loop3A_227 = arith.constant 1 : i32
          %parallel_loop3A_228 = vector.broadcast %parallel_loop3A_227 : i32 to vector<16xi32>
          %parallel_loop3A_229 = arith.addi %parallel_loop3A_223, %parallel_loop3A_228 : vector<16xi32>
          %parallel_loop3A_230 = arith.constant 1.000000e+00 : f32
          %parallel_loop3A_231 = vector.broadcast %parallel_loop3A_230 : f32 to vector<16xf32>
          %parallel_loop3A_232 = arith.subf %parallel_loop3A_231, %parallel_loop3A_215 : vector<16xf32>
          %parallel_loop3A_233 = arith.constant 1.000000e+00 : f32
          %parallel_loop3A_234 = vector.broadcast %parallel_loop3A_233 : f32 to vector<16xf32>
          %parallel_loop3A_235 = arith.subf %parallel_loop3A_234, %parallel_loop3A_217 : vector<16xf32>
          %parallel_loop3A_236 = arith.mulf %parallel_loop3A_232, %parallel_loop3A_235 : vector<16xf32>
          %parallel_loop3A_237 = arith.mulf %parallel_loop3A_215, %parallel_loop3A_235 : vector<16xf32>
          %parallel_loop3A_238 = arith.mulf %parallel_loop3A_232, %parallel_loop3A_217 : vector<16xf32>
          %parallel_loop3A_239 = arith.mulf %parallel_loop3A_215, %parallel_loop3A_217 : vector<16xf32>
          %parallel_loop3A_240 = arith.constant 4 : i32
          %parallel_loop3A_241 = arith.muli %parallel_loop3A_209, %parallel_loop3A_240 : i32
          %parallel_loop3A_242 = vector.broadcast %parallel_loop3A_241 : i32 to vector<16xi32>
          %parallel_loop3A_243 = arith.addi %shift_right_logical3A_37, %parallel_loop3A_242 : vector<16xi32>
          %parallel_loop3A_244 = tpu.vector_load_idx %arg7[%parallel_loop3A_220, %parallel_loop3A_223] : memref<224x224xf32, #tpu.memory_space<vmem>>[vector<16xi32>, vector<16xi32>], vector<16xf32>,
          %parallel_loop3A_245 = tpu.vector_load_idx %arg7[%parallel_loop3A_220, %parallel_loop3A_229] : memref<224x224xf32, #tpu.memory_space<vmem>>[vector<16xi32>, vector<16xi32>], vector<16xf32>,
          %parallel_loop3A_246 = tpu.vector_load_idx %arg7[%parallel_loop3A_226, %parallel_loop3A_223] : memref<224x224xf32, #tpu.memory_space<vmem>>[vector<16xi32>, vector<16xi32>], vector<16xf32>,
          %parallel_loop3A_247 = tpu.vector_load_idx %arg7[%parallel_loop3A_226, %parallel_loop3A_229] : memref<224x224xf32, #tpu.memory_space<vmem>>[vector<16xi32>, vector<16xi32>], vector<16xf32>,
          %parallel_loop3A_248 = arith.mulf %parallel_loop3A_244, %parallel_loop3A_236 : vector<16xf32>
          %parallel_loop3A_249 = arith.mulf %parallel_loop3A_245, %parallel_loop3A_237 : vector<16xf32>
          %parallel_loop3A_250 = arith.addf %parallel_loop3A_248, %parallel_loop3A_249 : vector<16xf32>
          %parallel_loop3A_251 = arith.mulf %parallel_loop3A_246, %parallel_loop3A_238 : vector<16xf32>
          %parallel_loop3A_252 = arith.addf %parallel_loop3A_250, %parallel_loop3A_251 : vector<16xf32>
          %parallel_loop3A_253 = arith.mulf %parallel_loop3A_247, %parallel_loop3A_239 : vector<16xf32>
          %parallel_loop3A_254 = arith.addf %parallel_loop3A_252, %parallel_loop3A_253 : vector<16xf32>
          tpu.vector_store_idx %arg15[%and3A_35, %parallel_loop3A_243], %parallel_loop3A_254 : memref<4x256xf32, #tpu.memory_space<vmem>>[vector<16xi32>, vector<16xi32>], vector<16xf32>,
          %parallel_loop3A_255 = tpu.vector_load_idx %arg8[%parallel_loop3A_220, %parallel_loop3A_223] : memref<224x224xf32, #tpu.memory_space<vmem>>[vector<16xi32>, vector<16xi32>], vector<16xf32>,
          %parallel_loop3A_256 = tpu.vector_load_idx %arg8[%parallel_loop3A_220, %parallel_loop3A_229] : memref<224x224xf32, #tpu.memory_space<vmem>>[vector<16xi32>, vector<16xi32>], vector<16xf32>,
          %parallel_loop3A_257 = tpu.vector_load_idx %arg8[%parallel_loop3A_226, %parallel_loop3A_223] : memref<224x224xf32, #tpu.memory_space<vmem>>[vector<16xi32>, vector<16xi32>], vector<16xf32>,
          %parallel_loop3A_258 = tpu.vector_load_idx %arg8[%parallel_loop3A_226, %parallel_loop3A_229] : memref<224x224xf32, #tpu.memory_space<vmem>>[vector<16xi32>, vector<16xi32>], vector<16xf32>,
          %parallel_loop3A_259 = arith.mulf %parallel_loop3A_255, %parallel_loop3A_236 : vector<16xf32>
          %parallel_loop3A_260 = arith.mulf %parallel_loop3A_256, %parallel_loop3A_237 : vector<16xf32>
          %parallel_loop3A_261 = arith.addf %parallel_loop3A_259, %parallel_loop3A_260 : vector<16xf32>
          %parallel_loop3A_262 = arith.mulf %parallel_loop3A_257, %parallel_loop3A_238 : vector<16xf32>
          %parallel_loop3A_263 = arith.addf %parallel_loop3A_261, %parallel_loop3A_262 : vector<16xf32>
          %parallel_loop3A_264 = arith.mulf %parallel_loop3A_258, %parallel_loop3A_239 : vector<16xf32>
          %parallel_loop3A_265 = arith.addf %parallel_loop3A_263, %parallel_loop3A_264 : vector<16xf32>
          tpu.vector_store_idx %arg17[%and3A_35, %parallel_loop3A_243], %parallel_loop3A_265 : memref<4x256xf32, #tpu.memory_space<vmem>>[vector<16xi32>, vector<16xi32>], vector<16xf32>,
        } {sc.loop_unroll_factor = 4 : i64, sc.parallel_access}
        %add3A_139 = arith.constant 2 : i32
        %add3A_140 = arith.addi %add3A_121, %add3A_139 : i32
        %lt3A_141 = arith.constant 78 : i32
        %lt3A_142 = arith.cmpi slt, %add3A_140, %lt3A_141 : i32
        %convert_element_type3A_143 = arith.extui %lt3A_142 : i1 to i32
        %cond3A_144 = arith.constant 0 : i32
        %cond3A_145 = arith.cmpi ne, %convert_element_type3A_143, %cond3A_144 : i32
        scf.if %cond3A_145 {
          %add3A_209 = arith.constant 2 : i32
          %add3A_210 = arith.addi %add3A_121, %add3A_209 : i32
          %mul3A_211 = arith.constant 80000 : i32
          %mul3A_212 = arith.muli %select_n3A, %mul3A_211 : i32
          %mul3A_213 = arith.constant 1024 : i32
          %mul3A_214 = arith.muli %add3A_210, %mul3A_213 : i32
          %add3A_215 = arith.addi %mul3A_212, %mul3A_214 : i32
          %dma_start3A_216 = tpu.memref_slice %arg3[%add3A_215] : memref<320000xi32, #tpu.memory_space<hbm>> -> memref<1024xi32, #tpu.memory_space<hbm>>
          %dma_start3A_217 = tpu.memref_slice %arg3[%add3A_215] : memref<320000xi32, #tpu.memory_space<hbm>> -> memref<1024xi32, #tpu.memory_space<hbm>>
          tpu.enqueue_dma source(%dma_start3A_217 : memref<1024xi32, #tpu.memory_space<hbm>>) target(%arg9 : memref<1024xi32, #tpu.memory_space<vmem>>) target_semaphore(%arg21 : memref<!tpu.dma_semaphore, #tpu.memory_space<semaphore_mem>>)
          %dma_start3A_218 = tpu.memref_slice %arg4[%add3A_215] : memref<320000xf32, #tpu.memory_space<hbm>> -> memref<1024xf32, #tpu.memory_space<hbm>>
          %dma_start3A_219 = tpu.memref_slice %arg4[%add3A_215] : memref<320000xf32, #tpu.memory_space<hbm>> -> memref<1024xf32, #tpu.memory_space<hbm>>
          tpu.enqueue_dma source(%dma_start3A_219 : memref<1024xf32, #tpu.memory_space<hbm>>) target(%arg11 : memref<1024xf32, #tpu.memory_space<vmem>>) target_semaphore(%arg21 : memref<!tpu.dma_semaphore, #tpu.memory_space<semaphore_mem>>)
          %dma_start3A_220 = tpu.memref_slice %arg5[%add3A_215] : memref<320000xf32, #tpu.memory_space<hbm>> -> memref<1024xf32, #tpu.memory_space<hbm>>
          %dma_start3A_221 = tpu.memref_slice %arg5[%add3A_215] : memref<320000xf32, #tpu.memory_space<hbm>> -> memref<1024xf32, #tpu.memory_space<hbm>>
          tpu.enqueue_dma source(%dma_start3A_221 : memref<1024xf32, #tpu.memory_space<hbm>>) target(%arg13 : memref<1024xf32, #tpu.memory_space<vmem>>) target_semaphore(%arg21 : memref<!tpu.dma_semaphore, #tpu.memory_space<semaphore_mem>>)
        } else {
        }
        %mul3A_146 = arith.constant 256 : i32
        %mul3A_147 = arith.muli %add3A_121, %mul3A_146 : i32
        %dma_start3A_148 = arith.constant 0 : i32
        %dma_start3A_149 = tpu.memref_slice %arg6[%select_n3A, %add3A_46, %dma_start3A_148, %mul3A_147] : memref<4x96x4x20000xf32, #tpu.memory_space<hbm>> -> memref<1x1x4x256xf32, #tpu.memory_space<hbm>>
        %dma_start3A_150 = tpu.memref_squeeze %dma_start3A_149 : memref<1x1x4x256xf32, #tpu.memory_space<hbm>> -> memref<4x256xf32, #tpu.memory_space<hbm>>
        %dma_start3A_151 = arith.constant 0 : i32
        %dma_start3A_152 = tpu.memref_slice %arg6[%select_n3A, %add3A_46, %dma_start3A_151, %mul3A_147] : memref<4x96x4x20000xf32, #tpu.memory_space<hbm>> -> memref<1x1x4x256xf32, #tpu.memory_space<hbm>>
        %dma_start3A_153 = tpu.memref_squeeze %dma_start3A_152 : memref<1x1x4x256xf32, #tpu.memory_space<hbm>> -> memref<4x256xf32, #tpu.memory_space<hbm>>
        tpu.enqueue_dma source(%arg15 : memref<4x256xf32, #tpu.memory_space<vmem>>) target(%dma_start3A_153 : memref<4x256xf32, #tpu.memory_space<hbm>>) target_semaphore(%arg23 : memref<!tpu.dma_semaphore, #tpu.memory_space<semaphore_mem>>)
        %add3A_154 = arith.constant 1 : i32
        %add3A_155 = arith.addi %add3A_46, %add3A_154 : i32
        %dma_start3A_156 = arith.constant 0 : i32
        %dma_start3A_157 = tpu.memref_slice %arg6[%select_n3A, %add3A_155, %dma_start3A_156, %mul3A_147] : memref<4x96x4x20000xf32, #tpu.memory_space<hbm>> -> memref<1x1x4x256xf32, #tpu.memory_space<hbm>>
        %dma_start3A_158 = tpu.memref_squeeze %dma_start3A_157 : memref<1x1x4x256xf32, #tpu.memory_space<hbm>> -> memref<4x256xf32, #tpu.memory_space<hbm>>
        %dma_start3A_159 = arith.constant 0 : i32
        %dma_start3A_160 = tpu.memref_slice %arg6[%select_n3A, %add3A_155, %dma_start3A_159, %mul3A_147] : memref<4x96x4x20000xf32, #tpu.memory_space<hbm>> -> memref<1x1x4x256xf32, #tpu.memory_space<hbm>>
        %dma_start3A_161 = tpu.memref_squeeze %dma_start3A_160 : memref<1x1x4x256xf32, #tpu.memory_space<hbm>> -> memref<4x256xf32, #tpu.memory_space<hbm>>
        tpu.enqueue_dma source(%arg17 : memref<4x256xf32, #tpu.memory_space<vmem>>) target(%dma_start3A_161 : memref<4x256xf32, #tpu.memory_space<hbm>>) target_semaphore(%arg23 : memref<!tpu.dma_semaphore, #tpu.memory_space<semaphore_mem>>)
        %mul3A_162 = arith.constant 2 : i32
        %mul3A_163 = arith.muli %mul3A_162, %scan3A_117 : i32
        %add3A_164 = arith.constant 1 : i32
        %add3A_165 = arith.addi %mul3A_163, %add3A_164 : i32
        %dma_wait3A_166 = arith.constant 0 : i32
        %dma_wait3A_167 = tpu.memref_slice %arg3[%dma_wait3A_166] : memref<320000xi32, #tpu.memory_space<hbm>> -> memref<1024xi32, #tpu.memory_space<hbm>>
        %dma_wait3A_168 = arith.constant 0 : i32
        %dma_wait3A_169 = tpu.memref_slice %arg3[%dma_wait3A_168] : memref<320000xi32, #tpu.memory_space<hbm>> -> memref<1024xi32, #tpu.memory_space<hbm>>
        tpu.wait_dma2 semaphore(%arg22 : memref<!tpu.dma_semaphore, #tpu.memory_space<semaphore_mem>>) src(%dma_wait3A_169 : memref<1024xi32, #tpu.memory_space<hbm>>) dst(%arg10 : memref<1024xi32, #tpu.memory_space<vmem>>)
        %dma_wait3A_170 = arith.constant 0 : i32
        %dma_wait3A_171 = tpu.memref_slice %arg4[%dma_wait3A_170] : memref<320000xf32, #tpu.memory_space<hbm>> -> memref<1024xf32, #tpu.memory_space<hbm>>
        %dma_wait3A_172 = arith.constant 0 : i32
        %dma_wait3A_173 = tpu.memref_slice %arg4[%dma_wait3A_172] : memref<320000xf32, #tpu.memory_space<hbm>> -> memref<1024xf32, #tpu.memory_space<hbm>>
        tpu.wait_dma2 semaphore(%arg22 : memref<!tpu.dma_semaphore, #tpu.memory_space<semaphore_mem>>) src(%dma_wait3A_173 : memref<1024xf32, #tpu.memory_space<hbm>>) dst(%arg12 : memref<1024xf32, #tpu.memory_space<vmem>>)
        %dma_wait3A_174 = arith.constant 0 : i32
        %dma_wait3A_175 = tpu.memref_slice %arg5[%dma_wait3A_174] : memref<320000xf32, #tpu.memory_space<hbm>> -> memref<1024xf32, #tpu.memory_space<hbm>>
        %dma_wait3A_176 = arith.constant 0 : i32
        %dma_wait3A_177 = tpu.memref_slice %arg5[%dma_wait3A_176] : memref<320000xf32, #tpu.memory_space<hbm>> -> memref<1024xf32, #tpu.memory_space<hbm>>
        tpu.wait_dma2 semaphore(%arg22 : memref<!tpu.dma_semaphore, #tpu.memory_space<semaphore_mem>>) src(%dma_wait3A_177 : memref<1024xf32, #tpu.memory_space<hbm>>) dst(%arg14 : memref<1024xf32, #tpu.memory_space<vmem>>)
        %gt3A_178 = arith.constant 0 : i32
        %gt3A_179 = arith.cmpi sgt, %scan3A_117, %gt3A_178 : i32
        %convert_element_type3A_180 = arith.extui %gt3A_179 : i1 to i32
        %cond3A_181 = arith.constant 0 : i32
        %cond3A_182 = arith.cmpi ne, %convert_element_type3A_180, %cond3A_181 : i32
        scf.if %cond3A_182 {
          %dma_wait3A_209 = arith.constant 0 : i32
          %dma_wait3A_210 = arith.constant 0 : i32
          %dma_wait3A_211 = tpu.memref_slice %arg6[%select_n3A, %add3A_46, %dma_wait3A_209, %dma_wait3A_210] : memref<4x96x4x20000xf32, #tpu.memory_space<hbm>> -> memref<1x1x4x256xf32, #tpu.memory_space<hbm>>
          %dma_wait3A_212 = tpu.memref_squeeze %dma_wait3A_211 : memref<1x1x4x256xf32, #tpu.memory_space<hbm>> -> memref<4x256xf32, #tpu.memory_space<hbm>>
          %dma_wait3A_213 = arith.constant 0 : i32
          %dma_wait3A_214 = arith.constant 0 : i32
          %dma_wait3A_215 = tpu.memref_slice %arg6[%select_n3A, %add3A_46, %dma_wait3A_213, %dma_wait3A_214] : memref<4x96x4x20000xf32, #tpu.memory_space<hbm>> -> memref<1x1x4x256xf32, #tpu.memory_space<hbm>>
          %dma_wait3A_216 = tpu.memref_squeeze %dma_wait3A_215 : memref<1x1x4x256xf32, #tpu.memory_space<hbm>> -> memref<4x256xf32, #tpu.memory_space<hbm>>
          tpu.wait_dma2 semaphore(%arg24 : memref<!tpu.dma_semaphore, #tpu.memory_space<semaphore_mem>>) src(%arg16 : memref<4x256xf32, #tpu.memory_space<vmem>>) dst(%dma_wait3A_216 : memref<4x256xf32, #tpu.memory_space<hbm>>)
          %add3A_217 = arith.constant 1 : i32
          %add3A_218 = arith.addi %add3A_46, %add3A_217 : i32
          %dma_wait3A_219 = arith.constant 0 : i32
          %dma_wait3A_220 = arith.constant 0 : i32
          %dma_wait3A_221 = tpu.memref_slice %arg6[%select_n3A, %add3A_218, %dma_wait3A_219, %dma_wait3A_220] : memref<4x96x4x20000xf32, #tpu.memory_space<hbm>> -> memref<1x1x4x256xf32, #tpu.memory_space<hbm>>
          %dma_wait3A_222 = tpu.memref_squeeze %dma_wait3A_221 : memref<1x1x4x256xf32, #tpu.memory_space<hbm>> -> memref<4x256xf32, #tpu.memory_space<hbm>>
          %dma_wait3A_223 = arith.constant 0 : i32
          %dma_wait3A_224 = arith.constant 0 : i32
          %dma_wait3A_225 = tpu.memref_slice %arg6[%select_n3A, %add3A_218, %dma_wait3A_223, %dma_wait3A_224] : memref<4x96x4x20000xf32, #tpu.memory_space<hbm>> -> memref<1x1x4x256xf32, #tpu.memory_space<hbm>>
          %dma_wait3A_226 = tpu.memref_squeeze %dma_wait3A_225 : memref<1x1x4x256xf32, #tpu.memory_space<hbm>> -> memref<4x256xf32, #tpu.memory_space<hbm>>
          tpu.wait_dma2 semaphore(%arg24 : memref<!tpu.dma_semaphore, #tpu.memory_space<semaphore_mem>>) src(%arg18 : memref<4x256xf32, #tpu.memory_space<vmem>>) dst(%dma_wait3A_226 : memref<4x256xf32, #tpu.memory_space<hbm>>)
        } else {
        }
        %parallel_loop3A_183 = arith.constant 0 : i32
        %parallel_loop3A_184 = arith.constant 64 : i32
        %parallel_loop3A_185 = arith.constant 1 : i32
        scf.for %parallel_loop3A_209 = %parallel_loop3A_183 to %parallel_loop3A_184 step %parallel_loop3A_185  : i32 {
          %parallel_loop3A_210 = arith.constant 16 : i32
          %parallel_loop3A_211 = arith.muli %parallel_loop3A_209, %parallel_loop3A_210 : i32
          %parallel_loop3A_212 = arith.index_cast %parallel_loop3A_211 : i32 to index
          %parallel_loop3A_213 = tpu.vector_load %arg10[%parallel_loop3A_212] {strides = array<i32>} : memref<1024xi32, #tpu.memory_space<vmem>>, vector<16xi32>,
          %parallel_loop3A_214 = arith.index_cast %parallel_loop3A_211 : i32 to index
          %parallel_loop3A_215 = tpu.vector_load %arg12[%parallel_loop3A_214] {strides = array<i32>} : memref<1024xf32, #tpu.memory_space<vmem>>, vector<16xf32>,
          %parallel_loop3A_216 = arith.index_cast %parallel_loop3A_211 : i32 to index
          %parallel_loop3A_217 = tpu.vector_load %arg14[%parallel_loop3A_216] {strides = array<i32>} : memref<1024xf32, #tpu.memory_space<vmem>>, vector<16xf32>,
          %parallel_loop3A_218 = arith.constant 8 : i32
          %parallel_loop3A_219 = vector.broadcast %parallel_loop3A_218 : i32 to vector<16xi32>
          %parallel_loop3A_220 = arith.shrui %parallel_loop3A_213, %parallel_loop3A_219 : vector<16xi32>
          %parallel_loop3A_221 = arith.constant 255 : i32
          %parallel_loop3A_222 = vector.broadcast %parallel_loop3A_221 : i32 to vector<16xi32>
          %parallel_loop3A_223 = arith.andi %parallel_loop3A_213, %parallel_loop3A_222 : vector<16xi32>
          %parallel_loop3A_224 = arith.constant 1 : i32
          %parallel_loop3A_225 = vector.broadcast %parallel_loop3A_224 : i32 to vector<16xi32>
          %parallel_loop3A_226 = arith.addi %parallel_loop3A_220, %parallel_loop3A_225 : vector<16xi32>
          %parallel_loop3A_227 = arith.constant 1 : i32
          %parallel_loop3A_228 = vector.broadcast %parallel_loop3A_227 : i32 to vector<16xi32>
          %parallel_loop3A_229 = arith.addi %parallel_loop3A_223, %parallel_loop3A_228 : vector<16xi32>
          %parallel_loop3A_230 = arith.constant 1.000000e+00 : f32
          %parallel_loop3A_231 = vector.broadcast %parallel_loop3A_230 : f32 to vector<16xf32>
          %parallel_loop3A_232 = arith.subf %parallel_loop3A_231, %parallel_loop3A_215 : vector<16xf32>
          %parallel_loop3A_233 = arith.constant 1.000000e+00 : f32
          %parallel_loop3A_234 = vector.broadcast %parallel_loop3A_233 : f32 to vector<16xf32>
          %parallel_loop3A_235 = arith.subf %parallel_loop3A_234, %parallel_loop3A_217 : vector<16xf32>
          %parallel_loop3A_236 = arith.mulf %parallel_loop3A_232, %parallel_loop3A_235 : vector<16xf32>
          %parallel_loop3A_237 = arith.mulf %parallel_loop3A_215, %parallel_loop3A_235 : vector<16xf32>
          %parallel_loop3A_238 = arith.mulf %parallel_loop3A_232, %parallel_loop3A_217 : vector<16xf32>
          %parallel_loop3A_239 = arith.mulf %parallel_loop3A_215, %parallel_loop3A_217 : vector<16xf32>
          %parallel_loop3A_240 = arith.constant 4 : i32
          %parallel_loop3A_241 = arith.muli %parallel_loop3A_209, %parallel_loop3A_240 : i32
          %parallel_loop3A_242 = vector.broadcast %parallel_loop3A_241 : i32 to vector<16xi32>
          %parallel_loop3A_243 = arith.addi %shift_right_logical3A_37, %parallel_loop3A_242 : vector<16xi32>
          %parallel_loop3A_244 = tpu.vector_load_idx %arg7[%parallel_loop3A_220, %parallel_loop3A_223] : memref<224x224xf32, #tpu.memory_space<vmem>>[vector<16xi32>, vector<16xi32>], vector<16xf32>,
          %parallel_loop3A_245 = tpu.vector_load_idx %arg7[%parallel_loop3A_220, %parallel_loop3A_229] : memref<224x224xf32, #tpu.memory_space<vmem>>[vector<16xi32>, vector<16xi32>], vector<16xf32>,
          %parallel_loop3A_246 = tpu.vector_load_idx %arg7[%parallel_loop3A_226, %parallel_loop3A_223] : memref<224x224xf32, #tpu.memory_space<vmem>>[vector<16xi32>, vector<16xi32>], vector<16xf32>,
          %parallel_loop3A_247 = tpu.vector_load_idx %arg7[%parallel_loop3A_226, %parallel_loop3A_229] : memref<224x224xf32, #tpu.memory_space<vmem>>[vector<16xi32>, vector<16xi32>], vector<16xf32>,
          %parallel_loop3A_248 = arith.mulf %parallel_loop3A_244, %parallel_loop3A_236 : vector<16xf32>
          %parallel_loop3A_249 = arith.mulf %parallel_loop3A_245, %parallel_loop3A_237 : vector<16xf32>
          %parallel_loop3A_250 = arith.addf %parallel_loop3A_248, %parallel_loop3A_249 : vector<16xf32>
          %parallel_loop3A_251 = arith.mulf %parallel_loop3A_246, %parallel_loop3A_238 : vector<16xf32>
          %parallel_loop3A_252 = arith.addf %parallel_loop3A_250, %parallel_loop3A_251 : vector<16xf32>
          %parallel_loop3A_253 = arith.mulf %parallel_loop3A_247, %parallel_loop3A_239 : vector<16xf32>
          %parallel_loop3A_254 = arith.addf %parallel_loop3A_252, %parallel_loop3A_253 : vector<16xf32>
          tpu.vector_store_idx %arg16[%and3A_35, %parallel_loop3A_243], %parallel_loop3A_254 : memref<4x256xf32, #tpu.memory_space<vmem>>[vector<16xi32>, vector<16xi32>], vector<16xf32>,
          %parallel_loop3A_255 = tpu.vector_load_idx %arg8[%parallel_loop3A_220, %parallel_loop3A_223] : memref<224x224xf32, #tpu.memory_space<vmem>>[vector<16xi32>, vector<16xi32>], vector<16xf32>,
          %parallel_loop3A_256 = tpu.vector_load_idx %arg8[%parallel_loop3A_220, %parallel_loop3A_229] : memref<224x224xf32, #tpu.memory_space<vmem>>[vector<16xi32>, vector<16xi32>], vector<16xf32>,
          %parallel_loop3A_257 = tpu.vector_load_idx %arg8[%parallel_loop3A_226, %parallel_loop3A_223] : memref<224x224xf32, #tpu.memory_space<vmem>>[vector<16xi32>, vector<16xi32>], vector<16xf32>,
          %parallel_loop3A_258 = tpu.vector_load_idx %arg8[%parallel_loop3A_226, %parallel_loop3A_229] : memref<224x224xf32, #tpu.memory_space<vmem>>[vector<16xi32>, vector<16xi32>], vector<16xf32>,
          %parallel_loop3A_259 = arith.mulf %parallel_loop3A_255, %parallel_loop3A_236 : vector<16xf32>
          %parallel_loop3A_260 = arith.mulf %parallel_loop3A_256, %parallel_loop3A_237 : vector<16xf32>
          %parallel_loop3A_261 = arith.addf %parallel_loop3A_259, %parallel_loop3A_260 : vector<16xf32>
          %parallel_loop3A_262 = arith.mulf %parallel_loop3A_257, %parallel_loop3A_238 : vector<16xf32>
          %parallel_loop3A_263 = arith.addf %parallel_loop3A_261, %parallel_loop3A_262 : vector<16xf32>
          %parallel_loop3A_264 = arith.mulf %parallel_loop3A_258, %parallel_loop3A_239 : vector<16xf32>
          %parallel_loop3A_265 = arith.addf %parallel_loop3A_263, %parallel_loop3A_264 : vector<16xf32>
          tpu.vector_store_idx %arg18[%and3A_35, %parallel_loop3A_243], %parallel_loop3A_265 : memref<4x256xf32, #tpu.memory_space<vmem>>[vector<16xi32>, vector<16xi32>], vector<16xf32>,
        } {sc.loop_unroll_factor = 4 : i64, sc.parallel_access}
        %add3A_186 = arith.constant 2 : i32
        %add3A_187 = arith.addi %add3A_165, %add3A_186 : i32
        %lt3A_188 = arith.constant 78 : i32
        %lt3A_189 = arith.cmpi slt, %add3A_187, %lt3A_188 : i32
        %convert_element_type3A_190 = arith.extui %lt3A_189 : i1 to i32
        %cond3A_191 = arith.constant 0 : i32
        %cond3A_192 = arith.cmpi ne, %convert_element_type3A_190, %cond3A_191 : i32
        scf.if %cond3A_192 {
          %add3A_209 = arith.constant 2 : i32
          %add3A_210 = arith.addi %add3A_165, %add3A_209 : i32
          %mul3A_211 = arith.constant 80000 : i32
          %mul3A_212 = arith.muli %select_n3A, %mul3A_211 : i32
          %mul3A_213 = arith.constant 1024 : i32
          %mul3A_214 = arith.muli %add3A_210, %mul3A_213 : i32
          %add3A_215 = arith.addi %mul3A_212, %mul3A_214 : i32
          %dma_start3A_216 = tpu.memref_slice %arg3[%add3A_215] : memref<320000xi32, #tpu.memory_space<hbm>> -> memref<1024xi32, #tpu.memory_space<hbm>>
          %dma_start3A_217 = tpu.memref_slice %arg3[%add3A_215] : memref<320000xi32, #tpu.memory_space<hbm>> -> memref<1024xi32, #tpu.memory_space<hbm>>
          tpu.enqueue_dma source(%dma_start3A_217 : memref<1024xi32, #tpu.memory_space<hbm>>) target(%arg10 : memref<1024xi32, #tpu.memory_space<vmem>>) target_semaphore(%arg22 : memref<!tpu.dma_semaphore, #tpu.memory_space<semaphore_mem>>)
          %dma_start3A_218 = tpu.memref_slice %arg4[%add3A_215] : memref<320000xf32, #tpu.memory_space<hbm>> -> memref<1024xf32, #tpu.memory_space<hbm>>
          %dma_start3A_219 = tpu.memref_slice %arg4[%add3A_215] : memref<320000xf32, #tpu.memory_space<hbm>> -> memref<1024xf32, #tpu.memory_space<hbm>>
          tpu.enqueue_dma source(%dma_start3A_219 : memref<1024xf32, #tpu.memory_space<hbm>>) target(%arg12 : memref<1024xf32, #tpu.memory_space<vmem>>) target_semaphore(%arg22 : memref<!tpu.dma_semaphore, #tpu.memory_space<semaphore_mem>>)
          %dma_start3A_220 = tpu.memref_slice %arg5[%add3A_215] : memref<320000xf32, #tpu.memory_space<hbm>> -> memref<1024xf32, #tpu.memory_space<hbm>>
          %dma_start3A_221 = tpu.memref_slice %arg5[%add3A_215] : memref<320000xf32, #tpu.memory_space<hbm>> -> memref<1024xf32, #tpu.memory_space<hbm>>
          tpu.enqueue_dma source(%dma_start3A_221 : memref<1024xf32, #tpu.memory_space<hbm>>) target(%arg14 : memref<1024xf32, #tpu.memory_space<vmem>>) target_semaphore(%arg22 : memref<!tpu.dma_semaphore, #tpu.memory_space<semaphore_mem>>)
        } else {
        }
        %mul3A_193 = arith.constant 256 : i32
        %mul3A_194 = arith.muli %add3A_165, %mul3A_193 : i32
        %dma_start3A_195 = arith.constant 0 : i32
        %dma_start3A_196 = tpu.memref_slice %arg6[%select_n3A, %add3A_46, %dma_start3A_195, %mul3A_194] : memref<4x96x4x20000xf32, #tpu.memory_space<hbm>> -> memref<1x1x4x256xf32, #tpu.memory_space<hbm>>
        %dma_start3A_197 = tpu.memref_squeeze %dma_start3A_196 : memref<1x1x4x256xf32, #tpu.memory_space<hbm>> -> memref<4x256xf32, #tpu.memory_space<hbm>>
        %dma_start3A_198 = arith.constant 0 : i32
        %dma_start3A_199 = tpu.memref_slice %arg6[%select_n3A, %add3A_46, %dma_start3A_198, %mul3A_194] : memref<4x96x4x20000xf32, #tpu.memory_space<hbm>> -> memref<1x1x4x256xf32, #tpu.memory_space<hbm>>
        %dma_start3A_200 = tpu.memref_squeeze %dma_start3A_199 : memref<1x1x4x256xf32, #tpu.memory_space<hbm>> -> memref<4x256xf32, #tpu.memory_space<hbm>>
        tpu.enqueue_dma source(%arg16 : memref<4x256xf32, #tpu.memory_space<vmem>>) target(%dma_start3A_200 : memref<4x256xf32, #tpu.memory_space<hbm>>) target_semaphore(%arg24 : memref<!tpu.dma_semaphore, #tpu.memory_space<semaphore_mem>>)
        %add3A_201 = arith.constant 1 : i32
        %add3A_202 = arith.addi %add3A_46, %add3A_201 : i32
        %dma_start3A_203 = arith.constant 0 : i32
        %dma_start3A_204 = tpu.memref_slice %arg6[%select_n3A, %add3A_202, %dma_start3A_203, %mul3A_194] : memref<4x96x4x20000xf32, #tpu.memory_space<hbm>> -> memref<1x1x4x256xf32, #tpu.memory_space<hbm>>
        %dma_start3A_205 = tpu.memref_squeeze %dma_start3A_204 : memref<1x1x4x256xf32, #tpu.memory_space<hbm>> -> memref<4x256xf32, #tpu.memory_space<hbm>>
        %dma_start3A_206 = arith.constant 0 : i32
        %dma_start3A_207 = tpu.memref_slice %arg6[%select_n3A, %add3A_202, %dma_start3A_206, %mul3A_194] : memref<4x96x4x20000xf32, #tpu.memory_space<hbm>> -> memref<1x1x4x256xf32, #tpu.memory_space<hbm>>
        %dma_start3A_208 = tpu.memref_squeeze %dma_start3A_207 : memref<1x1x4x256xf32, #tpu.memory_space<hbm>> -> memref<4x256xf32, #tpu.memory_space<hbm>>
        tpu.enqueue_dma source(%arg18 : memref<4x256xf32, #tpu.memory_space<vmem>>) target(%dma_start3A_208 : memref<4x256xf32, #tpu.memory_space<hbm>>) target_semaphore(%arg24 : memref<!tpu.dma_semaphore, #tpu.memory_space<semaphore_mem>>)
      }
      %scan3A_73 = arith.constant 39 : i32
      %mul3A_74 = arith.constant 80000 : i32
      %mul3A_75 = arith.muli %select_n3A, %mul3A_74 : i32
      %add3A_76 = arith.constant 79872 : i32
      %add3A_77 = arith.addi %mul3A_75, %add3A_76 : i32
      "tpu.region"() ({
        %run_scoped3A = tpu.sem_alloc : memref<!tpu.dma_semaphore, #tpu.memory_space<semaphore_mem>>
        %dma_start3A_117 = arith.constant 0 : i32
        %dma_start3A_118 = tpu.memref_slice %arg9[%dma_start3A_117] : memref<1024xi32, #tpu.memory_space<vmem>> -> memref<128xi32, #tpu.memory_space<vmem>>
        %dma_start3A_119 = tpu.memref_slice %arg3[%add3A_77] : memref<320000xi32, #tpu.memory_space<hbm>> -> memref<128xi32, #tpu.memory_space<hbm>>
        %dma_start3A_120 = arith.constant 0 : i32
        %dma_start3A_121 = tpu.memref_slice %arg9[%dma_start3A_120] : memref<1024xi32, #tpu.memory_space<vmem>> -> memref<128xi32, #tpu.memory_space<vmem>>
        %dma_start3A_122 = tpu.memref_slice %arg3[%add3A_77] : memref<320000xi32, #tpu.memory_space<hbm>> -> memref<128xi32, #tpu.memory_space<hbm>>
        tpu.enqueue_dma source(%dma_start3A_122 : memref<128xi32, #tpu.memory_space<hbm>>) target(%dma_start3A_121 : memref<128xi32, #tpu.memory_space<vmem>>) target_semaphore(%run_scoped3A : memref<!tpu.dma_semaphore, #tpu.memory_space<semaphore_mem>>)
        %dma_wait3A_123 = arith.constant 0 : i32
        %dma_wait3A_124 = tpu.memref_slice %arg9[%dma_wait3A_123] : memref<1024xi32, #tpu.memory_space<vmem>> -> memref<128xi32, #tpu.memory_space<vmem>>
        %dma_wait3A_125 = tpu.memref_slice %arg3[%add3A_77] : memref<320000xi32, #tpu.memory_space<hbm>> -> memref<128xi32, #tpu.memory_space<hbm>>
        %dma_wait3A_126 = arith.constant 0 : i32
        %dma_wait3A_127 = tpu.memref_slice %arg9[%dma_wait3A_126] : memref<1024xi32, #tpu.memory_space<vmem>> -> memref<128xi32, #tpu.memory_space<vmem>>
        %dma_wait3A_128 = tpu.memref_slice %arg3[%add3A_77] : memref<320000xi32, #tpu.memory_space<hbm>> -> memref<128xi32, #tpu.memory_space<hbm>>
        tpu.wait_dma2 semaphore(%run_scoped3A : memref<!tpu.dma_semaphore, #tpu.memory_space<semaphore_mem>>) src(%dma_wait3A_128 : memref<128xi32, #tpu.memory_space<hbm>>) dst(%dma_wait3A_127 : memref<128xi32, #tpu.memory_space<vmem>>)
        tpu.yield
      }) : () -> ()
      "tpu.region"() ({
        %run_scoped3A = tpu.sem_alloc : memref<!tpu.dma_semaphore, #tpu.memory_space<semaphore_mem>>
        %dma_start3A_117 = arith.constant 0 : i32
        %dma_start3A_118 = tpu.memref_slice %arg11[%dma_start3A_117] : memref<1024xf32, #tpu.memory_space<vmem>> -> memref<128xf32, #tpu.memory_space<vmem>>
        %dma_start3A_119 = tpu.memref_slice %arg4[%add3A_77] : memref<320000xf32, #tpu.memory_space<hbm>> -> memref<128xf32, #tpu.memory_space<hbm>>
        %dma_start3A_120 = arith.constant 0 : i32
        %dma_start3A_121 = tpu.memref_slice %arg11[%dma_start3A_120] : memref<1024xf32, #tpu.memory_space<vmem>> -> memref<128xf32, #tpu.memory_space<vmem>>
        %dma_start3A_122 = tpu.memref_slice %arg4[%add3A_77] : memref<320000xf32, #tpu.memory_space<hbm>> -> memref<128xf32, #tpu.memory_space<hbm>>
        tpu.enqueue_dma source(%dma_start3A_122 : memref<128xf32, #tpu.memory_space<hbm>>) target(%dma_start3A_121 : memref<128xf32, #tpu.memory_space<vmem>>) target_semaphore(%run_scoped3A : memref<!tpu.dma_semaphore, #tpu.memory_space<semaphore_mem>>)
        %dma_wait3A_123 = arith.constant 0 : i32
        %dma_wait3A_124 = tpu.memref_slice %arg11[%dma_wait3A_123] : memref<1024xf32, #tpu.memory_space<vmem>> -> memref<128xf32, #tpu.memory_space<vmem>>
        %dma_wait3A_125 = tpu.memref_slice %arg4[%add3A_77] : memref<320000xf32, #tpu.memory_space<hbm>> -> memref<128xf32, #tpu.memory_space<hbm>>
        %dma_wait3A_126 = arith.constant 0 : i32
        %dma_wait3A_127 = tpu.memref_slice %arg11[%dma_wait3A_126] : memref<1024xf32, #tpu.memory_space<vmem>> -> memref<128xf32, #tpu.memory_space<vmem>>
        %dma_wait3A_128 = tpu.memref_slice %arg4[%add3A_77] : memref<320000xf32, #tpu.memory_space<hbm>> -> memref<128xf32, #tpu.memory_space<hbm>>
        tpu.wait_dma2 semaphore(%run_scoped3A : memref<!tpu.dma_semaphore, #tpu.memory_space<semaphore_mem>>) src(%dma_wait3A_128 : memref<128xf32, #tpu.memory_space<hbm>>) dst(%dma_wait3A_127 : memref<128xf32, #tpu.memory_space<vmem>>)
        tpu.yield
      }) : () -> ()
      "tpu.region"() ({
        %run_scoped3A = tpu.sem_alloc : memref<!tpu.dma_semaphore, #tpu.memory_space<semaphore_mem>>
        %dma_start3A_117 = arith.constant 0 : i32
        %dma_start3A_118 = tpu.memref_slice %arg13[%dma_start3A_117] : memref<1024xf32, #tpu.memory_space<vmem>> -> memref<128xf32, #tpu.memory_space<vmem>>
        %dma_start3A_119 = tpu.memref_slice %arg5[%add3A_77] : memref<320000xf32, #tpu.memory_space<hbm>> -> memref<128xf32, #tpu.memory_space<hbm>>
        %dma_start3A_120 = arith.constant 0 : i32
        %dma_start3A_121 = tpu.memref_slice %arg13[%dma_start3A_120] : memref<1024xf32, #tpu.memory_space<vmem>> -> memref<128xf32, #tpu.memory_space<vmem>>
        %dma_start3A_122 = tpu.memref_slice %arg5[%add3A_77] : memref<320000xf32, #tpu.memory_space<hbm>> -> memref<128xf32, #tpu.memory_space<hbm>>
        tpu.enqueue_dma source(%dma_start3A_122 : memref<128xf32, #tpu.memory_space<hbm>>) target(%dma_start3A_121 : memref<128xf32, #tpu.memory_space<vmem>>) target_semaphore(%run_scoped3A : memref<!tpu.dma_semaphore, #tpu.memory_space<semaphore_mem>>)
        %dma_wait3A_123 = arith.constant 0 : i32
        %dma_wait3A_124 = tpu.memref_slice %arg13[%dma_wait3A_123] : memref<1024xf32, #tpu.memory_space<vmem>> -> memref<128xf32, #tpu.memory_space<vmem>>
        %dma_wait3A_125 = tpu.memref_slice %arg5[%add3A_77] : memref<320000xf32, #tpu.memory_space<hbm>> -> memref<128xf32, #tpu.memory_space<hbm>>
        %dma_wait3A_126 = arith.constant 0 : i32
        %dma_wait3A_127 = tpu.memref_slice %arg13[%dma_wait3A_126] : memref<1024xf32, #tpu.memory_space<vmem>> -> memref<128xf32, #tpu.memory_space<vmem>>
        %dma_wait3A_128 = tpu.memref_slice %arg5[%add3A_77] : memref<320000xf32, #tpu.memory_space<hbm>> -> memref<128xf32, #tpu.memory_space<hbm>>
        tpu.wait_dma2 semaphore(%run_scoped3A : memref<!tpu.dma_semaphore, #tpu.memory_space<semaphore_mem>>) src(%dma_wait3A_128 : memref<128xf32, #tpu.memory_space<hbm>>) dst(%dma_wait3A_127 : memref<128xf32, #tpu.memory_space<vmem>>)
        tpu.yield
      }) : () -> ()
      %parallel_loop3A = arith.constant 0 : i32
      %parallel_loop3A_78 = arith.constant 8 : i32
      %parallel_loop3A_79 = arith.constant 1 : i32
      scf.for %parallel_loop3A_117 = %parallel_loop3A to %parallel_loop3A_78 step %parallel_loop3A_79  : i32 {
        %parallel_loop3A_118 = arith.constant 16 : i32
        %parallel_loop3A_119 = arith.muli %parallel_loop3A_117, %parallel_loop3A_118 : i32
        %parallel_loop3A_120 = arith.index_cast %parallel_loop3A_119 : i32 to index
        %parallel_loop3A_121 = tpu.vector_load %arg9[%parallel_loop3A_120] {strides = array<i32>} : memref<1024xi32, #tpu.memory_space<vmem>>, vector<16xi32>,
        %parallel_loop3A_122 = arith.index_cast %parallel_loop3A_119 : i32 to index
        %parallel_loop3A_123 = tpu.vector_load %arg11[%parallel_loop3A_122] {strides = array<i32>} : memref<1024xf32, #tpu.memory_space<vmem>>, vector<16xf32>,
        %parallel_loop3A_124 = arith.index_cast %parallel_loop3A_119 : i32 to index
        %parallel_loop3A_125 = tpu.vector_load %arg13[%parallel_loop3A_124] {strides = array<i32>} : memref<1024xf32, #tpu.memory_space<vmem>>, vector<16xf32>,
        %parallel_loop3A_126 = arith.constant 8 : i32
        %parallel_loop3A_127 = vector.broadcast %parallel_loop3A_126 : i32 to vector<16xi32>
        %parallel_loop3A_128 = arith.shrui %parallel_loop3A_121, %parallel_loop3A_127 : vector<16xi32>
        %parallel_loop3A_129 = arith.constant 255 : i32
        %parallel_loop3A_130 = vector.broadcast %parallel_loop3A_129 : i32 to vector<16xi32>
        %parallel_loop3A_131 = arith.andi %parallel_loop3A_121, %parallel_loop3A_130 : vector<16xi32>
        %parallel_loop3A_132 = arith.constant 1 : i32
        %parallel_loop3A_133 = vector.broadcast %parallel_loop3A_132 : i32 to vector<16xi32>
        %parallel_loop3A_134 = arith.addi %parallel_loop3A_128, %parallel_loop3A_133 : vector<16xi32>
        %parallel_loop3A_135 = arith.constant 1 : i32
        %parallel_loop3A_136 = vector.broadcast %parallel_loop3A_135 : i32 to vector<16xi32>
        %parallel_loop3A_137 = arith.addi %parallel_loop3A_131, %parallel_loop3A_136 : vector<16xi32>
        %parallel_loop3A_138 = arith.constant 1.000000e+00 : f32
        %parallel_loop3A_139 = vector.broadcast %parallel_loop3A_138 : f32 to vector<16xf32>
        %parallel_loop3A_140 = arith.subf %parallel_loop3A_139, %parallel_loop3A_123 : vector<16xf32>
        %parallel_loop3A_141 = arith.constant 1.000000e+00 : f32
        %parallel_loop3A_142 = vector.broadcast %parallel_loop3A_141 : f32 to vector<16xf32>
        %parallel_loop3A_143 = arith.subf %parallel_loop3A_142, %parallel_loop3A_125 : vector<16xf32>
        %parallel_loop3A_144 = arith.mulf %parallel_loop3A_140, %parallel_loop3A_143 : vector<16xf32>
        %parallel_loop3A_145 = arith.mulf %parallel_loop3A_123, %parallel_loop3A_143 : vector<16xf32>
        %parallel_loop3A_146 = arith.mulf %parallel_loop3A_140, %parallel_loop3A_125 : vector<16xf32>
        %parallel_loop3A_147 = arith.mulf %parallel_loop3A_123, %parallel_loop3A_125 : vector<16xf32>
        %parallel_loop3A_148 = arith.constant 4 : i32
        %parallel_loop3A_149 = arith.muli %parallel_loop3A_117, %parallel_loop3A_148 : i32
        %parallel_loop3A_150 = vector.broadcast %parallel_loop3A_149 : i32 to vector<16xi32>
        %parallel_loop3A_151 = arith.addi %shift_right_logical3A_37, %parallel_loop3A_150 : vector<16xi32>
        %parallel_loop3A_152 = tpu.vector_load_idx %arg7[%parallel_loop3A_128, %parallel_loop3A_131] : memref<224x224xf32, #tpu.memory_space<vmem>>[vector<16xi32>, vector<16xi32>], vector<16xf32>,
        %parallel_loop3A_153 = tpu.vector_load_idx %arg7[%parallel_loop3A_128, %parallel_loop3A_137] : memref<224x224xf32, #tpu.memory_space<vmem>>[vector<16xi32>, vector<16xi32>], vector<16xf32>,
        %parallel_loop3A_154 = tpu.vector_load_idx %arg7[%parallel_loop3A_134, %parallel_loop3A_131] : memref<224x224xf32, #tpu.memory_space<vmem>>[vector<16xi32>, vector<16xi32>], vector<16xf32>,
        %parallel_loop3A_155 = tpu.vector_load_idx %arg7[%parallel_loop3A_134, %parallel_loop3A_137] : memref<224x224xf32, #tpu.memory_space<vmem>>[vector<16xi32>, vector<16xi32>], vector<16xf32>,
        %parallel_loop3A_156 = arith.mulf %parallel_loop3A_152, %parallel_loop3A_144 : vector<16xf32>
        %parallel_loop3A_157 = arith.mulf %parallel_loop3A_153, %parallel_loop3A_145 : vector<16xf32>
        %parallel_loop3A_158 = arith.addf %parallel_loop3A_156, %parallel_loop3A_157 : vector<16xf32>
        %parallel_loop3A_159 = arith.mulf %parallel_loop3A_154, %parallel_loop3A_146 : vector<16xf32>
        %parallel_loop3A_160 = arith.addf %parallel_loop3A_158, %parallel_loop3A_159 : vector<16xf32>
        %parallel_loop3A_161 = arith.mulf %parallel_loop3A_155, %parallel_loop3A_147 : vector<16xf32>
        %parallel_loop3A_162 = arith.addf %parallel_loop3A_160, %parallel_loop3A_161 : vector<16xf32>
        tpu.vector_store_idx %arg19[%and3A_35, %parallel_loop3A_151], %parallel_loop3A_162 : memref<4x32xf32, #tpu.memory_space<vmem>>[vector<16xi32>, vector<16xi32>], vector<16xf32>,
        %parallel_loop3A_163 = tpu.vector_load_idx %arg8[%parallel_loop3A_128, %parallel_loop3A_131] : memref<224x224xf32, #tpu.memory_space<vmem>>[vector<16xi32>, vector<16xi32>], vector<16xf32>,
        %parallel_loop3A_164 = tpu.vector_load_idx %arg8[%parallel_loop3A_128, %parallel_loop3A_137] : memref<224x224xf32, #tpu.memory_space<vmem>>[vector<16xi32>, vector<16xi32>], vector<16xf32>,
        %parallel_loop3A_165 = tpu.vector_load_idx %arg8[%parallel_loop3A_134, %parallel_loop3A_131] : memref<224x224xf32, #tpu.memory_space<vmem>>[vector<16xi32>, vector<16xi32>], vector<16xf32>,
        %parallel_loop3A_166 = tpu.vector_load_idx %arg8[%parallel_loop3A_134, %parallel_loop3A_137] : memref<224x224xf32, #tpu.memory_space<vmem>>[vector<16xi32>, vector<16xi32>], vector<16xf32>,
        %parallel_loop3A_167 = arith.mulf %parallel_loop3A_163, %parallel_loop3A_144 : vector<16xf32>
        %parallel_loop3A_168 = arith.mulf %parallel_loop3A_164, %parallel_loop3A_145 : vector<16xf32>
        %parallel_loop3A_169 = arith.addf %parallel_loop3A_167, %parallel_loop3A_168 : vector<16xf32>
        %parallel_loop3A_170 = arith.mulf %parallel_loop3A_165, %parallel_loop3A_146 : vector<16xf32>
        %parallel_loop3A_171 = arith.addf %parallel_loop3A_169, %parallel_loop3A_170 : vector<16xf32>
        %parallel_loop3A_172 = arith.mulf %parallel_loop3A_166, %parallel_loop3A_147 : vector<16xf32>
        %parallel_loop3A_173 = arith.addf %parallel_loop3A_171, %parallel_loop3A_172 : vector<16xf32>
        tpu.vector_store_idx %arg20[%and3A_35, %parallel_loop3A_151], %parallel_loop3A_173 : memref<4x32xf32, #tpu.memory_space<vmem>>[vector<16xi32>, vector<16xi32>], vector<16xf32>,
      } {sc.loop_unroll_factor = 4 : i64, sc.parallel_access}
      "tpu.region"() ({
        %run_scoped3A = tpu.sem_alloc : memref<!tpu.dma_semaphore, #tpu.memory_space<semaphore_mem>>
        %dma_start3A_117 = arith.constant 0 : i32
        %dma_start3A_118 = arith.constant 19968 : i32
        %dma_start3A_119 = tpu.memref_slice %arg6[%select_n3A, %add3A_46, %dma_start3A_117, %dma_start3A_118] : memref<4x96x4x20000xf32, #tpu.memory_space<hbm>> -> memref<1x1x4x32xf32, #tpu.memory_space<hbm>>
        %dma_start3A_120 = tpu.memref_squeeze %dma_start3A_119 : memref<1x1x4x32xf32, #tpu.memory_space<hbm>> -> memref<4x32xf32, #tpu.memory_space<hbm>>
        %dma_start3A_121 = arith.constant 0 : i32
        %dma_start3A_122 = arith.constant 19968 : i32
        %dma_start3A_123 = tpu.memref_slice %arg6[%select_n3A, %add3A_46, %dma_start3A_121, %dma_start3A_122] : memref<4x96x4x20000xf32, #tpu.memory_space<hbm>> -> memref<1x1x4x32xf32, #tpu.memory_space<hbm>>
        %dma_start3A_124 = tpu.memref_squeeze %dma_start3A_123 : memref<1x1x4x32xf32, #tpu.memory_space<hbm>> -> memref<4x32xf32, #tpu.memory_space<hbm>>
        tpu.enqueue_dma source(%arg19 : memref<4x32xf32, #tpu.memory_space<vmem>>) target(%dma_start3A_124 : memref<4x32xf32, #tpu.memory_space<hbm>>) target_semaphore(%run_scoped3A : memref<!tpu.dma_semaphore, #tpu.memory_space<semaphore_mem>>)
        %dma_wait3A_125 = arith.constant 0 : i32
        %dma_wait3A_126 = arith.constant 19968 : i32
        %dma_wait3A_127 = tpu.memref_slice %arg6[%select_n3A, %add3A_46, %dma_wait3A_125, %dma_wait3A_126] : memref<4x96x4x20000xf32, #tpu.memory_space<hbm>> -> memref<1x1x4x32xf32, #tpu.memory_space<hbm>>
        %dma_wait3A_128 = tpu.memref_squeeze %dma_wait3A_127 : memref<1x1x4x32xf32, #tpu.memory_space<hbm>> -> memref<4x32xf32, #tpu.memory_space<hbm>>
        %dma_wait3A_129 = arith.constant 0 : i32
        %dma_wait3A_130 = arith.constant 19968 : i32
        %dma_wait3A_131 = tpu.memref_slice %arg6[%select_n3A, %add3A_46, %dma_wait3A_129, %dma_wait3A_130] : memref<4x96x4x20000xf32, #tpu.memory_space<hbm>> -> memref<1x1x4x32xf32, #tpu.memory_space<hbm>>
        %dma_wait3A_132 = tpu.memref_squeeze %dma_wait3A_131 : memref<1x1x4x32xf32, #tpu.memory_space<hbm>> -> memref<4x32xf32, #tpu.memory_space<hbm>>
        tpu.wait_dma2 semaphore(%run_scoped3A : memref<!tpu.dma_semaphore, #tpu.memory_space<semaphore_mem>>) src(%arg19 : memref<4x32xf32, #tpu.memory_space<vmem>>) dst(%dma_wait3A_132 : memref<4x32xf32, #tpu.memory_space<hbm>>)
        tpu.yield
      }) : () -> ()
      %add3A_80 = arith.constant 1 : i32
      %add3A_81 = arith.addi %add3A_46, %add3A_80 : i32
      "tpu.region"() ({
        %run_scoped3A = tpu.sem_alloc : memref<!tpu.dma_semaphore, #tpu.memory_space<semaphore_mem>>
        %dma_start3A_117 = arith.constant 0 : i32
        %dma_start3A_118 = arith.constant 19968 : i32
        %dma_start3A_119 = tpu.memref_slice %arg6[%select_n3A, %add3A_81, %dma_start3A_117, %dma_start3A_118] : memref<4x96x4x20000xf32, #tpu.memory_space<hbm>> -> memref<1x1x4x32xf32, #tpu.memory_space<hbm>>
        %dma_start3A_120 = tpu.memref_squeeze %dma_start3A_119 : memref<1x1x4x32xf32, #tpu.memory_space<hbm>> -> memref<4x32xf32, #tpu.memory_space<hbm>>
        %dma_start3A_121 = arith.constant 0 : i32
        %dma_start3A_122 = arith.constant 19968 : i32
        %dma_start3A_123 = tpu.memref_slice %arg6[%select_n3A, %add3A_81, %dma_start3A_121, %dma_start3A_122] : memref<4x96x4x20000xf32, #tpu.memory_space<hbm>> -> memref<1x1x4x32xf32, #tpu.memory_space<hbm>>
        %dma_start3A_124 = tpu.memref_squeeze %dma_start3A_123 : memref<1x1x4x32xf32, #tpu.memory_space<hbm>> -> memref<4x32xf32, #tpu.memory_space<hbm>>
        tpu.enqueue_dma source(%arg20 : memref<4x32xf32, #tpu.memory_space<vmem>>) target(%dma_start3A_124 : memref<4x32xf32, #tpu.memory_space<hbm>>) target_semaphore(%run_scoped3A : memref<!tpu.dma_semaphore, #tpu.memory_space<semaphore_mem>>)
        %dma_wait3A_125 = arith.constant 0 : i32
        %dma_wait3A_126 = arith.constant 19968 : i32
        %dma_wait3A_127 = tpu.memref_slice %arg6[%select_n3A, %add3A_81, %dma_wait3A_125, %dma_wait3A_126] : memref<4x96x4x20000xf32, #tpu.memory_space<hbm>> -> memref<1x1x4x32xf32, #tpu.memory_space<hbm>>
        %dma_wait3A_128 = tpu.memref_squeeze %dma_wait3A_127 : memref<1x1x4x32xf32, #tpu.memory_space<hbm>> -> memref<4x32xf32, #tpu.memory_space<hbm>>
        %dma_wait3A_129 = arith.constant 0 : i32
        %dma_wait3A_130 = arith.constant 19968 : i32
        %dma_wait3A_131 = tpu.memref_slice %arg6[%select_n3A, %add3A_81, %dma_wait3A_129, %dma_wait3A_130] : memref<4x96x4x20000xf32, #tpu.memory_space<hbm>> -> memref<1x1x4x32xf32, #tpu.memory_space<hbm>>
        %dma_wait3A_132 = tpu.memref_squeeze %dma_wait3A_131 : memref<1x1x4x32xf32, #tpu.memory_space<hbm>> -> memref<4x32xf32, #tpu.memory_space<hbm>>
        tpu.wait_dma2 semaphore(%run_scoped3A : memref<!tpu.dma_semaphore, #tpu.memory_space<semaphore_mem>>) src(%arg20 : memref<4x32xf32, #tpu.memory_space<vmem>>) dst(%dma_wait3A_132 : memref<4x32xf32, #tpu.memory_space<hbm>>)
        tpu.yield
      }) : () -> ()
      %dma_wait3A = arith.constant 0 : i32
      %dma_wait3A_82 = arith.constant 0 : i32
      %dma_wait3A_83 = tpu.memref_slice %arg6[%select_n3A, %add3A_46, %dma_wait3A, %dma_wait3A_82] : memref<4x96x4x20000xf32, #tpu.memory_space<hbm>> -> memref<1x1x4x256xf32, #tpu.memory_space<hbm>>
      %dma_wait3A_84 = tpu.memref_squeeze %dma_wait3A_83 : memref<1x1x4x256xf32, #tpu.memory_space<hbm>> -> memref<4x256xf32, #tpu.memory_space<hbm>>
      %dma_wait3A_85 = arith.constant 0 : i32
      %dma_wait3A_86 = arith.constant 0 : i32
      %dma_wait3A_87 = tpu.memref_slice %arg6[%select_n3A, %add3A_46, %dma_wait3A_85, %dma_wait3A_86] : memref<4x96x4x20000xf32, #tpu.memory_space<hbm>> -> memref<1x1x4x256xf32, #tpu.memory_space<hbm>>
      %dma_wait3A_88 = tpu.memref_squeeze %dma_wait3A_87 : memref<1x1x4x256xf32, #tpu.memory_space<hbm>> -> memref<4x256xf32, #tpu.memory_space<hbm>>
      tpu.wait_dma2 semaphore(%arg23 : memref<!tpu.dma_semaphore, #tpu.memory_space<semaphore_mem>>) src(%arg15 : memref<4x256xf32, #tpu.memory_space<vmem>>) dst(%dma_wait3A_88 : memref<4x256xf32, #tpu.memory_space<hbm>>)
      %add3A_89 = arith.constant 1 : i32
      %add3A_90 = arith.addi %add3A_46, %add3A_89 : i32
      %dma_wait3A_91 = arith.constant 0 : i32
      %dma_wait3A_92 = arith.constant 0 : i32
      %dma_wait3A_93 = tpu.memref_slice %arg6[%select_n3A, %add3A_90, %dma_wait3A_91, %dma_wait3A_92] : memref<4x96x4x20000xf32, #tpu.memory_space<hbm>> -> memref<1x1x4x256xf32, #tpu.memory_space<hbm>>
      %dma_wait3A_94 = tpu.memref_squeeze %dma_wait3A_93 : memref<1x1x4x256xf32, #tpu.memory_space<hbm>> -> memref<4x256xf32, #tpu.memory_space<hbm>>
      %dma_wait3A_95 = arith.constant 0 : i32
      %dma_wait3A_96 = arith.constant 0 : i32
      %dma_wait3A_97 = tpu.memref_slice %arg6[%select_n3A, %add3A_90, %dma_wait3A_95, %dma_wait3A_96] : memref<4x96x4x20000xf32, #tpu.memory_space<hbm>> -> memref<1x1x4x256xf32, #tpu.memory_space<hbm>>
      %dma_wait3A_98 = tpu.memref_squeeze %dma_wait3A_97 : memref<1x1x4x256xf32, #tpu.memory_space<hbm>> -> memref<4x256xf32, #tpu.memory_space<hbm>>
      tpu.wait_dma2 semaphore(%arg23 : memref<!tpu.dma_semaphore, #tpu.memory_space<semaphore_mem>>) src(%arg17 : memref<4x256xf32, #tpu.memory_space<vmem>>) dst(%dma_wait3A_98 : memref<4x256xf32, #tpu.memory_space<hbm>>)
      %dma_wait3A_99 = arith.constant 0 : i32
      %dma_wait3A_100 = arith.constant 0 : i32
      %dma_wait3A_101 = tpu.memref_slice %arg6[%select_n3A, %add3A_46, %dma_wait3A_99, %dma_wait3A_100] : memref<4x96x4x20000xf32, #tpu.memory_space<hbm>> -> memref<1x1x4x256xf32, #tpu.memory_space<hbm>>
      %dma_wait3A_102 = tpu.memref_squeeze %dma_wait3A_101 : memref<1x1x4x256xf32, #tpu.memory_space<hbm>> -> memref<4x256xf32, #tpu.memory_space<hbm>>
      %dma_wait3A_103 = arith.constant 0 : i32
      %dma_wait3A_104 = arith.constant 0 : i32
      %dma_wait3A_105 = tpu.memref_slice %arg6[%select_n3A, %add3A_46, %dma_wait3A_103, %dma_wait3A_104] : memref<4x96x4x20000xf32, #tpu.memory_space<hbm>> -> memref<1x1x4x256xf32, #tpu.memory_space<hbm>>
      %dma_wait3A_106 = tpu.memref_squeeze %dma_wait3A_105 : memref<1x1x4x256xf32, #tpu.memory_space<hbm>> -> memref<4x256xf32, #tpu.memory_space<hbm>>
      tpu.wait_dma2 semaphore(%arg24 : memref<!tpu.dma_semaphore, #tpu.memory_space<semaphore_mem>>) src(%arg16 : memref<4x256xf32, #tpu.memory_space<vmem>>) dst(%dma_wait3A_106 : memref<4x256xf32, #tpu.memory_space<hbm>>)
      %add3A_107 = arith.constant 1 : i32
      %add3A_108 = arith.addi %add3A_46, %add3A_107 : i32
      %dma_wait3A_109 = arith.constant 0 : i32
      %dma_wait3A_110 = arith.constant 0 : i32
      %dma_wait3A_111 = tpu.memref_slice %arg6[%select_n3A, %add3A_108, %dma_wait3A_109, %dma_wait3A_110] : memref<4x96x4x20000xf32, #tpu.memory_space<hbm>> -> memref<1x1x4x256xf32, #tpu.memory_space<hbm>>
      %dma_wait3A_112 = tpu.memref_squeeze %dma_wait3A_111 : memref<1x1x4x256xf32, #tpu.memory_space<hbm>> -> memref<4x256xf32, #tpu.memory_space<hbm>>
      %dma_wait3A_113 = arith.constant 0 : i32
      %dma_wait3A_114 = arith.constant 0 : i32
      %dma_wait3A_115 = tpu.memref_slice %arg6[%select_n3A, %add3A_108, %dma_wait3A_113, %dma_wait3A_114] : memref<4x96x4x20000xf32, #tpu.memory_space<hbm>> -> memref<1x1x4x256xf32, #tpu.memory_space<hbm>>
      %dma_wait3A_116 = tpu.memref_squeeze %dma_wait3A_115 : memref<1x1x4x256xf32, #tpu.memory_space<hbm>> -> memref<4x256xf32, #tpu.memory_space<hbm>>
      tpu.wait_dma2 semaphore(%arg24 : memref<!tpu.dma_semaphore, #tpu.memory_space<semaphore_mem>>) src(%arg18 : memref<4x256xf32, #tpu.memory_space<vmem>>) dst(%dma_wait3A_116 : memref<4x256xf32, #tpu.memory_space<hbm>>)
    }
    %scan3A_42 = arith.constant 6 : i32
    return
  }
}

module attributes {stable_mosaic.version = 14 : i64} {
  func.func @_coef_body(%arg0: memref<320000xf32, #tpu.memory_space<vmem>>, %arg1: memref<320000xf32, #tpu.memory_space<vmem>>, %arg2: memref<320000xi32, #tpu.memory_space<vmem>>, %arg3: memref<320000xf32, #tpu.memory_space<vmem>>, %arg4: memref<320000xf32, #tpu.memory_space<vmem>>) attributes {dimension_semantics = [], scalar_prefetch = 0 : i64, scratch_operands = 0 : i64, tpu.core_type = #tpu.core_type<tc>} {
    %get3A = arith.constant 0 : index
    %get3A_0 = vector.load %arg0[%get3A] : memref<320000xf32, #tpu.memory_space<vmem>>, vector<320000xf32>
    %get3A_1 = arith.constant 0 : index
    %get3A_2 = vector.load %arg1[%get3A_1] : memref<320000xf32, #tpu.memory_space<vmem>>, vector<320000xf32>
    %mul3A = arith.constant 2.000000e+00 : f32
    %mul3A_3 = vector.broadcast %mul3A : f32 to vector<320000xf32>
    %mul3A_4 = arith.mulf %mul3A_3, %get3A_0 : vector<320000xf32>
    %mul3A_5 = arith.constant 2.230000e+02 : f32
    %mul3A_6 = vector.broadcast %mul3A_5 : f32 to vector<320000xf32>
    %mul3A_7 = arith.mulf %mul3A_4, %mul3A_6 : vector<320000xf32>
    %div3A = arith.constant 2.230000e+02 : f32
    %div3A_8 = vector.broadcast %div3A : f32 to vector<320000xf32>
    %div3A_9 = arith.divf %mul3A_7, %div3A_8 : vector<320000xf32>
    %sub3A = arith.constant 1.000000e+00 : f32
    %sub3A_10 = vector.broadcast %sub3A : f32 to vector<320000xf32>
    %sub3A_11 = arith.subf %div3A_9, %sub3A_10 : vector<320000xf32>
    %mul3A_12 = arith.constant 2.000000e+00 : f32
    %mul3A_13 = vector.broadcast %mul3A_12 : f32 to vector<320000xf32>
    %mul3A_14 = arith.mulf %mul3A_13, %get3A_2 : vector<320000xf32>
    %mul3A_15 = arith.constant 2.230000e+02 : f32
    %mul3A_16 = vector.broadcast %mul3A_15 : f32 to vector<320000xf32>
    %mul3A_17 = arith.mulf %mul3A_14, %mul3A_16 : vector<320000xf32>
    %div3A_18 = arith.constant 2.230000e+02 : f32
    %div3A_19 = vector.broadcast %div3A_18 : f32 to vector<320000xf32>
    %div3A_20 = arith.divf %mul3A_17, %div3A_19 : vector<320000xf32>
    %sub3A_21 = arith.constant 1.000000e+00 : f32
    %sub3A_22 = vector.broadcast %sub3A_21 : f32 to vector<320000xf32>
    %sub3A_23 = arith.subf %div3A_20, %sub3A_22 : vector<320000xf32>
    %add3A = arith.constant 1.000000e+00 : f32
    %add3A_24 = vector.broadcast %add3A : f32 to vector<320000xf32>
    %add3A_25 = arith.addf %sub3A_11, %add3A_24 : vector<320000xf32>
    %mul3A_26 = arith.constant 5.000000e-01 : f32
    %mul3A_27 = vector.broadcast %mul3A_26 : f32 to vector<320000xf32>
    %mul3A_28 = arith.mulf %add3A_25, %mul3A_27 : vector<320000xf32>
    %mul3A_29 = arith.constant 2.230000e+02 : f32
    %mul3A_30 = vector.broadcast %mul3A_29 : f32 to vector<320000xf32>
    %mul3A_31 = arith.mulf %mul3A_28, %mul3A_30 : vector<320000xf32>
    %add3A_32 = arith.constant 1.000000e+00 : f32
    %add3A_33 = vector.broadcast %add3A_32 : f32 to vector<320000xf32>
    %add3A_34 = arith.addf %sub3A_23, %add3A_33 : vector<320000xf32>
    %mul3A_35 = arith.constant 5.000000e-01 : f32
    %mul3A_36 = vector.broadcast %mul3A_35 : f32 to vector<320000xf32>
    %mul3A_37 = arith.mulf %add3A_34, %mul3A_36 : vector<320000xf32>
    %mul3A_38 = arith.constant 2.230000e+02 : f32
    %mul3A_39 = vector.broadcast %mul3A_38 : f32 to vector<320000xf32>
    %mul3A_40 = arith.mulf %mul3A_37, %mul3A_39 : vector<320000xf32>
    %floor3A = math.floor %mul3A_31 : vector<320000xf32>
    %floor3A_41 = math.floor %mul3A_40 : vector<320000xf32>
    %sub3A_42 = arith.subf %mul3A_31, %floor3A : vector<320000xf32>
    %swap3A = arith.constant 0 : index
    %swap3A_43 = vector.load %arg3[%swap3A] : memref<320000xf32, #tpu.memory_space<vmem>>, vector<320000xf32>
    tpu.vector_store %arg3[%swap3A], %sub3A_42 {strides = array<i32>} : memref<320000xf32, #tpu.memory_space<vmem>>, vector<320000xf32>,
    %sub3A_44 = arith.subf %mul3A_40, %floor3A_41 : vector<320000xf32>
    %swap3A_45 = arith.constant 0 : index
    %swap3A_46 = vector.load %arg4[%swap3A_45] : memref<320000xf32, #tpu.memory_space<vmem>>, vector<320000xf32>
    tpu.vector_store %arg4[%swap3A_45], %sub3A_44 {strides = array<i32>} : memref<320000xf32, #tpu.memory_space<vmem>>, vector<320000xf32>,
    %convert_element_type3A = arith.fptosi %floor3A : vector<320000xf32> to vector<320000xi32>
    %jit3A = arith.constant 0 : i32
    %jit3A_47 = arith.constant 222 : i32
    %max3A = vector.broadcast %jit3A : i32 to vector<320000xi32>
    %max3A_48 = arith.maxsi %max3A, %convert_element_type3A : vector<320000xi32>
    %min3A = vector.broadcast %jit3A_47 : i32 to vector<320000xi32>
    %min3A_49 = arith.minsi %min3A, %max3A_48 : vector<320000xi32>
    %convert_element_type3A_50 = arith.fptosi %floor3A_41 : vector<320000xf32> to vector<320000xi32>
    %jit3A_51 = arith.constant 0 : i32
    %jit3A_52 = arith.constant 222 : i32
    %max3A_53 = vector.broadcast %jit3A_51 : i32 to vector<320000xi32>
    %max3A_54 = arith.maxsi %max3A_53, %convert_element_type3A_50 : vector<320000xi32>
    %min3A_55 = vector.broadcast %jit3A_52 : i32 to vector<320000xi32>
    %min3A_56 = arith.minsi %min3A_55, %max3A_54 : vector<320000xi32>
    %mul3A_57 = arith.constant 256 : i32
    %mul3A_58 = vector.broadcast %mul3A_57 : i32 to vector<320000xi32>
    %mul3A_59 = arith.muli %min3A_56, %mul3A_58 : vector<320000xi32>
    %add3A_60 = arith.addi %mul3A_59, %min3A_49 : vector<320000xi32>
    %swap3A_61 = arith.constant 0 : index
    %swap3A_62 = vector.load %arg2[%swap3A_61] : memref<320000xi32, #tpu.memory_space<vmem>>, vector<320000xi32>
    tpu.vector_store %arg2[%swap3A_61], %add3A_60 {strides = array<i32>} : memref<320000xi32, #tpu.memory_space<vmem>>, vector<320000xi32>,
    return
  }
}

</mosaic_0001>

<sc_bundles>
// kernel: kernel.4.cloned.1.call-start
scs
__scs_entry_jumppad:
0x0: {  	(pc) =	sbr.rel $0x88, $3  }
0x1: {  	(tag) =	ssettag $0x0;
	lr =	simm.s32 $0x1  }
0x2: {  	[smem:$0x3F9F] =	sst lr;
	_ =	strace $0xD0000000  }
0x3: {  	_ = 	snop  }
0x4: {  	_ = 	snop  }
0x5: {  	_ = 	snop  }
0x6: {  	_ = 	snop  }
0x7: {  	_ = 	snop  }
__scs_overlays_trampoline_lowered:
0x8: {  	[smem:$0x3FAE] =	sst s0  }
0x9: {  	[smem:$0x3FAF] =	sst s1  }
0xa: {  	[smem:$0x3FB0] =	sst s2  }
0xb: {  	[smem:$0x3FB1] =	sst s3  }
0xc: {  	[smem:$0x3FB2] =	sst s4  }
0xd: {  	[smem:$0x3FB3] =	sst s5  }
0xe: {  	[smem:$0x3FB4] =	sst s6  }
0xf: {  	[smem:$0x3FB5] =	sst s7  }
0x10: {  	[smem:$0x3FB6] =	sst s8  }
0x11: {  	[smem:$0x3FB7] =	sst s9;
	s0 =	simm.s32 @!p0 $0x0  }
0x12: {  	s1 =	sld [smem:$0x3F9D];
	s0 =	simm.s32 @p0 $0x1  }
0x13: {  	[smem:$0x3FB8] =	sst s0;
	s0 =	simm.s32 @!p1 $0x0  }
0x14: {  	s2 =	sld [smem:$0x3F9C];
	s0 =	simm.s32 @p1 $0x1  }
0x15: {  	[smem:$0x3FB9] =	sst s0;
	s0 =	simm.s32 @!p2 $0x0  }
0x16: {  	s3 =	sld [smem:$0x3FDB];
	s0 =	simm.s32 @p2 $0x1  }
0x17: {  	s4 =	simm.s32 $0x1BF5;
	[smem:$0x3FBB] =	sst s0  }
0x18: {  	s0 =	sld [smem:$0x3F9E];
	_ =	swait.ge [sflag:s4], $0x0  }
0x19: {  	s7 =	sld [smem:$0x3F9F]  }
0x1a: {  	s8 =	sadd.s32 $0xFFFFE003, lr  }
0x1b: {  	s9 =	sadd.s32 $0xFFFFFEF7, lr;
	s5 =	simm.s32 $0xFFFFFFFF;
	p2 =	slt.u32 s8, $0xFFFFF086  }
0x1c: {  	p1 =	slt.u32 s9, $0xF7A;
	s5 =	simm.s32 @!p2 $0x0  }
0x1d: {  	s5 =	simm.s32 @p1 $0x1;
	p0 =	seq.s32 s7, s2  }
0x1e: {  	s7 =	smul.u32 @!p0 $0xF7A, s2;
	p2 =	seq.s32 @!p0 s5, $0x0  }
0x1f: {  	s9 =	smul.u32 $0xF7A, s1;
	s8 =	simm.s32 @!p0 $0x1BF5;
	p2 =	por !p2, p0  }
0x20: {  	[sflag:s8] =	ssyncset.s32 @!p0 $0xFFFFF086;
	s6 =	sadd.s32 @!p0 s3, s7;
	s7 =	simm.s32 @!p0 $0x108  }
0x21: {  	s3 =	sadd.s32 s3, s9;
	s6 =	sadd.s32 @!p0 $0x88, s6;
	s7 =	simm.s32 @p2 $0x1082  }
0x22: {  	[simem:s7], [sflag:s8] =	dma.local @!p0 [hbm:s6], $0xF7A  }
0x23: {  	s9 =	sor.u32 $0xD0000000, s2;
	s6 =	simm.s32 $0x108;
	_ =	swait.ge @!p0 [sflag:s8], $0x0  }
0x24: {  	s3 =	sadd.s32 $0x88, s3;
	s6 =	simm.s32 @!p1 $0x1082;
	[sflag:s4] =	ssyncset.s32 $0xFFFFF086  }
0x25: {  	[simem:s6], [sflag:s4] =	dma.local [hbm:s3], $0xF7A  }
0x26: {  	[smem:$0x3F9F] =	sst s1;
	(tag) =	ssettag s2;
	_ =	strace s9  }
0x27: {  	s1 =	sld [smem:$0x3FAF]  }
0x28: {  	s2 =	sld [smem:$0x3FB0]  }
0x29: {  	s4 =	sld [smem:$0x3FB2]  }
0x2a: {  	p0 =	seq.s32 s5, $0x0;
	s5 =	sld [smem:$0x3FB3]  }
0x2b: {  	s6 =	sld [smem:$0x3FB4]  }
0x2c: {  	s7 =	sld [smem:$0x3FB5]  }
0x2d: {  	s3 =	simm.s32 $0x108;
	s8 =	sld [smem:$0x3FB6]  }
0x2e: {  	s3 =	simm.s32 @!p0 $0x1082;
	s9 =	sld [smem:$0x3FB7]  }
0x2f: {  	lr =	sadd.s32 s0, s3;
	s0 =	sld [smem:$0x3FAE]  }
0x30: {  	s3 =	sld [smem:$0x3FB1]  }
0x31: {  	[smem:$0x3FBA] =	sst s10  }
0x32: {  	s10 =	sld [smem:$0x3FB8];
	_ =	sdelay $0x3  }
0x33: {  	p0 =	seq.s32 s10, $0x1;
	s10 =	sld [smem:$0x3FBA];
	_ =	sdelay $0x3  }
0x34: {  	[smem:$0x3FBA] =	sst s10  }
0x35: {  	s10 =	sld [smem:$0x3FB9];
	_ =	sdelay $0x3  }
0x36: {  	p1 =	seq.s32 s10, $0x1;
	s10 =	sld [smem:$0x3FBA];
	_ =	sdelay $0x3  }
0x37: {  	[smem:$0x3FBA] =	sst s10  }
0x38: {  	s10 =	sld [smem:$0x3FBB]  }
0x39: {  	_ = 	snop;
	(pc) =	sbr.ind lr, $3  }
0x3a: {  	_ = 	snop  }
0x3b: {  	_ = 	snop  }
0x3c: {  	p2 =	seq.s32 s10, $0x1;
	s10 =	sld [smem:$0x3FBA]  }
0x3d: {  	_ =	shalt  }
0x3e: {  	_ =	shalt  }
0x3f: {  	_ =	shalt  }
0x40: {  	_ =	shalt  }
0x41: {  	_ =	shalt  }
0x42: {  	_ =	shalt  }
0x43: {  	_ =	shalt  }
0x44: {  	_ =	shalt  }
0x45: {  	_ =	shalt  }
0x46: {  	_ =	shalt  }
0x47: {  	_ =	shalt  }
0x48: {  	_ =	shalt  }
0x49: {  	_ =	shalt  }
0x4a: {  	_ =	shalt  }
0x4b: {  	_ =	shalt  }
0x4c: {  	_ =	shalt  }
0x4d: {  	_ =	shalt  }
0x4e: {  	_ =	shalt  }
0x4f: {  	_ =	shalt  }
0x50: {  	_ =	shalt  }
0x51: {  	_ =	shalt  }
0x52: {  	_ =	shalt  }
0x53: {  	_ =	shalt  }
0x54: {  	_ =	shalt  }
0x55: {  	_ =	shalt  }
0x56: {  	_ =	shalt  }
0x57: {  	_ =	shalt  }
0x58: {  	_ =	shalt  }
0x59: {  	_ =	shalt  }
0x5a: {  	_ =	shalt  }
0x5b: {  	_ =	shalt  }
0x5c: {  	_ =	shalt  }
0x5d: {  	_ =	shalt  }
0x5e: {  	_ =	shalt  }
0x5f: {  	_ =	shalt  }
0x60: {  	_ =	shalt  }
0x61: {  	_ =	shalt  }
0x62: {  	_ =	shalt  }
0x63: {  	_ =	shalt  }
0x64: {  	_ =	shalt  }
0x65: {  	_ =	shalt  }
0x66: {  	_ =	shalt  }
0x67: {  	_ =	shalt  }
0x68: {  	_ =	shalt  }
0x69: {  	_ =	shalt  }
0x6a: {  	_ =	shalt  }
0x6b: {  	_ =	shalt  }
0x6c: {  	_ =	shalt  }
0x6d: {  	_ =	shalt  }
0x6e: {  	_ =	shalt  }
0x6f: {  	_ =	shalt  }
0x70: {  	_ =	shalt  }
0x71: {  	_ =	shalt  }
0x72: {  	_ =	shalt  }
0x73: {  	_ =	shalt  }
0x74: {  	_ =	shalt  }
0x75: {  	_ =	shalt  }
0x76: {  	_ =	shalt  }
0x77: {  	_ =	shalt  }
0x78: {  	_ =	shalt  }
0x79: {  	_ =	shalt  }
0x7a: {  	_ =	shalt  }
0x7b: {  	_ =	shalt  }
0x7c: {  	_ =	shalt  }
0x7d: {  	_ =	shalt  }
0x7e: {  	_ =	shalt  }
0x7f: {  	_ =	shalt  }
0x80: {  	_ =	shalt  }
0x81: {  	_ =	shalt  }
0x82: {  	_ =	shalt  }
0x83: {  	_ =	shalt  }
0x84: {  	_ =	shalt  }
0x85: {  	_ =	shalt  }
0x86: {  	_ =	shalt  }
0x87: {  	_ =	shalt  }
.Lfunc_end0:
.L_simem_size_0:
called_computation_lowered:
.L_overlay_start_0:
0x88: {  	s2 =	sld [smem:$0x3FD9]  }
0x89: {  	s3 =	sld [smem:$0x3FFE];
	_ =	sdelay $0x1  }
0x8a: {  	s1 =	srdreg.scid  }
0x8b: {  	s0 =	sand.u32 $0x1, s1  }
0x8c: {  	s17 =	sshll.u32 s0, $0xA;
	s2 =	sadd.s32 s3, s2  }
0x8d: {  	s2 =	sadd.s32 s2, s17  }
0x8e: {  	[smem:$0x3FC6] =	sst s2  }
0x8f: {  	_ = 	snop  }
0x90: {  	s2 =	sld [smem:$0x3FC9]  }
0x91: {  	s18 =	sld [smem:$0x3FD0];
	(tm) =	ssettm $0x1  }
0x92: {  	s4 =	sld [smem:$0x3FFB];
	_ =	sdelay $0x3  }
0x93: {  	_ =	strace s4  }
0x94: {  	s4 =	sld [smem:$0x3FFC];
	_ =	sdelay $0x3  }
0x95: {  	_ =	strace s4  }
0x96: {  	s4 =	sld [smem:$0x3FFD];
	_ =	sdelay $0x3  }
0x97: {  	_ =	strace s4  }
0x98: {  	_ =	strace $0x8FFFFFFF  }
0x99: {  	s19 =	sld [smem:$0x3FDB];
	_ =	sdelay $0x1  }
0x9a: {  	s5 =	simm.s32 $_scs_section_size  }
0x9b: {  	s6 =	simm.s32 $_size__tile_overlayer_lowered;
	s7 =	simm.s32 $_tile_overlayer_lowered  }
0x9c: {  	s22 =	simm.s32 $0x1BFF;
	s21 =	sshll.u32 s7, $0x1;
	s4 =	sadd.s32 s5, s19  }
0x9d: {  	s8 =	simm.s32 $0x0;
	s20 =	sshll.u32 s6, $0x1;
	s6 =	sadd.s32 s21, s4  }
0x9e: {  	[timem:s8], [sflag:s22] =	dma.local [hbm:s6], s20  }
0x9f: {  	_ =	swait.ge [sflag:s22], s20  }
0xa0: {  	s5 =	ssub.s32 $0x0, s20;
	[sflag:s22] =	ssyncset.done $0x0  }
0xa1: {  	[sflag:s22] =	ssyncadd.s32 s5;
	_ =	sdelay $0x1  }
0xa2: {  	s23 =	simm.s32 $0x1B8B  }
0xa3: {  	_ =	swait.ge [sflag:s23], $0x1  }
0xa4: {  	[sflag:s23] =	ssyncset.done $0x0  }
0xa5: {  	s25 =	simm.s32 $0x1B8E;
	s24 =	sld [smem:$0x3FFE];
	[sflag:s23] =	ssyncadd.s32 $0xFFFFFFFF  }
0xa6: {  	s26 =	simm.s32 $execute0_lowered;
	[smem:$0x3FD2] =	sst s25  }
0xa7: {  	s6 =	sshll.u32 s26, $0x1;
	_ =	strace $0x80000046;
	[dreg:$0x1] =	wrdreg $0xFFFFFFFF  }
0xa8: {  	s28 =	simm.s32 $_size_execute0_lowered;
	s4 =	sadd.s32 s4, s6;
	[dreg:$0x0] =	wrdreg $0x0  }
0xa9: {  	s6 =	sshll.u32 s28, $0x1;
	[dreg:$0x2] =	wrdreg s4  }
0xaa: {  	[dreg:$0x3] =	wrdreg s6  }
0xab: {  	[dreg:$0x4] =	wrdreg $0xC0  }
0xac: {  	_ =	task [dreg:s8], $0x5FFFF  }
0xad: {  	[dreg:$0x1] =	wrdreg $0xFFFFFFFF  }
0xae: {  	[dreg:$0x0] =	wrdreg $0x60  }
0xaf: {  	[dreg:$0x2] =	wrdreg s2  }
0xb0: {  	[dreg:$0x3] =	wrdreg s24  }
0xb1: {  	[dreg:$0x4] =	wrdreg s18  }
0xb2: {  	[dreg:$0x5] =	wrdreg $0x9  }
0xb3: {  	_ =	task.clear_ibuf [dreg:s8], $0x6FFFF;
	_ =	strace $0x90000046  }
0xb4: {  	s29 =	simm.s32 $0x9;
	_ =	strace $0x80000048  }
0xb5: {  	_ =	swait.ge [sflag:s29], $0x1  }
0xb6: {  	[sflag:s29] =	ssyncadd.s32 $0xFFFFFFFF  }
0xb7: {  	_ =	strace $0x90000048  }
0xb8: {  	_ =	sfence  }
0xb9: {  	s30 =	sld [smem:$0x0];
	_ =	sdelay $0x2  }
0xba: {  	s31 =	sshll.u32 s1, $0xD;
	s1 =	sshrl.u32 s1, $0x2  }
0xbb: {  	s3 =	sand.u32 $0x4000, s31;
	s1 =	sadd.s32 s1, s30  }
0xbc: {  	s0 =	sor.u32 s3, s0;
	s1 =	sshll.u32 s1, $0x11  }
0xbd: {  	s0 =	sor.u32 s1, s0  }
0xbe: {  	s0 =	sadd.s32 $0x8F2B, s0  }
0xbf: {  	[sflag:s0] =	ssyncadd.remote.s32 $0x1  }
0xc0: {  	_ =	sfence.sel $0xFFFF  }
0xc1: {  	[dreg:$0x0] =	wrdreg $0xFFFFFFFF;
	(pc) =	sbr.abs _section_cstart, $3  }
0xc2: {  	[dreg:$0x1] =	wrdreg $0xFFFFFFFF  }
0xc3: {  	_ =	task.clear_ibuf [dreg:s8], $0x2FFFF;
	_ =	strace $0x9FFFFFFF  }
0xc4: {  	(tm) =	ssettm $0x7FFFFFFF  }
0xc5: {  	_ =	shalt  }
tec
execute0_lowered:
.L_overlay_start_1:
0x0: {  	(tag) =	ssettag $0x1  }
0x1: {  	s0 =	rddreg [dreg:$0x1]  }
0x2: {  	s2 =	rddreg [dreg:$0x2];
	s3 =	simm.s32 $0x0  }
0x3: {  	s1 =	srdreg.scid;
	s7 =	stileid.u32;
	s30 =	simm.s32 $0x1E000  }
0x4: {  	s31 =	simm.s32 $0x2;
	s11 =	simm.s32 $0x0;
	[smem:$0x7FF] =	sst s3  }
0x5: {  	s5 =	sadd.s32 $0xE00, s0;
	s6 =	sadd.s32 $0xAC00, s0;
	s8 =	sshrl.u32 s7, $0x2  }
0x6: {  	s1 =	sand.u32 $0x1, s1;
	s4 =	sshll.u32 s7, $0x1;
	s10 =	smul.u32 $0x13880, s8  }
0x7: {  	v0 =	vimm.s32 $0x183;
	vm0 =	vcmask $0x300;
	s7 =	sadd.s32 $0x14A00, s0;
	_ =	strace $0x80000047;
	s18 =	smul.u32 $0x540000, s8  }
0x8: {  	vm14 =	vcmask $0x704;
	v0 =	vsel vm0, $0x0, v0;
	s9 =	ssub.s32 $0x2, s1;
	s4 =	sand.u32 $0x6, s4;
	s25 =	smul.u32 $0x75C000, s8  }
0x9: {  	vm15 =	vcmask $0xB08;
	v0 =	vsel vm14, $0x80, v0;
	s8 =	simm.s32 $0x1E800;
	s16 =	sshrl.u32 s9, $0x1;
	s1 =	sor.u32 s1, s4  }
0xa: {  	vm4 =	vcmask $0xF0C;
	v0 =	vsel vm15, $0x100, v0;
	s0 =	ssub.s32 s9, s16;
	s1 =	smul.u32 $0xC, s1;
	[dreg:$0x5] =	wrdreg s18  }
0xb: {  	vm5 =	vcmask $0x1310;
	s17 =	sshrl.u32 s10, $0x3;
	v0 =	vsel vm4, $0x180, v0;
	[dreg:$0xc] =	wrdreg s25;
	s29 =	sadd.s32 $0x13800, s25  }
0xc: {  	vm6 =	vcmask $0x1714;
	s16 =	sadd.s32 $0x800, s10;
	s18 =	sadd.s32 $0xC00, s10;
	v0 =	vsel vm5, $0x1, v0;
	[dreg:$0x10] =	wrdreg s29  }
0xd: {  	vm7 =	vcmask $0x1B18;
	s25 =	simm.s32 $0xE000;
	s19 =	sadd.s32 s5, s17;
	[dreg:$0x4] =	wrdreg s1;
	v0 =	vsel vm6, $0x81, v0  }
0xe: {  	vm8 =	vcmask $0x1F1C;
	s10 =	simm.s32 $0x1EA00;
	s21 =	sadd.s32 s6, s17;
	[dreg:$0x6] =	wrdreg s19;
	v0 =	vsel vm7, $0x101, v0  }
0xf: {  	vm9 =	vcmask $0x2320;
	s20 =	sadd.s32 $0x80, s17;
	s22 =	sadd.s32 s7, s17;
	[dreg:$0x7] =	wrdreg s21;
	v0 =	vsel vm8, $0x181, v0  }
0x10: {  	vm10 =	vcmask $0x2724;
	s0 =	smax.u32 s0, $0x1;
	[dreg:$0x8] =	wrdreg s22;
	s23 =	sadd.s32 s5, s20;
	v0 =	vsel vm9, $0x2, v0  }
0x11: {  	vm11 =	vcmask $0x2B28;
	vm12 =	vcmask $0x2F2C;
	s24 =	sadd.s32 s6, s20;
	s4 =	sadd.s32 s7, s20;
	[dreg:$0x11] =	wrdreg s0;
	v0 =	vsel vm10, $0x82, v0  }
0x12: {  	vm13 =	vcmask $0x3330;
	v1 =	vlaneseq.u32;
	s1 =	sadd.s32 $0x2700, s17;
	s20 =	simm.s32 $0x1C000;
	[dreg:$0x9] =	wrdreg s23;
	v0 =	vsel vm11, $0x102, v0  }
0x13: {  	v2 =	vand.u32 $0x3, v1;
	v43 =	vshrl.u32 v1, $0x2;
	s21 =	simm.s32 $0x1C800;
	s22 =	simm.s32 $0x1D000;
	[dreg:$0xa] =	wrdreg s24;
	v0 =	vsel vm12, $0x182, v0  }
0x14: {  	vm14 =	vcmask $0x3734;
	v29 =	vmul.u32 $0x80, v2;
	s0 =	simm.s32 $0x1DC00;
	[dreg:$0xb] =	wrdreg s4;
	s26 =	sadd.s32 s5, s1;
	v0 =	vsel vm13, $0x3, v0  }
0x15: {  	[tilespmem:$0x1FFF0] =	vst v43;
	vm15 =	vcmask $0x3B38;
	s28 =	sadd.s32 s6, s1;
	s1 =	sadd.s32 s7, s1;
	[dreg:$0xd] =	wrdreg s26;
	v3 =	vsel vm14, $0x83, v0  }
0x16: {  	[tilespmem:$0x1FFD0] =	vst v29;
	s24 =	simm.s32 $0x5;
	s4 =	simm.s32 $0x1;
	[dreg:$0xe] =	wrdreg s28;
	v44 =	vsel vm15, $0x103, v3  }
0x17: {  	s23 =	simm.s32 $0x1D800;
	[dreg:$0xf] =	wrdreg s1;
	s1 =	simm.s32 $0x1E400;
	[tilespmem:$0x1FFE0] =	vst v44  }
.LBB2_1:
0x18: {  	[dreg:$0x12] =	wrdreg s11;
	s13 =	simm.s32 $0x0  }
.LBB2_2:
0x19: {  	s9 =	sshll.u32 s13, $0x1;
	s11 =	rddreg [dreg:$0x4]  }
0x1a: {  	s9 =	sadd.s32 s11, s9  }
0x1b: {  	s11 =	smul.u32 $0xE000, s9  }
0x1c: {  	s17 =	rddreg [dreg:$0x5]  }
0x1d: {  	s11 =	sadd.s32 s17, s11  }
0x1e: {  	s15 =	rddreg [dreg:$0x0];
	s12 =	sor.u32 $0x1, s9;
	s11 =	sshrl.u32 s11, $0x3  }
0x1f: {  	s19 =	simm.s32 $0x0;
	s14 =	smul.u32 $0xE000, s12;
	s11 =	sadd.s32 s15, s11  }
0x20: {  	[tilespmem:s19], [sflag:$0x5] =	stream.linear.gather [hbm4b:s11+s19], $0xE000, $0x38;
	[tilespmem:$0x1EC00] =	vst v63  }
0x21: {  	s26 =	sadd.s32 s17, s14;
	_ =	swait.ge [sflag:s24], $0xE000  }
0x22: {  	s11 =	sshrl.u32 s26, $0x3;
	[sflag:s24] =	ssyncset.done $0x0  }
0x23: {  	s11 =	sadd.s32 s15, s11;
	[sflag:s24] =	ssyncadd.s32 $0xFFFF2000  }
0x24: {  	[tilespmem:s25], [sflag:$0x5] =	stream.linear.gather [hbm4b:s11+s19], $0xE000, $0x38;
	[tilespmem:$0x1EC00] =	vst v63  }
0x25: {  	_ =	swait.ge [sflag:s24], $0xE000  }
0x26: {  	s28 =	rddreg [dreg:$0x6]  }
0x27: {  	[sflag:s24] =	ssyncset.done $0x0;
	s29 =	rddreg [dreg:$0x7]  }
0x28: {  	s14 =	rddreg [dreg:$0x8];
	[sflag:s24] =	ssyncadd.s32 $0xFFFF2000  }
0x29: {  	[tilespmem:s20], [sflag:$0x1] =	stream.linear.gather [hbm4b:s28+s19], $0x400, $0x38;
	[tilespmem:$0x1EC00] =	vst v63  }
0x2a: {  	s15 =	rddreg [dreg:$0x9]  }
0x2b: {  	[tilespmem:s21], [sflag:$0x1] =	stream.linear.gather [hbm4b:s29+s19], $0x400, $0x38;
	[tilespmem:$0x1EC00] =	vst v63  }
0x2c: {  	s17 =	simm.s32 $0x1C400;
	s20 =	rddreg [dreg:$0xa]  }
0x2d: {  	[tilespmem:s22], [sflag:$0x1] =	stream.linear.gather [hbm4b:s14+s19], $0x400, $0x38;
	[tilespmem:$0x1EC00] =	vst v63  }
0x2e: {  	s26 =	simm.s32 $0x1D400;
	s28 =	smul.u32 $0x13A00, s12;
	s29 =	rddreg [dreg:$0xc]  }
0x2f: {  	[tilespmem:s17], [sflag:$0x2] =	stream.linear.gather [hbm4b:s15+s19], $0x400, $0x38;
	[tilespmem:$0x1EC00] =	vst v63  }
0x30: {  	s21 =	simm.s32 $0x1CC00;
	[dreg:$0x13] =	wrdreg s28;
	s15 =	smul.u32 $0x13A00, s9  }
0x31: {  	[tilespmem:s21], [sflag:$0x2] =	stream.linear.gather [hbm4b:s20+s19], $0x400, $0x38;
	[tilespmem:$0x1EC00] =	vst v63  }
0x32: {  	s22 =	rddreg [dreg:$0xb];
	s20 =	sadd.s32 s29, s15;
	s21 =	sadd.s32 s29, s28  }
0x33: {  	[tilespmem:s26], [sflag:$0x2] =	stream.linear.gather [hbm4b:s22+s19], $0x400, $0x38;
	[tilespmem:$0x1EC00] =	vst v63  }
.LBB2_3:
0x34: {  	_ =	swait.ge [sflag:s4], $0x400  }
0x35: {  	[sflag:s4] =	ssyncset.done $0x0  }
0x36: {  	[sflag:s4] =	ssyncadd.s32 $0xFFFFFC00  }
0x37: {  	_ =	swait.ge [sflag:s4], $0x400  }
0x38: {  	[sflag:s4] =	ssyncset.done $0x0  }
0x39: {  	[sflag:s4] =	ssyncadd.s32 $0xFFFFFC00  }
0x3a: {  	_ =	swait.ge [sflag:s4], $0x400  }
0x3b: {  	p1 =	seq.s32 s19, $0x0;
	[sflag:s4] =	ssyncset.done $0x0  }
0x3c: {  	s9 =	simm.s32 @!p1 $0x3;
	[sflag:s4] =	ssyncadd.s32 $0xFFFFFC00  }
0x3d: {  	_ =	swait.ge @!p1 [sflag:s9], $0x400  }
0x3e: {  	[sflag:s9] =	ssyncset.done @!p1 $0x0  }
0x3f: {  	[sflag:s9] =	ssyncadd.s32 @!p1 $0xFFFFFC00  }
0x40: {  	_ =	swait.ge @!p1 [sflag:s9], $0x400  }
0x41: {  	[sflag:s9] =	ssyncset.done @!p1 $0x0  }
0x42: {  	s22 =	simm.s32 $0x1C020;
	[sflag:s9] =	ssyncadd.s32 @!p1 $0xFFFFFC00  }
0x43: {  	v2 =	vld [tilespmem:s22+$0x10];
	_ =	sdelay $0x2  }
0x44: {  	s12 =	simm.s32 $0xC  }
0x45: {  	v27 =	vmov s12  }
0x46: {  	v25 =	vor.u32 s12, v43;
	v27 =	vshll.u32 v27, $0x2;
	v3 =	vshrl.u32 v2, $0x8  }
0x47: {  	v4 =	vand.u32 $0xFF, v2;
	v5 =	vand.u32 $0xFFFFF800, v2;
	v6 =	vand.u32 $0x7F, v2  }
0x48: {  	v8 =	vshll.u32 v2, $0x3;
	v2 =	vshrl.u32 v2, $0x1;
	v4 =	vadd.s32 $0x1, v4  }
0x49: {  	v7 =	vld [tilespmem:s22+$0xFFFFFFE0];
	v3 =	vadd.s32 $0x1, v3;
	v8 =	vand.u32 $0x400, v8;
	v9 =	vshll.u32 v4, $0x3  }
0x4a: {  	v10 =	vld [tilespmem:s22+$0xFFFFFFF0];
	v2 =	vand.u32 $0x380, v2;
	v6 =	vor.u32 v6, v8;
	v9 =	vand.u32 $0xC00, v9  }
0x4b: {  	v12 =	vld [tilespmem:s22+$0x0];
	v4 =	vand.u32 $0x7F, v4;
	v8 =	vadd.s32 v5, v9;
	v5 =	vor.u32 v5, v6  }
0x4c: {  	s26 =	simm.s32 $0x1C820;
	v55 =	vshll.u32 v3, $0x8;
	v8 =	vor.u32 v2, v8;
	v2 =	vor.u32 v2, v5  }
0x4d: {  	s11 =	simm.s32 $0x1D020;
	v13 =	vld [tilespmem:s26+$0x10];
	v3 =	vshll.u32 v3, $0x7;
	v5 =	vand.u32 $0xFFFFF800, v55;
	v8 =	vor.u32 v4, v8  }
0x4e: {  	v15 =	vld [tilespmem:s11+$0x10];
	v11 =	vand.u32 $0xFF, v7;
	v3 =	vand.u32 $0x380, v3;
	v6 =	vor.u32 v5, v6  }
0x4f: {  	v14 =	vand.u32 $0xFF, v10;
	v5 =	vadd.s32 v9, v5;
	v6 =	vor.u32 v3, v6  }
0x50: {  	v9 =	vadd.s32 $0x1, v11;
	v11 =	vand.u32 $0xFF, v12;
	v3 =	vor.u32 v3, v5  }
0x51: {  	v56 =	vadd.s32 $0x1, v14;
	v14 =	vadd.s32 $0x1, v11;
	v3 =	vor.u32 v4, v3;
	v11 =	vld.idx.msk [tilespmem:v2+s3+$0x0], $0xffff  }
0x52: {  	v25 =	vand.u32 $0x7F, v25;
	v27 =	vand.u32 $0x200, v27;
	v19 =	vld.idx.msk [tilespmem:v8+s3+$0x0], $0xffff  }
0x53: {  	v21 =	vsub.f32 $1.000000000e+00, v13;
	v22 =	vsub.f32 $1.000000000e+00, v15;
	v16 =	vshll.u32 v56, $0x3  }
0x54: {  	v25 =	vor.u32 v25, v27;
	v24 =	vand.u32 $0xC00, v16;
	v16 =	vld.idx.msk [tilespmem:v6+s3+$0x0], $0xffff  }
0x55: {  	v0 =	vor.u32 v29, v25;
	v26 =	vmul.f32 v22, v21;
	v22 =	vmul.f32 v22, v13  }
0x56: {  	v18 =	vshll.u32 v7, $0x3;
	v20 =	vshll.u32 v10, $0x3;
	v21 =	vmul.f32 v15, v21;
	v28 =	vld.idx.msk [tilespmem:v3+s3+$0x0], $0xffff  }
0x57: {  	v23 =	vshll.u32 v12, $0x3;
	v11 =	vmul.f32 v26, v11;
	v19 =	vmul.f32 v22, v19  }
0x58: {  	v25 =	vand.u32 $0xFFFFF800, v7;
	v27 =	vand.u32 $0x7F, v7;
	v29 =	vand.u32 $0xFFFFF800, v10  }
0x59: {  	v13 =	vmul.f32 v15, v13;
	v16 =	vmul.f32 v16, v21;
	v15 =	vadd.f32 v19, v11  }
0x5a: {  	v30 =	vand.u32 $0x7F, v10;
	v31 =	vand.u32 $0xFFFFF800, v12;
	v33 =	vand.u32 $0x7F, v12  }
0x5b: {  	v18 =	vand.u32 $0x400, v18;
	v15 =	vadd.f32 v16, v15;
	v16 =	vmul.f32 v28, v13  }
0x5c: {  	v20 =	vand.u32 $0x400, v20;
	v23 =	vand.u32 $0x400, v23;
	v18 =	vor.u32 v27, v18  }
0x5d: {  	v30 =	vor.u32 v30, v20;
	v23 =	vor.u32 v33, v23;
	v15 =	vadd.f32 v16, v15  }
0x5e: {  	v57 =	vshll.u32 v9, $0x3;
	v9 =	vand.u32 $0x7F, v9;
	v5 =	vand.u32 $0x7F, v56;
	[tilespmem:$0x1FE70] =	vst v0  }
0x5f: {  	v17 =	vshll.u32 v14, $0x3;
	v4 =	vand.u32 $0xC00, v57;
	v14 =	vand.u32 $0x7F, v14;
	[tilespmem:v0+s23+$0x0] =	vst.idx.msk $0xffff, v15  }
0x60: {  	v17 =	vand.u32 $0xC00, v17;
	v32 =	vadd.s32 v25, v4;
	v25 =	vor.u32 v25, v18;
	v2 =	vld.idx.msk [tilespmem:v2+s25+$0x0], $0xffff  }
0x61: {  	v27 =	vadd.s32 v31, v17;
	v19 =	vshrl.u32 v7, $0x8;
	v7 =	vshrl.u32 v7, $0x1;
	v8 =	vld.idx.msk [tilespmem:v8+s25+$0x0], $0xffff  }
0x62: {  	v31 =	vor.u32 v31, v23;
	v19 =	vadd.s32 $0x1, v19;
	v7 =	vand.u32 $0x380, v7  }
0x63: {  	v28 =	vshrl.u32 v10, $0x8;
	v10 =	vshrl.u32 v10, $0x1;
	v20 =	vor.u32 v7, v32;
	v6 =	vld.idx.msk [tilespmem:v6+s25+$0x0], $0xffff  }
0x64: {  	v58 =	vshll.u32 v19, $0x8;
	v55 =	vor.u32 v7, v25;
	v28 =	vadd.s32 $0x1, v28  }
0x65: {  	v10 =	vand.u32 $0x380, v10;
	v16 =	vshrl.u32 v12, $0x8;
	v12 =	vshrl.u32 v12, $0x1;
	v3 =	vld.idx.msk [tilespmem:v3+s25+$0x0], $0xffff  }
0x66: {  	v12 =	vand.u32 $0x380, v12;
	v2 =	vmul.f32 v2, v26;
	v8 =	vmul.f32 v8, v22  }
0x67: {  	v37 =	vor.u32 v9, v20;
	v15 =	vadd.s32 v29, v24;
	v27 =	vor.u32 v12, v27  }
0x68: {  	v1 =	vor.u32 v14, v27;
	v6 =	vmul.f32 v6, v21;
	v2 =	vadd.f32 v8, v2  }
0x69: {  	v59 =	vshll.u32 v28, $0x8;
	v29 =	vor.u32 v29, v30;
	v15 =	vor.u32 v10, v15;
	[tilespmem:$0x1FE30] =	vst v1  }
0x6a: {  	v48 =	vor.u32 v10, v29;
	v10 =	vld [tilespmem:s11+$0xFFFFFFE0];
	v3 =	vmul.f32 v3, v13;
	v2 =	vadd.f32 v6, v2  }
0x6b: {  	v16 =	vadd.s32 $0x1, v16;
	v31 =	vor.u32 v12, v31;
	v61 =	vor.u32 v5, v15;
	v7 =	vld [tilespmem:s26+$0xFFFFFFE0]  }
0x6c: {  	v22 =	vshll.u32 v16, $0x8;
	v16 =	vshll.u32 v16, $0x7;
	v0 =	vadd.f32 v3, v2  }
0x6d: {  	v13 =	vld [tilespmem:s26+$0xFFFFFFF0];
	v21 =	vand.u32 $0xFFFFF800, v22;
	v22 =	vshll.u32 v28, $0x7;
	v28 =	vand.u32 $0x380, v16  }
0x6e: {  	v26 =	vld [tilespmem:s11+$0xFFFFFFF0];
	v8 =	vand.u32 $0xFFFFF800, v58;
	v23 =	vor.u32 v21, v23;
	v25 =	vand.u32 $0x380, v22;
	[tilespmem:$0x1FE80] =	vst v0  }
0x6f: {  	v17 =	vadd.s32 v17, v21;
	v21 =	vsub.f32 $1.000000000e+00, v10;
	v11 =	vor.u32 v28, v23;
	v3 =	vld [tilespmem:s26+$0x0]  }
0x70: {  	v41 =	vmul.f32 v10, v7;
	v6 =	vshll.u32 v19, $0x7;
	v19 =	vand.u32 $0xFFFFF800, v59;
	v27 =	vld [tilespmem:s11+$0x0];
	[tilespmem:$0x1FE40] =	vst v11  }
0x71: {  	v6 =	vand.u32 $0x380, v6;
	v2 =	vor.u32 v8, v18;
	v18 =	vor.u32 v19, v30;
	v62 =	vld.idx.msk [tilespmem:v37+s3+$0x0], $0xffff  }
0x72: {  	v32 =	vor.u32 v6, v2;
	v2 =	vadd.s32 v4, v8;
	v8 =	vadd.s32 v24, v19;
	v19 =	vld.idx.msk [tilespmem:v61+s3+$0x0], $0xffff  }
0x73: {  	v28 =	vor.u32 v28, v17;
	v60 =	vor.u32 v25, v18;
	v18 =	vsub.f32 $1.000000000e+00, v7;
	v23 =	vld.idx.msk [tilespmem:v1+s3+$0x0], $0xffff  }
0x74: {  	v2 =	vor.u32 v6, v2;
	v8 =	vor.u32 v25, v8;
	v0 =	vor.u32 v14, v28;
	v30 =	vld.idx.msk [tilespmem:v55+s3+$0x0], $0xffff  }
0x75: {  	v24 =	vsub.f32 $1.000000000e+00, v26;
	v25 =	vor.u32 v9, v2;
	v2 =	vld.idx.msk [tilespmem:v48+s3+$0x0], $0xffff;
	v1 =	vor.u32 v5, v8;
	[tilespmem:$0x1FE60] =	vst v0  }
0x76: {  	v54 =	vmul.f32 v21, v7;
	v6 =	vsub.f32 $1.000000000e+00, v13;
	v57 =	vmul.f32 v21, v18;
	[tilespmem:$0x1FE50] =	vst v1  }
0x77: {  	v50 =	vmul.f32 v24, v13;
	v49 =	vmul.f32 v10, v18;
	v36 =	vld.idx.msk [tilespmem:v31+s3+$0x0], $0xffff  }
0x78: {  	v53 =	vmul.f32 v24, v6;
	v28 =	vld.idx.msk [tilespmem:v60+s3+$0x0], $0xffff;
	v29 =	vsub.f32 $1.000000000e+00, v3;
	v63 =	vsub.f32 $1.000000000e+00, v27  }
0x79: {  	v44 =	vmul.f32 v26, v6;
	v38 =	vld.idx.msk [tilespmem:v11+s3+$0x0], $0xffff;
	v19 =	vmul.f32 v50, v19  }
0x7a: {  	v52 =	vmul.f32 v63, v29;
	v51 =	vmul.f32 v63, v3  }
0x7b: {  	s12 =	simm.s32 $0x4;
	v2 =	vmul.f32 v53, v2;
	v18 =	vld.idx.msk [tilespmem:v1+s3+$0x0], $0xffff;
	v40 =	vmul.f32 v27, v29  }
0x7c: {  	v7 =	vor.u32 s12, v43;
	v23 =	vmul.f32 v51, v23;
	v5 =	vmul.f32 v52, v36  }
0x7d: {  	v45 =	vmul.f32 v26, v13;
	v7 =	vand.u32 $0x77, v7;
	v6 =	vld.idx.msk [tilespmem:v0+s3+$0x0], $0xffff;
	v2 =	vadd.f32 v19, v2  }
0x7e: {  	s11 =	simm.s32 $0x0;
	v21 =	vld.idx.msk [tilespmem:v32+s3+$0x0], $0xffff;
	v10 =	vmul.f32 v38, v40;
	v5 =	vadd.f32 v23, v5;
	v23 =	vmul.f32 v28, v44  }
0x7f: {  	v9 =	vmov s12;
	v8 =	vmov s11;
	v46 =	vmul.f32 v27, v3  }
0x80: {  	s14 =	simm.s32 $0x8;
	v34 =	vld.idx.msk [tilespmem:v25+s3+$0x0], $0xffff;
	v13 =	vadd.f32 v23, v2;
	v5 =	vadd.f32 v10, v5;
	v10 =	vmul.f32 v18, v45  }
0x81: {  	v24 =	vmov s14;
	v4 =	vmul.f32 v54, v62;
	v30 =	vmul.f32 v57, v30  }
0x82: {  	v9 =	vshll.u32 v9, $0x2;
	v6 =	vmul.f32 v6, v46;
	v0 =	vadd.f32 v10, v13  }
0x83: {  	s17 =	simm.s32 $0x1C060;
	v8 =	vshll.u32 v8, $0x2;
	v4 =	vadd.f32 v4, v30;
	v19 =	vmul.f32 v21, v49  }
0x84: {  	v24 =	vshll.u32 v24, $0x2;
	v9 =	vand.u32 $0x200, v9;
	v18 =	vld [tilespmem:s17+$0x10];
	[tilespmem:$0x1FE00] =	vst v0;
	v0 =	vadd.f32 v6, v5  }
0x85: {  	v21 =	vor.u32 s11, v43;
	v4 =	vadd.f32 v19, v4;
	v3 =	vmul.f32 v34, v41  }
0x86: {  	v8 =	vand.u32 $0x200, v8;
	v17 =	vor.u32 v7, v9;
	v21 =	vand.u32 $0x73, v21;
	[tilespmem:$0x1FE20] =	vst v0;
	v0 =	vld [tilespmem:$0x1FFD0]  }
0x87: {  	v19 =	vand.u32 $0x200, v24;
	v16 =	vadd.f32 v3, v4;
	v2 =	vor.u32 s14, v43;
	s14 =	simm.s32 $0x1C  }
0x88: {  	v3 =	vor.u32 v21, v8;
	v23 =	vand.u32 $0x7B, v2;
	v47 =	vmov s14  }
0x89: {  	v22 =	vor.u32 v23, v19;
	v56 =	vand.u32 $0xFF, v18;
	v58 =	vand.u32 $0xFFFFF800, v18  }
0x8a: {  	v6 =	vand.u32 $0x7F, v18;
	v7 =	vshll.u32 v18, $0x3;
	v13 =	vshrl.u32 v18, $0x1  }
0x8b: {  	v4 =	vadd.s32 $0x1, v56;
	v7 =	vand.u32 $0x400, v7;
	v1 =	vor.u32 v0, v3  }
0x8c: {  	v13 =	vand.u32 $0x380, v13;
	v19 =	vshll.u32 v4, $0x3;
	v6 =	vor.u32 v6, v7;
	[tilespmem:$0x1FF20] =	vst v1  }
0x8d: {  	v4 =	vand.u32 $0x7F, v4;
	v19 =	vand.u32 $0xC00, v19;
	v3 =	vshrl.u32 v18, $0x8;
	v8 =	vld [tilespmem:s17+$0xFFFFFFF0]  }
0x8e: {  	v21 =	vor.u32 v58, v6;
	v5 =	vadd.s32 v58, v19;
	v3 =	vadd.s32 $0x1, v3;
	v18 =	vld [tilespmem:s17+$0xFFFFFFE0]  }
0x8f: {  	s26 =	simm.s32 $0x1D060;
	v21 =	vor.u32 v13, v21;
	v5 =	vor.u32 v13, v5;
	v7 =	vld [tilespmem:s17+$0x0];
	v23 =	vshll.u32 v3, $0x8  }
0x90: {  	v5 =	vor.u32 v4, v5;
	v3 =	vshll.u32 v3, $0x7;
	v27 =	vld [tilespmem:s26+$0x10];
	v13 =	vand.u32 $0xFFFFF800, v23  }
0x91: {  	s22 =	simm.s32 $0x1C860;
	v3 =	vand.u32 $0x380, v3;
	v6 =	vor.u32 v13, v6;
	v13 =	vadd.s32 v19, v13  }
0x92: {  	v47 =	vshll.u32 v47, $0x2;
	v23 =	vld [tilespmem:s22+$0x10];
	v6 =	vor.u32 v3, v6;
	v3 =	vor.u32 v3, v13  }
0x93: {  	v47 =	vand.u32 $0x200, v47;
	v3 =	vor.u32 v4, v3;
	v24 =	vand.u32 $0xFF, v18  }
0x94: {  	v26 =	vand.u32 $0xFF, v8;
	v62 =	vshll.u32 v18, $0x3;
	v63 =	vshll.u32 v8, $0x3  }
0x95: {  	v35 =	vshll.u32 v7, $0x3;
	v38 =	vsub.f32 $1.000000000e+00, v27;
	v58 =	vand.u32 $0x7F, v8  }
0x96: {  	v30 =	vld.idx.msk [tilespmem:v5+s3+$0x0], $0xffff;
	v19 =	vadd.s32 $0x1, v24;
	v24 =	vand.u32 $0xFF, v7;
	v13 =	vadd.s32 $0x1, v26  }
0x97: {  	v26 =	vld.idx.msk [tilespmem:v21+s3+$0x0], $0xffff;
	v36 =	vsub.f32 $1.000000000e+00, v23;
	v33 =	vand.u32 $0x400, v62;
	v34 =	vand.u32 $0x400, v63  }
0x98: {  	v35 =	vand.u32 $0x400, v35;
	v63 =	vand.u32 $0x7F, v7;
	v28 =	vshll.u32 v13, $0x3  }
0x99: {  	v24 =	vadd.s32 $0x1, v24;
	v59 =	vshll.u32 v19, $0x3;
	v39 =	vld.idx.msk [tilespmem:v6+s3+$0x0], $0xffff;
	v42 =	vand.u32 $0xC00, v28  }
0x9a: {  	v20 =	vmovc v43;
	v0 =	vld [tilespmem:$0x1FFD0];
	v28 =	vor.u32 s14, v43;
	v43 =	vmul.f32 v38, v36;
	v38 =	vmul.f32 v38, v23  }
0x9b: {  	v34 =	vor.u32 v58, v34;
	v35 =	vor.u32 v63, v35;
	v36 =	vmul.f32 v27, v36;
	v56 =	vld.idx.msk [tilespmem:v3+s3+$0x0], $0xffff  }
0x9c: {  	v19 =	vand.u32 $0x7F, v19;
	v30 =	vmul.f32 v38, v30;
	v26 =	vmul.f32 v43, v26  }
0x9d: {  	v14 =	vand.u32 $0x7F, v13;
	v23 =	vmul.f32 v27, v23;
	v28 =	vand.u32 $0x7F, v28  }
0x9e: {  	v28 =	vor.u32 v28, v47;
	v26 =	vadd.f32 v30, v26;
	v30 =	vmul.f32 v39, v36  }
0x9f: {  	v29 =	vshll.u32 v24, $0x3;
	v10 =	vand.u32 $0xC00, v59;
	v0 =	vor.u32 v0, v28  }
0xa0: {  	v27 =	vshrl.u32 v18, $0x8;
	v26 =	vadd.f32 v30, v26;
	v30 =	vmul.f32 v56, v23  }
0xa1: {  	v59 =	vand.u32 $0xFFFFF800, v7;
	v29 =	vand.u32 $0xC00, v29;
	v2 =	vadd.s32 $0x1, v27  }
0xa2: {  	v47 =	vshrl.u32 v8, $0x8;
	v63 =	vshll.u32 v2, $0x8;
	v26 =	vadd.f32 v30, v26  }
0xa3: {  	v28 =	vand.u32 $0xFFFFF800, v18;
	[tilespmem:$0x1FEF0] =	vst v0;
	v39 =	vand.u32 $0x7F, v18;
	v18 =	vshrl.u32 v18, $0x1  }
0xa4: {  	v2 =	vshll.u32 v2, $0x7;
	v62 =	vadd.s32 v28, v10;
	v18 =	vand.u32 $0x380, v18;
	[tilespmem:v0+s23+$0x0] =	vst.idx.msk $0xffff, v26  }
0xa5: {  	v56 =	vand.u32 $0xFFFFF800, v8;
	v8 =	vshrl.u32 v8, $0x1;
	v27 =	vor.u32 v18, v62;
	v21 =	vld.idx.msk [tilespmem:v21+s25+$0x0], $0xffff  }
0xa6: {  	v62 =	vor.u32 v59, v35;
	v30 =	vshrl.u32 v7, $0x8;
	v7 =	vshrl.u32 v7, $0x1;
	v5 =	vld.idx.msk [tilespmem:v5+s25+$0x0], $0xffff  }
0xa7: {  	v8 =	vand.u32 $0x380, v8;
	v58 =	vor.u32 v56, v34;
	v7 =	vand.u32 $0x380, v7  }
0xa8: {  	v26 =	vor.u32 v39, v33;
	v33 =	vadd.s32 v56, v42;
	v39 =	vadd.s32 v59, v29;
	v6 =	vld.idx.msk [tilespmem:v6+s25+$0x0], $0xffff  }
0xa9: {  	v11 =	vor.u32 v19, v27;
	v33 =	vor.u32 v8, v33;
	v39 =	vor.u32 v7, v39  }
0xaa: {  	v47 =	vadd.s32 $0x1, v47;
	v3 =	vld.idx.msk [tilespmem:v3+s25+$0x0], $0xffff;
	[tilespmem:$0x1FEB0] =	vst v11;
	v9 =	vor.u32 v14, v33;
	v33 =	vor.u32 v8, v58  }
0xab: {  	[tilespmem:$0x1FEE0] =	vst v9;
	v21 =	vmul.f32 v21, v43;
	v5 =	vmul.f32 v5, v38;
	v38 =	vand.u32 $0x7F, v24  }
0xac: {  	v30 =	vadd.s32 $0x1, v30;
	v28 =	vor.u32 v28, v26;
	[tilespmem:$0x1FEC0] =	vst v33;
	v0 =	vor.u32 v38, v39  }
0xad: {  	v6 =	vmul.f32 v6, v36;
	v5 =	vadd.f32 v5, v21;
	[tilespmem:$0x1FF30] =	vst v0;
	v21 =	vor.u32 v7, v62  }
0xae: {  	v4 =	vshll.u32 v47, $0x8;
	v56 =	vor.u32 v18, v28;
	v24 =	vshll.u32 v30, $0x8;
	v8 =	vld [tilespmem:s22+$0xFFFFFFE0];
	[tilespmem:$0x1FF10] =	vst v21  }
0xaf: {  	v18 =	vmul.f32 v3, v23;
	v3 =	vand.u32 $0xFFFFF800, v4;
	v15 =	vadd.f32 v6, v5;
	v6 =	vld [tilespmem:s26+$0xFFFFFFE0]  }
0xb0: {  	v30 =	vshll.u32 v30, $0x7;
	v43 =	vand.u32 $0xFFFFF800, v24;
	v24 =	vshll.u32 v47, $0x7;
	v23 =	vld [tilespmem:s22+$0xFFFFFFF0]  }
0xb1: {  	v34 =	vor.u32 v3, v34;
	v39 =	vand.u32 $0x380, v30;
	v47 =	vand.u32 $0x380, v24;
	v58 =	vld [tilespmem:s26+$0xFFFFFFF0]  }
0xb2: {  	v7 =	vand.u32 $0xFFFFF800, v63;
	v35 =	vor.u32 v43, v35;
	v28 =	vor.u32 v47, v34;
	v62 =	vld [tilespmem:s22+$0x0]  }
0xb3: {  	v2 =	vand.u32 $0x380, v2;
	v26 =	vor.u32 v7, v26;
	v27 =	vor.u32 v39, v35;
	v63 =	vld [tilespmem:s26+$0x0];
	[tilespmem:$0x1FF50] =	vst v28  }
0xb4: {  	v3 =	vadd.s32 v42, v3;
	v42 =	vadd.s32 v29, v43;
	v30 =	vor.u32 v2, v26;
	[tilespmem:$0x1FF80] =	vst v27  }
0xb5: {  	v7 =	vadd.s32 v10, v7;
	[tilespmem:$0x1FF40] =	vst v30;
	v43 =	vsub.f32 $1.000000000e+00, v8;
	v59 =	vsub.f32 $1.000000000e+00, v6  }
0xb6: {  	v2 =	vor.u32 v2, v7;
	v13 =	vld.idx.msk [tilespmem:v11+s3+$0x0], $0xffff  }
0xb7: {  	v11 =	vld.idx.msk [tilespmem:v0+s3+$0x0], $0xffff;
	v0 =	vor.u32 v19, v2;
	v35 =	vmul.f32 v59, v43  }
0xb8: {  	v12 =	vld.idx.msk [tilespmem:v9+s3+$0x0], $0xffff;
	[tilespmem:$0x1FF90] =	vst v0;
	v5 =	vsub.f32 $1.000000000e+00, v23;
	v19 =	vsub.f32 $1.000000000e+00, v58;
	v34 =	vmul.f32 v59, v8  }
0xb9: {  	v9 =	vld.idx.msk [tilespmem:v56+s3+$0x0], $0xffff;
	v2 =	vsub.f32 $1.000000000e+00, v62;
	v10 =	vsub.f32 $1.000000000e+00, v63;
	[tilespmem:$0x1FF60] =	vst v35  }
0xba: {  	v47 =	vor.u32 v47, v3;
	v36 =	vor.u32 v39, v42;
	v59 =	vmul.f32 v19, v5;
	[tilespmem:$0x1FF70] =	vst v34  }
0xbb: {  	v3 =	vor.u32 v14, v47;
	v47 =	vmul.f32 v19, v23;
	v19 =	vmul.f32 v10, v2;
	v7 =	vld.idx.msk [tilespmem:v33+s3+$0x0], $0xffff  }
0xbc: {  	v26 =	vmul.f32 v6, v8;
	v24 =	vmul.f32 v6, v43;
	v6 =	vld.idx.msk [tilespmem:v21+s3+$0x0], $0xffff;
	[tilespmem:$0x1FFB0] =	vst v3  }
0xbd: {  	v39 =	vor.u32 v38, v36;
	v14 =	vld.idx.msk [tilespmem:v30+s3+$0x0], $0xffff;
	[tilespmem:$0x1FFA0] =	vst v19  }
0xbe: {  	[tilespmem:$0x1FFC0] =	vst v39  }
0xbf: {  	v29 =	vld [tilespmem:$0x1FFD0];
	[tilespmem:v1+s23+$0x0] =	vst.idx.msk $0xffff, v16;
	v1 =	vadd.f32 v18, v15  }
0xc0: {  	v43 =	vmul.f32 v10, v62;
	v8 =	vmul.f32 v34, v13;
	v10 =	vld.idx.msk [tilespmem:v28+s3+$0x0], $0xffff  }
0xc1: {  	v12 =	vmul.f32 v47, v12;
	v13 =	vld.idx.msk [tilespmem:v27+s3+$0x0], $0xffff;
	[tilespmem:$0x1FF00] =	vst v1;
	v15 =	vmul.f32 v59, v7  }
0xc2: {  	v16 =	vld.idx.msk [tilespmem:v0+s3+$0x0], $0xffff  }
0xc3: {  	v9 =	vmul.f32 v35, v9;
	v11 =	vmul.f32 v43, v11;
	v12 =	vadd.f32 v12, v15;
	v15 =	vld.idx.msk [tilespmem:v39+s3+$0x0], $0xffff  }
0xc4: {  	v1 =	vmul.f32 v63, v2;
	v6 =	vmul.f32 v19, v6  }
0xc5: {  	v9 =	vadd.f32 v8, v9;
	v2 =	vmul.f32 v14, v24  }
0xc6: {  	v0 =	vmul.f32 v63, v62;
	v11 =	vadd.f32 v11, v6;
	v13 =	vmul.f32 v13, v1  }
0xc7: {  	v14 =	vld.idx.msk [tilespmem:v3+s3+$0x0], $0xffff;
	v2 =	vadd.f32 v2, v9  }
0xc8: {  	[tilespmem:$0x1FDD0] =	vst v1;
	v11 =	vadd.f32 v13, v11;
	v16 =	vmul.f32 v16, v26;
	v15 =	vmul.f32 v15, v0  }
0xc9: {  	s26 =	simm.s32 $0x1C0A0;
	v34 =	vmul.f32 v58, v23;
	v1 =	vor.u32 v29, v17;
	v17 =	vld.idx.msk [tilespmem:v55+s25+$0x0], $0xffff  }
0xca: {  	v8 =	vmul.f32 v58, v5;
	v58 =	vadd.f32 v16, v2;
	v16 =	vld [tilespmem:s26+$0x10];
	[tilespmem:$0x1FDE0] =	vst v0;
	v0 =	vadd.f32 v15, v11;
	_ =	sdelay $0x1  }
0xcb: {  	[tilespmem:$0x1FED0] =	vst v0;
	v0 =	vld [tilespmem:$0x1FE00];
	_ =	sdelay $0x3  }
0xcc: {  	[tilespmem:$0x1FDF0] =	vst v1  }
0xcd: {  	v10 =	vmul.f32 v10, v8;
	[tilespmem:v1+s23+$0x0] =	vst.idx.msk $0xffff, v0  }
0xce: {  	v3 =	vor.u32 v29, v22;
	v0 =	vld [tilespmem:$0x1FE20]  }
0xcf: {  	v12 =	vadd.f32 v10, v12;
	v14 =	vmul.f32 v14, v34  }
0xd0: {  	s17 =	simm.s32 $0x10  }
0xd1: {  	s22 =	simm.s32 $0x14;
	v18 =	vor.u32 s17, v20;
	v55 =	vadd.f32 v14, v12;
	v12 =	vld.idx.msk [tilespmem:v37+s25+$0x0], $0xffff  }
0xd2: {  	v18 =	vand.u32 $0x73, v18;
	v13 =	vmov s17;
	v2 =	vmov s22;
	v15 =	vld.idx.msk [tilespmem:v48+s25+$0x0], $0xffff;
	[tilespmem:$0x1FE10] =	vst v3  }
0xd3: {  	v19 =	vor.u32 s22, v20;
	v13 =	vshll.u32 v13, $0x2;
	v2 =	vshll.u32 v2, $0x2;
	[tilespmem:v3+s23+$0x0] =	vst.idx.msk $0xffff, v0  }
0xd4: {  	v19 =	vand.u32 $0x77, v19;
	v13 =	vand.u32 $0x200, v13;
	v2 =	vand.u32 $0x200, v2;
	v0 =	vld [tilespmem:$0x1FE30]  }
0xd5: {  	v63 =	vor.u32 v18, v13;
	v62 =	vor.u32 v19, v2;
	v2 =	vmul.f32 v17, v57  }
0xd6: {  	v11 =	vshll.u32 v16, $0x3;
	v13 =	vand.u32 $0xFF, v16;
	v14 =	vand.u32 $0x7F, v16  }
0xd7: {  	v18 =	vand.u32 $0xFFFFF800, v16;
	v11 =	vand.u32 $0x400, v11;
	v13 =	vadd.s32 $0x1, v13  }
0xd8: {  	v11 =	vor.u32 v14, v11;
	v14 =	vshrl.u32 v16, $0x8;
	v16 =	vshrl.u32 v16, $0x1  }
0xd9: {  	s28 =	simm.s32 $0x1C8A0;
	v19 =	vshll.u32 v13, $0x3;
	v16 =	vand.u32 $0x380, v16;
	v23 =	vor.u32 v18, v11;
	v17 =	vld.idx.msk [tilespmem:v61+s25+$0x0], $0xffff  }
0xda: {  	v19 =	vand.u32 $0xC00, v19;
	v37 =	vor.u32 v16, v23;
	v23 =	vld [tilespmem:s28+$0x10]  }
0xdb: {  	v10 =	vmov v20;
	v14 =	vadd.s32 $0x1, v14;
	v18 =	vadd.s32 v18, v19;
	v20 =	vld.idx.msk [tilespmem:v31+s25+$0x0], $0xffff  }
0xdc: {  	v13 =	vand.u32 $0x7F, v13;
	v16 =	vor.u32 v16, v18;
	v18 =	vshll.u32 v14, $0x8;
	v31 =	vld.idx.msk [tilespmem:v0+s25+$0x0], $0xffff  }
0xdd: {  	s29 =	simm.s32 $0x1D0A0;
	v14 =	vshll.u32 v14, $0x7;
	v48 =	vor.u32 v13, v16;
	v16 =	vand.u32 $0xFFFFF800, v18;
	v0 =	vld [tilespmem:$0x1FE40]  }
0xde: {  	s14 =	simm.s32 $0x18;
	v18 =	vld [tilespmem:s29+$0x10];
	v14 =	vand.u32 $0x380, v14;
	v11 =	vor.u32 v16, v11  }
0xdf: {  	v22 =	vmov s14;
	v32 =	vld.idx.msk [tilespmem:v32+s25+$0x0], $0xffff;
	v16 =	vadd.s32 v19, v16;
	v21 =	vor.u32 v14, v11  }
0xe0: {  	v19 =	vld.idx.msk [tilespmem:v60+s25+$0x0], $0xffff;
	v14 =	vor.u32 v14, v16;
	v16 =	vshll.u32 v22, $0x2  }
0xe1: {  	v14 =	vor.u32 v13, v14;
	v13 =	vand.u32 $0x200, v16;
	v16 =	vor.u32 s14, v10;
	v22 =	vld.idx.msk [tilespmem:v37+s3+$0x0], $0xffff  }
0xe2: {  	v12 =	vmul.f32 v12, v54;
	v16 =	vand.u32 $0x7B, v16;
	v42 =	vld.idx.msk [tilespmem:v48+s3+$0x0], $0xffff  }
0xe3: {  	s9 =	simm.s32 $0x2C;
	v36 =	vor.u32 v16, v13;
	v13 =	vmul.f32 v17, v50;
	v17 =	vmul.f32 v20, v52;
	v20 =	vld.idx.msk [tilespmem:v25+s25+$0x0], $0xffff  }
0xe4: {  	v35 =	vmov s9;
	v4 =	vsub.f32 $1.000000000e+00, v23;
	v5 =	vsub.f32 $1.000000000e+00, v18;
	v25 =	vld.idx.msk [tilespmem:v21+s3+$0x0], $0xffff  }
0xe5: {  	v12 =	vadd.f32 v12, v2;
	v15 =	vmul.f32 v15, v53;
	v2 =	vmul.f32 v31, v51;
	v53 =	vld.idx.msk [tilespmem:v0+s25+$0x0], $0xffff  }
0xe6: {  	v60 =	vshll.u32 v35, $0x2;
	v31 =	vmul.f32 v5, v4;
	v51 =	vmul.f32 v5, v23;
	v0 =	vld [tilespmem:$0x1FE50]  }
0xe7: {  	v33 =	vor.u32 s9, v10;
	v60 =	vand.u32 $0x200, v60;
	v57 =	vmul.f32 v18, v4;
	v38 =	vld.idx.msk [tilespmem:v14+s3+$0x0], $0xffff  }
0xe8: {  	v52 =	vand.u32 $0x7F, v33;
	v22 =	vmul.f32 v31, v22;
	v54 =	vmul.f32 v51, v42  }
0xe9: {  	v13 =	vadd.f32 v13, v15;
	v15 =	vor.u32 v52, v60  }
0xea: {  	v52 =	vmul.f32 v18, v23;
	v18 =	vadd.f32 v54, v22;
	v22 =	vmul.f32 v25, v57  }
0xeb: {  	v1 =	vld [tilespmem:s28+$0x0];
	v32 =	vmul.f32 v32, v49;
	v4 =	vor.u32 v29, v15;
	v17 =	vadd.f32 v2, v17  }
0xec: {  	v49 =	vld [tilespmem:s26+$0xFFFFFFF0];
	v22 =	vadd.f32 v22, v18;
	v40 =	vmul.f32 v53, v40;
	v53 =	vmul.f32 v38, v52  }
0xed: {  	v15 =	vld [tilespmem:s26+$0x0]  }
0xee: {  	v61 =	vadd.f32 v40, v17;
	v17 =	vadd.f32 v53, v22;
	v50 =	vld.idx.msk [tilespmem:v0+s25+$0x0], $0xffff  }
0xef: {  	v19 =	vmul.f32 v19, v44;
	v0 =	vld [tilespmem:$0x1FE60]  }
0xf0: {  	v25 =	vld [tilespmem:s26+$0xFFFFFFE0];
	[tilespmem:v4+s23+$0x0] =	vst.idx.msk $0xffff, v17  }
0xf1: {  	v12 =	vadd.f32 v32, v12;
	v42 =	vadd.f32 v19, v13;
	v13 =	vmul.f32 v20, v41;
	v22 =	vld.idx.msk [tilespmem:v37+s25+$0x0], $0xffff  }
0xf2: {  	v33 =	vshrl.u32 v49, $0x8;
	v5 =	vshll.u32 v49, $0x3;
	v41 =	vld.idx.msk [tilespmem:v48+s25+$0x0], $0xffff  }
0xf3: {  	v5 =	vand.u32 $0x400, v5;
	v35 =	vadd.f32 v13, v12;
	v12 =	vand.u32 $0xFF, v49  }
0xf4: {  	v19 =	vsub.f32 $1.000000000e+00, v1;
	v20 =	vand.u32 $0xFF, v15;
	v12 =	vadd.s32 $0x1, v12;
	v21 =	vld.idx.msk [tilespmem:v21+s25+$0x0], $0xffff  }
0xf5: {  	v54 =	vshll.u32 v12, $0x3;
	v60 =	vshll.u32 v25, $0x3;
	v53 =	vshll.u32 v15, $0x3;
	v14 =	vld.idx.msk [tilespmem:v14+s25+$0x0], $0xffff  }
0xf6: {  	v40 =	vshrl.u32 v25, $0x8;
	v17 =	vadd.s32 $0x1, v20;
	v38 =	vmul.f32 v50, v45  }
0xf7: {  	v50 =	vshll.u32 v17, $0x3;
	v22 =	vmul.f32 v22, v31;
	v41 =	vmul.f32 v41, v51;
	v11 =	vld.idx.msk [tilespmem:v0+s25+$0x0], $0xffff  }
0xf8: {  	v48 =	vand.u32 $0xC00, v50;
	v50 =	vand.u32 $0x400, v53;
	v53 =	vand.u32 $0x7F, v15  }
0xf9: {  	v31 =	vand.u32 $0xFFFFF800, v25;
	v21 =	vmul.f32 v21, v57;
	v22 =	vadd.f32 v41, v22  }
0xfa: {  	v51 =	vand.u32 $0x7F, v49;
	v50 =	vor.u32 v53, v50;
	v14 =	vmul.f32 v14, v52  }
0xfb: {  	v53 =	vadd.s32 $0x1, v33;
	v45 =	vor.u32 v51, v5;
	v21 =	vadd.f32 v21, v22  }
0xfc: {  	v22 =	vand.u32 $0xFFFFF800, v15;
	v39 =	vmul.f32 v11, v46;
	v11 =	vand.u32 $0xFF, v25  }
0xfd: {  	v5 =	vshrl.u32 v49, $0x1;
	v57 =	vadd.s32 v22, v48;
	v11 =	vadd.s32 $0x1, v11  }
0xfe: {  	v46 =	vand.u32 $0xC00, v54;
	v54 =	vand.u32 $0x400, v60;
	v20 =	vshll.u32 v11, $0x3  }
0xff: {  	v60 =	vand.u32 $0x7F, v25;
	v25 =	vshrl.u32 v25, $0x1;
	v20 =	vand.u32 $0xC00, v20  }
0x100: {  	v32 =	vor.u32 v60, v54;
	v25 =	vand.u32 $0x380, v25;
	v60 =	vadd.s32 v31, v20  }
0x101: {  	v54 =	vand.u32 $0xFFFFF800, v49;
	v31 =	vor.u32 v31, v32;
	v51 =	vor.u32 v25, v60  }
0x102: {  	v41 =	vor.u32 v25, v31;
	v25 =	vadd.s32 v54, v46;
	v31 =	vand.u32 $0x380, v5  }
0x103: {  	v22 =	vor.u32 v22, v50;
	v37 =	vor.u32 v54, v45;
	v25 =	vor.u32 v31, v25  }
0x104: {  	v37 =	vor.u32 v31, v37;
	v31 =	vshrl.u32 v15, $0x8;
	v15 =	vshrl.u32 v15, $0x1  }
0x105: {  	v27 =	vld [tilespmem:s28+$0xFFFFFFF0];
	v60 =	vadd.s32 $0x1, v40;
	v54 =	vadd.s32 $0x1, v31;
	v15 =	vand.u32 $0x380, v15  }
0x106: {  	v49 =	vor.u32 v15, v57;
	v31 =	vor.u32 v15, v22;
	v15 =	vshll.u32 v60, $0x8  }
0x107: {  	v28 =	vld [tilespmem:s29+$0xFFFFFFE0];
	v22 =	vand.u32 $0x7F, v11;
	v11 =	vand.u32 $0xFFFFF800, v15;
	v15 =	vshll.u32 v53, $0x8  }
0x108: {  	v7 =	vld [tilespmem:s29+$0xFFFFFFF0];
	v0 =	vand.u32 $0x7F, v12;
	v60 =	vshll.u32 v60, $0x7;
	v15 =	vand.u32 $0xFFFFF800, v15  }
0x109: {  	v40 =	vor.u32 v0, v25;
	v25 =	vor.u32 v15, v45;
	v45 =	vand.u32 $0x380, v60;
	v60 =	vld [tilespmem:$0x1FE70]  }
0x10a: {  	v13 =	vsub.f32 $1.000000000e+00, v27;
	v18 =	vld [tilespmem:s29+$0x0];
	v3 =	vand.u32 $0x7F, v17;
	v33 =	vadd.f32 v14, v21  }
0x10b: {  	v6 =	vld [tilespmem:$0x1FE80];
	v44 =	vor.u32 v22, v51;
	v53 =	vshll.u32 v53, $0x7;
	v14 =	vor.u32 v11, v32  }
0x10c: {  	v57 =	vld [tilespmem:s28+$0xFFFFFFE0];
	v11 =	vadd.s32 v20, v11;
	v20 =	vshll.u32 v54, $0x8;
	v32 =	vor.u32 v3, v49  }
0x10d: {  	v49 =	vsub.f32 $1.000000000e+00, v7;
	v20 =	vand.u32 $0xFFFFF800, v20;
	v15 =	vadd.s32 v46, v15  }
0x10e: {  	v17 =	vld.idx.msk [tilespmem:v41+s3+$0x0], $0xffff;
	v5 =	vor.u32 v20, v50;
	v51 =	vadd.s32 v48, v20;
	v48 =	vor.u32 v45, v14  }
0x10f: {  	v50 =	vor.u32 v45, v11;
	v11 =	vand.u32 $0x380, v53;
	v20 =	vsub.f32 $1.000000000e+00, v18;
	v21 =	vld.idx.msk [tilespmem:v31+s3+$0x0], $0xffff  }
0x110: {  	v9 =	vmul.f32 v49, v13;
	v46 =	vor.u32 v11, v25;
	v53 =	vor.u32 v11, v15;
	v52 =	vld.idx.msk [tilespmem:v44+s3+$0x0], $0xffff  }
0x111: {  	v11 =	vshll.u32 v54, $0x7;
	v2 =	vsub.f32 $1.000000000e+00, v57;
	v15 =	vsub.f32 $1.000000000e+00, v28;
	[tilespmem:v60+s30+$0x0] =	vst.idx.msk $0xffff, v6;
	v60 =	vld.idx.msk [tilespmem:v37+s3+$0x0], $0xffff  }
0x112: {  	v25 =	vor.u32 v22, v50;
	v14 =	vand.u32 $0x380, v11;
	v50 =	vmul.f32 v20, v19;
	v30 =	vld.idx.msk [tilespmem:v32+s3+$0x0], $0xffff  }
0x113: {  	v45 =	vor.u32 v14, v5;
	v5 =	vmul.f32 v15, v2;
	v6 =	vmul.f32 v15, v57  }
0x114: {  	v12 =	vor.u32 v14, v51;
	v51 =	vmul.f32 v49, v27;
	v49 =	vmul.f32 v20, v1  }
0x115: {  	v20 =	vor.u32 v3, v12;
	v3 =	vmul.f32 v5, v17;
	v52 =	vmul.f32 v6, v52  }
0x116: {  	v22 =	vor.u32 v0, v53;
	v21 =	vmul.f32 v50, v21;
	v53 =	vmul.f32 v9, v60  }
0x117: {  	v60 =	vmul.f32 v28, v2;
	v2 =	vadd.f32 v52, v3;
	v3 =	vmul.f32 v49, v30  }
0x118: {  	v17 =	vor.u32 v29, v63  }
0x119: {  	v21 =	vadd.f32 v3, v21;
	v3 =	vor.u32 v29, v62  }
0x11a: {  	v54 =	vld.idx.msk [tilespmem:v40+s3+$0x0], $0xffff  }
0x11b: {  	v23 =	vld.idx.msk [tilespmem:v48+s3+$0x0], $0xffff;
	[tilespmem:$0x1FEA0] =	vst v5  }
0x11c: {  	[tilespmem:$0x1FE90] =	vst v6  }
0x11d: {  	[tilespmem:v17+s23+$0x0] =	vst.idx.msk $0xffff, v58  }
0x11e: {  	v0 =	vld.idx.msk [tilespmem:v46+s3+$0x0], $0xffff;
	[tilespmem:v3+s23+$0x0] =	vst.idx.msk $0xffff, v55  }
0x11f: {  	v6 =	vld [tilespmem:$0x1FEC0]  }
0x120: {  	v52 =	vmul.f32 v7, v13;
	v13 =	vmul.f32 v23, v60;
	v23 =	vld.idx.msk [tilespmem:v25+s3+$0x0], $0xffff  }
0x121: {  	s17 =	simm.s32 $0x20  }
0x122: {  	v12 =	vmul.f32 v51, v54;
	v58 =	vmul.f32 v18, v19;
	v19 =	vmov s17  }
0x123: {  	v54 =	vmul.f32 v28, v57;
	v57 =	vmul.f32 v18, v1;
	v18 =	vshll.u32 v19, $0x2  }
0x124: {  	v63 =	vadd.f32 v12, v53;
	v53 =	vmul.f32 v7, v27;
	v27 =	vor.u32 s17, v10  }
0x125: {  	v2 =	vadd.f32 v13, v2;
	v13 =	vmul.f32 v0, v52;
	v23 =	vmul.f32 v23, v54  }
0x126: {  	v18 =	vand.u32 $0x200, v18;
	v27 =	vand.u32 $0x73, v27  }
0x127: {  	v13 =	vadd.f32 v13, v63;
	v63 =	vadd.f32 v23, v2;
	v2 =	vor.u32 v27, v18;
	v18 =	vld.idx.msk [tilespmem:v6+s25+$0x0], $0xffff  }
0x128: {  	v36 =	vor.u32 v29, v36;
	v6 =	vld [tilespmem:$0x1FED0];
	_ =	sdelay $0x4  }
0x129: {  	v15 =	vmov v3;
	v3 =	vld [tilespmem:$0x1FEB0];
	[tilespmem:v36+s23+$0x0] =	vst.idx.msk $0xffff, v6  }
0x12a: {  	v5 =	vld [tilespmem:$0x1FEE0]  }
0x12b: {  	v55 =	vld [tilespmem:$0x1FEF0]  }
0x12c: {  	v28 =	vld.idx.msk [tilespmem:v22+s3+$0x0], $0xffff;
	_ =	sdelay $0x1  }
0x12d: {  	v6 =	vld [tilespmem:$0x1FF00];
	_ =	sdelay $0x2  }
0x12e: {  	v28 =	vmul.f32 v28, v53  }
0x12f: {  	v0 =	vld.idx.msk [tilespmem:v56+s25+$0x0], $0xffff  }
0x130: {  	v62 =	vadd.f32 v28, v13;
	v13 =	vld.idx.msk [tilespmem:v5+s25+$0x0], $0xffff;
	[tilespmem:v55+s30+$0x0] =	vst.idx.msk $0xffff, v6  }
0x131: {  	v5 =	vld [tilespmem:$0x1FF10]  }
0x132: {  	v56 =	vld [tilespmem:$0x1FF20];
	_ =	sdelay $0x5  }
0x133: {  	v30 =	vld.idx.msk [tilespmem:v45+s3+$0x0], $0xffff  }
0x134: {  	v19 =	vld.idx.msk [tilespmem:v20+s3+$0x0], $0xffff  }
0x135: {  	v16 =	vmov v36;
	v36 =	vld.idx.msk [tilespmem:v5+s25+$0x0], $0xffff;
	[tilespmem:v56+s30+$0x0] =	vst.idx.msk $0xffff, v35  }
0x136: {  	v5 =	vld [tilespmem:$0x1FF30];
	[tilespmem:v4+s30+$0x0] =	vst.idx.msk $0xffff, v33  }
0x137: {  	v35 =	vld [tilespmem:$0x1FF60]  }
0x138: {  	v1 =	vmul.f32 v30, v58;
	_ =	sdelay $0x1  }
0x139: {  	v19 =	vmul.f32 v19, v57;
	v1 =	vadd.f32 v1, v21  }
0x13a: {  	v3 =	vld.idx.msk [tilespmem:v3+s25+$0x0], $0xffff  }
0x13b: {  	v56 =	vadd.f32 v19, v1;
	v19 =	vmul.f32 v0, v35;
	v0 =	vld [tilespmem:$0x1FF70]  }
0x13c: {  	s26 =	simm.s32 $0x28  }
0x13d: {  	v23 =	vmov s26  }
0x13e: {  	v30 =	vor.u32 s26, v10;
	v23 =	vshll.u32 v23, $0x2  }
0x13f: {  	v30 =	vand.u32 $0x7B, v30;
	v23 =	vand.u32 $0x200, v23;
	v4 =	vld [tilespmem:$0x1FF40]  }
0x140: {  	v1 =	vor.u32 v30, v23;
	v23 =	vmul.f32 v3, v0;
	v0 =	vld [tilespmem:$0x1FF80];
	_ =	sdelay $0x3  }
0x141: {  	s22 =	simm.s32 $0x24  }
0x142: {  	v21 =	vmov s22  }
0x143: {  	v21 =	vshll.u32 v21, $0x2;
	v28 =	vor.u32 s22, v10;
	v33 =	vld [tilespmem:$0x1FF50]  }
0x144: {  	v27 =	vand.u32 $0x200, v21;
	v28 =	vand.u32 $0x77, v28;
	v21 =	vld.idx.msk [tilespmem:v4+s25+$0x0], $0xffff  }
0x145: {  	v4 =	vor.u32 v28, v27;
	v28 =	vld.idx.msk [tilespmem:v0+s25+$0x0], $0xffff  }
0x146: {  	v0 =	vld [tilespmem:$0x1FF90];
	_ =	sdelay $0x6  }
0x147: {  	v27 =	vld.idx.msk [tilespmem:v33+s25+$0x0], $0xffff  }
0x148: {  	v33 =	vadd.f32 v38, v42;
	v42 =	vld.idx.msk [tilespmem:v0+s25+$0x0], $0xffff  }
0x149: {  	v0 =	vld [tilespmem:$0x1FFA0];
	_ =	sdelay $0x4  }
0x14a: {  	v30 =	vmul.f32 v18, v59;
	v18 =	vmul.f32 v36, v0;
	v0 =	vld [tilespmem:$0x1FFB0];
	_ =	sdelay $0x7  }
0x14b: {  	v35 =	vadd.f32 v39, v61;
	v39 =	vld.idx.msk [tilespmem:v0+s25+$0x0], $0xffff  }
0x14c: {  	v0 =	vld [tilespmem:$0x1FFC0];
	_ =	sdelay $0x2  }
0x14d: {  	v55 =	vld.idx.msk [tilespmem:v5+s25+$0x0], $0xffff;
	_ =	sdelay $0x3  }
0x14e: {  	v14 =	vmovc v9;
	v13 =	vmul.f32 v13, v47;
	v47 =	vor.u32 v29, v4;
	v23 =	vadd.f32 v23, v19  }
0x14f: {  	s17 =	simm.s32 $0x8;
	s22 =	simm.s32 $0x1C0E0;
	s26 =	sshll.u32 s19, $0xB;
	v19 =	vmul.f32 v55, v43;
	v55 =	vor.u32 v29, v2;
	v2 =	vor.u32 v29, v1;
	v43 =	vld.idx.msk [tilespmem:v0+s25+$0x0], $0xffff  }
.LBB2_4:
0x150: {  	v0 =	vmov v51  }
0x151: {  	[tilespmem:$0x1FD80] =	vst v0;
	v0 =	vld [tilespmem:$0x1FDD0];
	_ =	sdelay $0x3  }
0x152: {  	v4 =	vmul.f32 v21, v24  }
0x153: {  	v7 =	vmul.f32 v27, v8;
	v24 =	vadd.f32 v19, v18;
	v8 =	vmul.f32 v28, v0  }
0x154: {  	v0 =	vmov v49  }
0x155: {  	[tilespmem:$0x1FDC0] =	vst v0;
	v0 =	vadd.f32 v8, v24  }
0x156: {  	[tilespmem:v55+s23+$0x0] =	vst.idx.msk $0xffff, v63  }
0x157: {  	[tilespmem:$0x1FD90] =	vst v0;
	v0 =	vld.idx.msk [tilespmem:v41+s25+$0x0], $0xffff;
	_ =	sdelay $0x4  }
0x158: {  	[tilespmem:$0x1FD50] =	vst v0;
	v0 =	vmul.f32 v39, v34;
	_ =	sdelay $0x1  }
0x159: {  	[tilespmem:$0x1FD70] =	vst v0;
	v0 =	vld [tilespmem:$0x1FDE0];
	_ =	sdelay $0x4  }
0x15a: {  	v0 =	vmul.f32 v43, v0;
	_ =	sdelay $0x1  }
0x15b: {  	[tilespmem:$0x1FDA0] =	vst v0;
	v0 =	vld [tilespmem:$0x1FDF0];
	_ =	sdelay $0x2  }
0x15c: {  	v36 =	vld [tilespmem:s22+$0x10]  }
0x15d: {  	v51 =	vld [tilespmem:s22+$0xFFFFFFF0]  }
0x15e: {  	v3 =	vmov v50;
	v50 =	vld [tilespmem:s22+$0x0]  }
0x15f: {  	v21 =	vadd.f32 v13, v30;
	[tilespmem:$0x1FDB0] =	vst v3;
	v3 =	vmul.f32 v42, v26;
	v27 =	vadd.f32 v4, v23  }
0x160: {  	[tilespmem:v47+s23+$0x0] =	vst.idx.msk $0xffff, v62  }
0x161: {  	v1 =	vadd.f32 v7, v21;
	v5 =	vadd.f32 v3, v27;
	[tilespmem:v0+s30+$0x0] =	vst.idx.msk $0xffff, v33;
	v0 =	vld [tilespmem:$0x1FE10]  }
0x162: {  	v6 =	vshrl.u32 v36, $0x8;
	v9 =	vand.u32 $0xFF, v36;
	v10 =	vand.u32 $0xFFFFF800, v36;
	v49 =	vld [tilespmem:s22+$0xFFFFFFE0]  }
0x163: {  	v21 =	vand.u32 $0x7F, v36;
	v62 =	vand.u32 $0xFF, v51;
	v63 =	vand.u32 $0xFF, v50  }
0x164: {  	v7 =	vand.u32 $0xFFFFF800, v50;
	v27 =	vadd.s32 $0x1, v9;
	v9 =	vshll.u32 v36, $0x3  }
0x165: {  	[tilespmem:v2+s23+$0x0] =	vst.idx.msk $0xffff, v56;
	v28 =	vshrl.u32 v36, $0x1;
	v56 =	vadd.s32 $0x1, v6;
	v6 =	vand.u32 $0x7F, v51  }
0x166: {  	s28 =	sadd.s32 $0x40, s28;
	v12 =	vld [tilespmem:$0x1FFF0];
	v9 =	vand.u32 $0x400, v9;
	v38 =	vshll.u32 v27, $0x3;
	v28 =	vand.u32 $0x380, v28  }
0x167: {  	v42 =	vld [tilespmem:s28+$0x10];
	v23 =	vmovc v60;
	v59 =	vand.u32 $0x7F, v27;
	v60 =	vshll.u32 v56, $0x8;
	v61 =	vand.u32 $0xFF, v49  }
0x168: {  	v3 =	vmovc v57;
	v57 =	vand.u32 $0xC00, v38;
	v41 =	vadd.s32 $0x1, v61;
	v61 =	vshll.u32 v50, $0x3  }
0x169: {  	v24 =	vand.u32 $0x7F, v50;
	v27 =	vadd.s32 v10, v57;
	v61 =	vand.u32 $0x400, v61;
	v33 =	vld.idx.msk [tilespmem:v44+s25+$0x0], $0xffff;
	[tilespmem:v0+s30+$0x0] =	vst.idx.msk $0xffff, v35  }
0x16a: {  	s9 =	sadd.s32 $0x10, s9;
	v24 =	vor.u32 v24, v61;
	v61 =	vand.u32 $0x7F, v41;
	v0 =	vmovc v58;
	v36 =	vld.idx.msk [tilespmem:v31+s25+$0x0], $0xffff;
	v31 =	vor.u32 v21, v9  }
0x16b: {  	v34 =	vor.u32 s9, v12;
	[tilespmem:v17+s30+$0x0] =	vst.idx.msk $0xffff, v5;
	v30 =	vld.idx.msk [tilespmem:v37+s25+$0x0], $0xffff;
	v37 =	vshll.u32 v56, $0x7;
	v58 =	vor.u32 v10, v31  }
0x16c: {  	v5 =	vsub.f32 $1.000000000e+00, v42;
	v37 =	vand.u32 $0x380, v37;
	[tilespmem:$0x1FDD0] =	vst v0;
	v38 =	vld.idx.msk [tilespmem:v32+s25+$0x0], $0xffff;
	v32 =	vor.u32 v28, v58  }
0x16d: {  	v0 =	vmovc v16;
	v28 =	vor.u32 v28, v27;
	v27 =	vld.idx.msk [tilespmem:v46+s25+$0x0], $0xffff;
	v16 =	vmovc v2;
	v2 =	vand.u32 $0xFFFFF800, v60;
	v46 =	vadd.s32 $0x1, v63  }
0x16e: {  	s29 =	sadd.s32 $0x40, s29;
	v60 =	vshll.u32 v51, $0x3;
	v44 =	vor.u32 v59, v28;
	v28 =	vld.idx.msk [tilespmem:v45+s25+$0x0], $0xffff;
	v31 =	vor.u32 v2, v31  }
0x16f: {  	[tilespmem:$0x1FE10] =	vst v0;
	v45 =	vld [tilespmem:s29+$0x10];
	v2 =	vadd.s32 v57, v2;
	v4 =	vshll.u32 v46, $0x3;
	v0 =	vmov s9  }
0x170: {  	v60 =	vand.u32 $0x400, v60;
	v31 =	vor.u32 v37, v31;
	v2 =	vor.u32 v37, v2  }
0x171: {  	v35 =	vld.idx.msk [tilespmem:v40+s25+$0x0], $0xffff;
	v26 =	vand.u32 $0x7F, v46;
	v37 =	vadd.s32 $0x1, v62;
	v40 =	vor.u32 v59, v2  }
0x172: {  	v58 =	vand.u32 $0xC00, v4;
	v0 =	vshll.u32 v0, $0x2;
	v6 =	vor.u32 v6, v60;
	v39 =	vld.idx.msk [tilespmem:v32+s3+$0x0], $0xffff  }
0x173: {  	v2 =	vshll.u32 v41, $0x3;
	v43 =	vshll.u32 v37, $0x3;
	v59 =	vshll.u32 v49, $0x3;
	v57 =	vld.idx.msk [tilespmem:v44+s3+$0x0], $0xffff  }
0x174: {  	v19 =	vmovc v52;
	v21 =	vld.idx.msk [tilespmem:v48+s25+$0x0], $0xffff;
	v0 =	vand.u32 $0x200, v0;
	v52 =	vand.u32 $0xC00, v2;
	v2 =	vsub.f32 $1.000000000e+00, v45  }
0x175: {  	v18 =	vmovc v54;
	[tilespmem:$0x1FD60] =	vst v1;
	v1 =	vmovc v15;
	v10 =	vand.u32 $0x7F, v37;
	v54 =	vand.u32 $0xC00, v43;
	v43 =	vand.u32 $0x7F, v34;
	v62 =	vld.idx.msk [tilespmem:v31+s3+$0x0], $0xffff  }
0x176: {  	[tilespmem:$0x1FDF0] =	vst v1;
	v59 =	vand.u32 $0x400, v59;
	v48 =	vmul.f32 v2, v5;
	v63 =	vmul.f32 v2, v42;
	v1 =	vld.idx.msk [tilespmem:v40+s3+$0x0], $0xffff  }
0x177: {  	[tilespmem:$0x1FDE0] =	vst v3;
	v0 =	vor.u32 v43, v0;
	v3 =	vmul.f32 v45, v5;
	v45 =	vmul.f32 v45, v42  }
0x178: {  	v43 =	vld.idx.msk [tilespmem:v20+s25+$0x0], $0xffff;
	v20 =	vand.u32 $0x7F, v49;
	v39 =	vmul.f32 v48, v39;
	v34 =	vmul.f32 v63, v57  }
0x179: {  	v0 =	vor.u32 v29, v0;
	v42 =	vld.idx.msk [tilespmem:v25+s25+$0x0], $0xffff;
	v25 =	vshrl.u32 v49, $0x8;
	v5 =	vand.u32 $0xFFFFF800, v51  }
0x17a: {  	v25 =	vadd.s32 $0x1, v25;
	v4 =	vadd.f32 v34, v39;
	v34 =	vmul.f32 v62, v3  }
0x17b: {  	v9 =	vshll.u32 v25, $0x8;
	v39 =	vld.idx.msk [tilespmem:v22+s25+$0x0], $0xffff;
	v22 =	vand.u32 $0xFFFFF800, v49;
	v1 =	vmul.f32 v1, v45  }
0x17c: {  	v49 =	vshrl.u32 v49, $0x1;
	v62 =	vshrl.u32 v51, $0x8;
	v4 =	vadd.f32 v34, v4  }
0x17d: {  	v8 =	vadd.s32 v22, v52;
	v49 =	vand.u32 $0x380, v49;
	v60 =	vadd.s32 $0x1, v62  }
0x17e: {  	v8 =	vor.u32 v49, v8;
	v11 =	vshll.u32 v60, $0x8;
	v1 =	vadd.f32 v1, v4  }
0x17f: {  	v34 =	vand.u32 $0xFFFFF800, v9;
	v9 =	vand.u32 $0xFFFFF800, v11;
	v4 =	vshrl.u32 v51, $0x1  }
0x180: {  	v51 =	vshrl.u32 v50, $0x8;
	v50 =	vshrl.u32 v50, $0x1;
	v4 =	vand.u32 $0x380, v4;
	[tilespmem:v0+s23+$0x0] =	vst.idx.msk $0xffff, v1  }
0x181: {  	v51 =	vadd.s32 $0x1, v51;
	v50 =	vand.u32 $0x380, v50;
	v1 =	vor.u32 v20, v59;
	v32 =	vld.idx.msk [tilespmem:v32+s25+$0x0], $0xffff  }
0x182: {  	v20 =	vadd.s32 v5, v54;
	v59 =	vadd.s32 v7, v58;
	v5 =	vor.u32 v5, v6;
	v44 =	vld.idx.msk [tilespmem:v44+s25+$0x0], $0xffff  }
0x183: {  	v7 =	vor.u32 v7, v24;
	v6 =	vor.u32 v9, v6;
	v31 =	vld.idx.msk [tilespmem:v31+s25+$0x0], $0xffff;
	v22 =	vor.u32 v22, v1  }
0x184: {  	v20 =	vor.u32 v4, v20;
	v59 =	vor.u32 v50, v59;
	v62 =	vld.idx.msk [tilespmem:v40+s25+$0x0], $0xffff;
	v37 =	vor.u32 v4, v5  }
0x185: {  	v13 =	vmovc v53;
	v53 =	vld [tilespmem:s29+$0xFFFFFFE0];
	v1 =	vor.u32 v34, v1;
	v41 =	vor.u32 v49, v22;
	v22 =	vshll.u32 v51, $0x7  }
0x186: {  	v56 =	vld [tilespmem:s28+$0x0];
	v40 =	vor.u32 v10, v20;
	v22 =	vand.u32 $0x380, v22;
	v48 =	vmul.f32 v32, v48  }
0x187: {  	v2 =	vld [tilespmem:s29+$0xFFFFFFF0];
	v63 =	vmul.f32 v44, v63;
	v44 =	vor.u32 v61, v8;
	v8 =	vshll.u32 v51, $0x8  }
0x188: {  	v17 =	vmovc v55;
	v55 =	vld [tilespmem:s28+$0xFFFFFFF0];
	v32 =	vor.u32 v26, v59;
	v3 =	vmul.f32 v31, v3;
	v31 =	vor.u32 v50, v7  }
0x189: {  	v62 =	vmul.f32 v62, v45;
	v7 =	vshll.u32 v25, $0x7;
	v8 =	vand.u32 $0xFFFFF800, v8  }
0x18a: {  	v15 =	vmovc v47;
	v47 =	vld [tilespmem:s28+$0xFFFFFFE0];
	v7 =	vand.u32 $0x380, v7;
	v20 =	vadd.f32 v63, v48;
	v24 =	vor.u32 v8, v24  }
0x18b: {  	v57 =	vld [tilespmem:s29+$0x0];
	v48 =	vor.u32 v7, v1;
	v63 =	vadd.s32 v54, v9;
	v9 =	vsub.f32 $1.000000000e+00, v53  }
0x18c: {  	v5 =	vld.idx.msk [tilespmem:v40+s3+$0x0], $0xffff;
	v1 =	vadd.s32 v52, v34;
	v34 =	vsub.f32 $1.000000000e+00, v2;
	v54 =	vsub.f32 $1.000000000e+00, v56  }
0x18d: {  	v45 =	vor.u32 v22, v24;
	v24 =	vsub.f32 $1.000000000e+00, v55;
	v3 =	vadd.f32 v3, v20  }
0x18e: {  	v1 =	vor.u32 v7, v1;
	v20 =	vshll.u32 v60, $0x7;
	v51 =	vmul.f32 v34, v55  }
0x18f: {  	v11 =	vld.idx.msk [tilespmem:v44+s3+$0x0], $0xffff;
	v20 =	vand.u32 $0x380, v20;
	v52 =	vmul.f32 v2, v24;
	v3 =	vadd.f32 v62, v3  }
0x190: {  	v59 =	vld.idx.msk [tilespmem:v32+s3+$0x0], $0xffff;
	v46 =	vor.u32 v20, v6;
	v6 =	vadd.s32 v58, v8;
	v8 =	vsub.f32 $1.000000000e+00, v47  }
0x191: {  	v7 =	vld.idx.msk [tilespmem:v31+s3+$0x0], $0xffff;
	v4 =	vor.u32 v20, v63;
	v58 =	vsub.f32 $1.000000000e+00, v57;
	v5 =	vmul.f32 v51, v5  }
0x192: {  	v6 =	vor.u32 v22, v6;
	v22 =	vor.u32 v10, v4;
	[tilespmem:v0+s30+$0x0] =	vst.idx.msk $0xffff, v3;
	v0 =	vld.idx.msk [tilespmem:v41+s3+$0x0], $0xffff  }
0x193: {  	v4 =	vmul.f32 v9, v47;
	v10 =	vmul.f32 v34, v24;
	v3 =	vld.idx.msk [tilespmem:v37+s3+$0x0], $0xffff  }
0x194: {  	v25 =	vor.u32 v61, v1;
	v62 =	vld.idx.msk [tilespmem:v48+s3+$0x0], $0xffff;
	v1 =	vmul.f32 v9, v8;
	v50 =	vmul.f32 v58, v54  }
0x195: {  	s11 =	sadd.s32 $0xFFFFFFFC, s9;
	v49 =	vmul.f32 v58, v56;
	v60 =	vmul.f32 v53, v8;
	v9 =	vld.idx.msk [tilespmem:v46+s3+$0x0], $0xffff  }
0x196: {  	v34 =	vmov s11;
	v61 =	vld.idx.msk [tilespmem:v45+s3+$0x0], $0xffff;
	v58 =	vmul.f32 v57, v54;
	v54 =	vmul.f32 v53, v47  }
0x197: {  	v20 =	vor.u32 v26, v6;
	v11 =	vmul.f32 v4, v11;
	v29 =	vld.idx.msk [tilespmem:v22+s3+$0x0], $0xffff;
	v0 =	vmul.f32 v1, v0  }
0x198: {  	v34 =	vshll.u32 v34, $0x2;
	v59 =	vmul.f32 v49, v59;
	v3 =	vmul.f32 v10, v3  }
0x199: {  	v7 =	vmul.f32 v50, v7;
	v0 =	vadd.f32 v11, v0;
	v11 =	vmul.f32 v62, v60  }
0x19a: {  	v53 =	vmul.f32 v2, v55;
	v3 =	vadd.f32 v5, v3;
	v9 =	vmul.f32 v9, v52  }
0x19b: {  	v63 =	vld.idx.msk [tilespmem:v25+s3+$0x0], $0xffff;
	v5 =	vadd.f32 v59, v7;
	v62 =	vmul.f32 v61, v58;
	v0 =	vadd.f32 v11, v0  }
0x19c: {  	s14 =	sadd.s32 $0xFFFFFFF4, s9;
	v11 =	vor.u32 s11, v12;
	v3 =	vadd.f32 v9, v3;
	v9 =	vmul.f32 v29, v53  }
0x19d: {  	v6 =	vmov s14;
	v29 =	vand.u32 $0x200, v34;
	v11 =	vand.u32 $0x7B, v11  }
0x19e: {  	s12 =	sadd.s32 $0xFFFFFFF8, s9;
	v5 =	vadd.f32 v62, v5;
	v62 =	vadd.f32 v9, v3;
	v3 =	vor.u32 v11, v29;
	v29 =	vld [tilespmem:$0x1FFD0]  }
0x19f: {  	v24 =	vor.u32 s12, v12;
	v26 =	vmov s12;
	v6 =	vshll.u32 v6, $0x2  }
0x1a0: {  	v26 =	vshll.u32 v26, $0x2;
	v2 =	vmul.f32 v63, v54;
	v7 =	vor.u32 s14, v12  }
0x1a1: {  	v6 =	vand.u32 $0x200, v6;
	v26 =	vand.u32 $0x200, v26;
	v7 =	vand.u32 $0x73, v7  }
0x1a2: {  	v12 =	vand.u32 $0x77, v24;
	v63 =	vadd.f32 v2, v0;
	v0 =	vor.u32 v7, v6  }
0x1a3: {  	v2 =	vor.u32 v12, v26;
	v55 =	vor.u32 v29, v0;
	v0 =	vld [tilespmem:$0x1FEA0]  }
0x1a4: {  	v47 =	vor.u32 v29, v2;
	v2 =	vor.u32 v29, v3;
	v3 =	vld [tilespmem:$0x1FD50];
	_ =	sdelay $0x4  }
0x1a5: {  	v0 =	vmul.f32 v3, v0;
	v3 =	vld [tilespmem:$0x1FE90];
	_ =	sdelay $0x4  }
0x1a6: {  	v59 =	vmov v1;
	v1 =	vld [tilespmem:$0x1FD80];
	v3 =	vmul.f32 v33, v3  }
0x1a7: {  	v8 =	vld.idx.msk [tilespmem:v20+s3+$0x0], $0xffff  }
0x1a8: {  	v24 =	vmov v23;
	v23 =	vadd.f32 v3, v0;
	v0 =	vld [tilespmem:$0x1FDB0]  }
0x1a9: {  	v61 =	vld [tilespmem:$0x1FDA0]  }
0x1aa: {  	v6 =	vld [tilespmem:$0x1FD70]  }
0x1ab: {  	v34 =	vmov v13;
	v13 =	vmul.f32 v35, v1;
	v1 =	vld [tilespmem:$0x1FD90]  }
0x1ac: {  	s17 =	sadd.s32 $0x4, s17;
	v57 =	vmul.f32 v57, v56;
	v33 =	vld [tilespmem:$0x1FD60]  }
0x1ad: {  	p0 =	slt.u32 s17, $0x3C;
	v26 =	vmov v18;
	v18 =	vmul.f32 v36, v0;
	v0 =	vld [tilespmem:$0x1FDC0]  }
.Ltmp0:
0x1ae: {  	v8 =	vmul.f32 v8, v57;
	(pc) =	sbr.rel @p0 .LBB2_4-.Ltmp0, $4  }
0x1af: {  	_ = 	snop  }
0x1b0: {  	v30 =	vmul.f32 v30, v14  }
0x1b1: {  	v56 =	vadd.f32 v8, v5;
	[tilespmem:$0x1FEA0] =	vst v59;
	v35 =	vadd.f32 v61, v1;
	v1 =	vmov v4  }
0x1b2: {  	s22 =	sadd.s32 $0x40, s22;
	v14 =	vmovc v10;
	v8 =	vmov v19;
	[tilespmem:$0x1FE90] =	vst v1;
	v33 =	vadd.f32 v6, v33;
	v19 =	vmul.f32 v38, v0  }
0x1b3: {  	_ =	sdelay $0x3  }
0x1b4: {  	[tilespmem:v55+s23+$0x0] =	vst.idx.msk $0xffff, v63  }
0x1b5: {  	[tilespmem:v47+s23+$0x0] =	vst.idx.msk $0xffff, v62  }
0x1b6: {  	[tilespmem:v2+s23+$0x0] =	vst.idx.msk $0xffff, v56  }
0x1b7: {  	v12 =	vld [tilespmem:$0x1FDE0];
	_ =	sdelay $0x4  }
0x1b8: {  	v9 =	vadd.f32 v19, v18;
	v19 =	vmul.f32 v43, v12;
	v12 =	vld [tilespmem:$0x1FDF0];
	_ =	sdelay $0x7  }
0x1b9: {  	v10 =	vld [tilespmem:$0x1FDD0];
	[tilespmem:v12+s30+$0x0] =	vst.idx.msk $0xffff, v33  }
0x1ba: {  	v12 =	vld [tilespmem:$0x1FE10];
	_ =	sdelay $0x6  }
0x1bb: {  	v0 =	vld.idx.msk [tilespmem:v41+s25+$0x0], $0xffff  }
0x1bc: {  	v1 =	vld.idx.msk [tilespmem:v44+s25+$0x0], $0xffff;
	[tilespmem:v12+s30+$0x0] =	vst.idx.msk $0xffff, v35  }
0x1bd: {  	v12 =	vld [tilespmem:$0x1FEA0]  }
0x1be: {  	v3 =	vld.idx.msk [tilespmem:v37+s25+$0x0], $0xffff  }
0x1bf: {  	v4 =	vld.idx.msk [tilespmem:v40+s25+$0x0], $0xffff  }
0x1c0: {  	v7 =	vld.idx.msk [tilespmem:v31+s25+$0x0], $0xffff  }
0x1c1: {  	v5 =	vmul.f32 v21, v24;
	v11 =	vld.idx.msk [tilespmem:v32+s25+$0x0], $0xffff  }
0x1c2: {  	v6 =	vadd.f32 v13, v30;
	v0 =	vmul.f32 v0, v12;
	v12 =	vld [tilespmem:$0x1FE90]  }
0x1c3: {  	v8 =	vmul.f32 v27, v8;
	v13 =	vmul.f32 v42, v26;
	v38 =	vld.idx.msk [tilespmem:v46+s25+$0x0], $0xffff;
	v5 =	vadd.f32 v5, v23  }
0x1c4: {  	v18 =	vld.idx.msk [tilespmem:v48+s25+$0x0], $0xffff;
	v37 =	vmul.f32 v39, v34  }
0x1c5: {  	v6 =	vadd.f32 v8, v6;
	v5 =	vadd.f32 v13, v5;
	v13 =	vld.idx.msk [tilespmem:v45+s25+$0x0], $0xffff;
	v10 =	vmul.f32 v28, v10  }
0x1c6: {  	v21 =	vld.idx.msk [tilespmem:v25+s25+$0x0], $0xffff;
	v3 =	vmul.f32 v3, v14;
	v4 =	vmul.f32 v4, v51  }
0x1c7: {  	v39 =	vld.idx.msk [tilespmem:v22+s25+$0x0], $0xffff;
	v6 =	vadd.f32 v37, v6;
	v7 =	vmul.f32 v7, v50;
	v1 =	vmul.f32 v1, v12  }
0x1c8: {  	v14 =	vld.idx.msk [tilespmem:v20+s25+$0x0], $0xffff;
	v40 =	vmul.f32 v11, v49;
	v41 =	vmul.f32 v38, v52;
	v36 =	vadd.f32 v10, v9  }
0x1c9: {  	v3 =	vadd.f32 v4, v3;
	v0 =	vadd.f32 v1, v0;
	v1 =	vmul.f32 v18, v60  }
0x1ca: {  	v7 =	vadd.f32 v40, v7;
	v42 =	vmul.f32 v13, v58;
	v8 =	vadd.f32 v19, v36  }
0x1cb: {  	v3 =	vadd.f32 v41, v3;
	v0 =	vadd.f32 v1, v0;
	v1 =	vmul.f32 v21, v54  }
0x1cc: {  	v43 =	vadd.f32 v42, v7;
	[tilespmem:v17+s30+$0x0] =	vst.idx.msk $0xffff, v5;
	v5 =	vmul.f32 v39, v53  }
0x1cd: {  	v44 =	vmul.f32 v14, v57;
	[tilespmem:v15+s30+$0x0] =	vst.idx.msk $0xffff, v6;
	v0 =	vadd.f32 v1, v0  }
0x1ce: {  	p0 =	seq.s32 s19, $0x26;
	[tilespmem:v16+s30+$0x0] =	vst.idx.msk $0xffff, v8;
	v1 =	vadd.f32 v5, v3  }
0x1cf: {  	s9 =	sadd.s32 @!p0 s26, s16;
	[tilespmem:v55+s30+$0x0] =	vst.idx.msk $0xffff, v0;
	v0 =	vadd.f32 v44, v43  }
0x1d0: {  	s9 =	sshrl.u32 @!p0 s9, $0x3;
	[tilespmem:v47+s30+$0x0] =	vst.idx.msk $0xffff, v1  }
0x1d1: {  	s12 =	simm.s32 @!p0 $0x0;
	s14 =	simm.s32 @!p0 $0x1C000;
	s11 =	sadd.s32 @!p0 s5, s9;
	[tilespmem:v2+s30+$0x0] =	vst.idx.msk $0xffff, v0  }
0x1d2: {  	[tilespmem:s14], [sflag:$0x1] =	stream.linear.gather @!p0 [hbm4b:s11+s12], $0x400, $0x38;
	[tilespmem:$0x1EC00] =	vst v63  }
0x1d3: {  	s11 =	sadd.s32 @!p0 s6, s9;
	s14 =	simm.s32 @!p0 $0x1C800  }
0x1d4: {  	[tilespmem:s14], [sflag:$0x1] =	stream.linear.gather @!p0 [hbm4b:s11+s12], $0x400, $0x38;
	[tilespmem:$0x1EC00] =	vst v63  }
0x1d5: {  	s22 =	sadd.s32 s20, s26;
	s9 =	sadd.s32 @!p0 s7, s9;
	s11 =	simm.s32 @!p0 $0x1D000  }
0x1d6: {  	[tilespmem:s11], [sflag:$0x1] =	stream.linear.gather @!p0 [hbm4b:s9+s12], $0x400, $0x38;
	[tilespmem:$0x1EC00] =	vst v63  }
0x1d7: {  	s9 =	sshrl.u32 s22, $0x3  }
0x1d8: {  	s11 =	sadd.s32 s21, s26;
	s9 =	sadd.s32 s2, s9  }
0x1d9: {  	[hbm4b:s9+s3] =	stream.linear.scatter [tilespmem:s23], [sflag:$0x3], $0x400, $0x38;
	[tilespmem:$0x1EC00] =	vst v63  }
0x1da: {  	s9 =	sshrl.u32 s11, $0x3  }
0x1db: {  	s9 =	sadd.s32 s2, s9  }
0x1dc: {  	[hbm4b:s9+s3] =	stream.linear.scatter [tilespmem:s30], [sflag:$0x3], $0x400, $0x38;
	[tilespmem:$0x1EC00] =	vst v63  }
0x1dd: {  	_ =	swait.ge [sflag:s31], $0x400  }
0x1de: {  	[sflag:s31] =	ssyncset.done $0x0  }
0x1df: {  	[sflag:s31] =	ssyncadd.s32 $0xFFFFFC00  }
0x1e0: {  	_ =	swait.ge [sflag:s31], $0x400  }
0x1e1: {  	[sflag:s31] =	ssyncset.done $0x0  }
0x1e2: {  	[sflag:s31] =	ssyncadd.s32 $0xFFFFFC00  }
0x1e3: {  	_ =	swait.ge [sflag:s31], $0x400  }
0x1e4: {  	[sflag:s31] =	ssyncset.done $0x0  }
0x1e5: {  	s9 =	simm.s32 @!p1 $0x4;
	[sflag:s31] =	ssyncadd.s32 $0xFFFFFC00  }
0x1e6: {  	_ =	swait.ge @!p1 [sflag:s9], $0x400  }
0x1e7: {  	[sflag:s9] =	ssyncset.done @!p1 $0x0  }
0x1e8: {  	[sflag:s9] =	ssyncadd.s32 @!p1 $0xFFFFFC00  }
0x1e9: {  	_ =	swait.ge @!p1 [sflag:s9], $0x400  }
0x1ea: {  	[sflag:s9] =	ssyncset.done @!p1 $0x0  }
0x1eb: {  	s12 =	simm.s32 $0x1C420;
	[sflag:s9] =	ssyncadd.s32 @!p1 $0xFFFFFC00  }
0x1ec: {  	v0 =	vld [tilespmem:s12+$0x10];
	_ =	sdelay $0x1  }
0x1ed: {  	s22 =	simm.s32 $0xC;
	v46 =	vld [tilespmem:s12+$0xFFFFFFE0]  }
0x1ee: {  	v25 =	vmov s22  }
0x1ef: {  	v25 =	vshll.u32 v25, $0x2  }
0x1f0: {  	v25 =	vand.u32 $0x200, v25;
	v1 =	vshrl.u32 v0, $0x8;
	v2 =	vand.u32 $0xFF, v0  }
0x1f1: {  	v3 =	vand.u32 $0xFFFFF800, v0;
	v45 =	vand.u32 $0x7F, v0;
	v47 =	vshll.u32 v0, $0x3  }
0x1f2: {  	v0 =	vshrl.u32 v0, $0x1;
	v52 =	vand.u32 $0xFF, v46;
	v2 =	vadd.s32 $0x1, v2  }
0x1f3: {  	v49 =	vld [tilespmem:s12+$0xFFFFFFF0];
	v1 =	vadd.s32 $0x1, v1;
	v6 =	vand.u32 $0x400, v47;
	v48 =	vshll.u32 v2, $0x3  }
0x1f4: {  	v51 =	vld [tilespmem:s12+$0x0];
	v0 =	vand.u32 $0x380, v0;
	v4 =	vor.u32 v45, v6;
	v7 =	vand.u32 $0xC00, v48  }
0x1f5: {  	s14 =	simm.s32 $0x1CC20;
	v2 =	vand.u32 $0x7F, v2;
	v50 =	vadd.s32 v3, v7;
	v3 =	vor.u32 v3, v4  }
0x1f6: {  	s17 =	simm.s32 $0x1D420;
	v53 =	vld [tilespmem:s14+$0x10];
	v6 =	vor.u32 v0, v50;
	v0 =	vor.u32 v0, v3;
	v3 =	vshll.u32 v1, $0x8  }
0x1f7: {  	v13 =	vld [tilespmem:s17+$0x10];
	v1 =	vshll.u32 v1, $0x7;
	v6 =	vor.u32 v2, v6;
	v3 =	vand.u32 $0xFFFFF800, v3  }
0x1f8: {  	v12 =	vand.u32 $0xFF, v49;
	v1 =	vand.u32 $0x380, v1;
	v4 =	vor.u32 v3, v4  }
0x1f9: {  	v55 =	vand.u32 $0xFF, v51;
	v3 =	vadd.s32 v7, v3;
	v4 =	vor.u32 v1, v4  }
0x1fa: {  	v61 =	vld [tilespmem:$0x1FFF0];
	v16 =	vshll.u32 v46, $0x3;
	v18 =	vshll.u32 v49, $0x3;
	v1 =	vor.u32 v1, v3  }
0x1fb: {  	v19 =	vsub.f32 $1.000000000e+00, v53;
	v3 =	vadd.s32 $0x1, v12;
	v1 =	vor.u32 v2, v1;
	v12 =	vld.idx.msk [tilespmem:v0+s3+$0x0], $0xffff  }
0x1fc: {  	v20 =	vsub.f32 $1.000000000e+00, v13;
	v21 =	vshll.u32 v51, $0x3;
	v5 =	vshrl.u32 v46, $0x1;
	v17 =	vld.idx.msk [tilespmem:v6+s3+$0x0], $0xffff  }
0x1fd: {  	v27 =	vand.u32 $0xFFFFF800, v49;
	v28 =	vand.u32 $0x7F, v49;
	v8 =	vshrl.u32 v49, $0x1  }
0x1fe: {  	v31 =	vand.u32 $0x7F, v51;
	v9 =	vshrl.u32 v51, $0x1;
	v10 =	vadd.s32 $0x1, v55;
	v22 =	vld.idx.msk [tilespmem:v4+s3+$0x0], $0xffff  }
0x1ff: {  	v15 =	vshll.u32 v10, $0x3;
	v23 =	vmul.f32 v20, v19;
	v20 =	vmul.f32 v20, v53  }
0x200: {  	v54 =	vadd.s32 $0x1, v52;
	v19 =	vmul.f32 v13, v19;
	v24 =	vand.u32 $0xC00, v15;
	v26 =	vld.idx.msk [tilespmem:v1+s3+$0x0], $0xffff  }
0x201: {  	v15 =	vor.u32 s22, v61;
	v12 =	vmul.f32 v23, v12;
	v17 =	vmul.f32 v20, v17  }
0x202: {  	v16 =	vand.u32 $0x400, v16;
	v13 =	vmul.f32 v13, v53;
	v15 =	vand.u32 $0x7F, v15  }
0x203: {  	v15 =	vor.u32 v15, v25;
	v12 =	vadd.f32 v17, v12;
	v17 =	vmul.f32 v22, v19  }
0x204: {  	v18 =	vand.u32 $0x400, v18;
	v21 =	vand.u32 $0x400, v21;
	v56 =	vor.u32 v29, v15  }
0x205: {  	v5 =	vand.u32 $0x380, v5;
	v12 =	vadd.f32 v17, v12;
	v17 =	vmul.f32 v26, v13  }
0x206: {  	v8 =	vand.u32 $0x380, v8;
	v9 =	vand.u32 $0x380, v9;
	v18 =	vor.u32 v28, v18  }
0x207: {  	v28 =	vor.u32 v31, v21;
	v10 =	vand.u32 $0x7F, v10;
	v12 =	vadd.f32 v17, v12  }
0x208: {  	v25 =	vand.u32 $0x7F, v46;
	v15 =	vand.u32 $0xFFFFF800, v46;
	v29 =	vand.u32 $0xFFFFF800, v51;
	[tilespmem:$0x1FC40] =	vst v56  }
0x209: {  	v16 =	vor.u32 v25, v16;
	v25 =	vadd.s32 v29, v24;
	v2 =	vshll.u32 v54, $0x3;
	[tilespmem:v56+s0+$0x0] =	vst.idx.msk $0xffff, v12  }
0x20a: {  	v7 =	vand.u32 $0x7F, v54;
	v14 =	vshll.u32 v3, $0x3;
	v2 =	vand.u32 $0xC00, v2;
	v0 =	vld.idx.msk [tilespmem:v0+s25+$0x0], $0xffff  }
0x20b: {  	v3 =	vand.u32 $0x7F, v3;
	v14 =	vand.u32 $0xC00, v14;
	v30 =	vadd.s32 v15, v2;
	v6 =	vld.idx.msk [tilespmem:v6+s25+$0x0], $0xffff  }
0x20c: {  	v21 =	vor.u32 v5, v30;
	v30 =	vor.u32 v15, v16;
	v15 =	vor.u32 v9, v25  }
0x20d: {  	v25 =	vor.u32 v27, v18;
	v37 =	vor.u32 v7, v21;
	v22 =	vshrl.u32 v46, $0x8;
	v4 =	vld.idx.msk [tilespmem:v4+s25+$0x0], $0xffff  }
0x20e: {  	v60 =	vor.u32 v10, v15;
	v55 =	vor.u32 v5, v30;
	v22 =	vadd.s32 $0x1, v22  }
0x20f: {  	v48 =	vor.u32 v8, v25;
	v26 =	vshrl.u32 v49, $0x8;
	v59 =	vshll.u32 v22, $0x7;
	v1 =	vld.idx.msk [tilespmem:v1+s25+$0x0], $0xffff  }
0x210: {  	v26 =	vadd.s32 $0x1, v26;
	v0 =	vmul.f32 v0, v23;
	v6 =	vmul.f32 v6, v20  }
0x211: {  	v5 =	vld [tilespmem:s14+$0xFFFFFFE0];
	v17 =	vshrl.u32 v51, $0x8;
	v12 =	vadd.s32 v27, v14;
	v27 =	vor.u32 v29, v28  }
0x212: {  	v29 =	vshll.u32 v22, $0x8;
	v22 =	vld [tilespmem:s17+$0xFFFFFFF0];
	v4 =	vmul.f32 v4, v19;
	v0 =	vadd.f32 v6, v0  }
0x213: {  	v57 =	vshll.u32 v26, $0x8;
	v17 =	vadd.s32 $0x1, v17;
	v31 =	vor.u32 v9, v27;
	v9 =	vld [tilespmem:s14+$0xFFFFFFF0]  }
0x214: {  	v12 =	vor.u32 v8, v12;
	v8 =	vld [tilespmem:s17+$0xFFFFFFE0];
	v1 =	vmul.f32 v1, v13;
	v0 =	vadd.f32 v4, v0  }
0x215: {  	v21 =	vor.u32 v3, v12;
	v12 =	vshll.u32 v17, $0x8;
	v17 =	vshll.u32 v17, $0x7  }
0x216: {  	v58 =	vand.u32 $0xFFFFF800, v29;
	v17 =	vand.u32 $0x380, v17;
	v0 =	vadd.f32 v1, v0  }
0x217: {  	v13 =	vand.u32 $0xFFFFF800, v57;
	v19 =	vand.u32 $0xFFFFF800, v12;
	v20 =	vshll.u32 v26, $0x7  }
0x218: {  	v63 =	vsub.f32 $1.000000000e+00, v9;
	v20 =	vand.u32 $0x380, v20;
	v62 =	vadd.s32 v14, v13;
	[tilespmem:$0x1FC50] =	vst v0  }
0x219: {  	v41 =	vmul.f32 v8, v5;
	v45 =	vmul.f32 v22, v9;
	v6 =	vor.u32 v20, v62;
	v1 =	vld [tilespmem:s14+$0x0]  }
0x21a: {  	v4 =	vand.u32 $0x380, v59;
	v0 =	vor.u32 v58, v16;
	v16 =	vor.u32 v13, v18;
	v25 =	vld [tilespmem:s17+$0x0]  }
0x21b: {  	v18 =	vor.u32 v19, v28;
	v32 =	vor.u32 v4, v0;
	v0 =	vadd.s32 v2, v58;
	v2 =	vld.idx.msk [tilespmem:v37+s3+$0x0], $0xffff  }
0x21c: {  	v13 =	vadd.s32 v24, v19;
	v24 =	vsub.f32 $1.000000000e+00, v8;
	v23 =	vor.u32 v20, v16;
	v19 =	vld.idx.msk [tilespmem:v21+s3+$0x0], $0xffff  }
0x21d: {  	v16 =	vor.u32 v17, v18;
	v18 =	vsub.f32 $1.000000000e+00, v5;
	v29 =	vld.idx.msk [tilespmem:v55+s3+$0x0], $0xffff;
	v13 =	vor.u32 v17, v13  }
0x21e: {  	v27 =	vld.idx.msk [tilespmem:v60+s3+$0x0], $0xffff;
	v17 =	vor.u32 v3, v6;
	v0 =	vor.u32 v4, v0;
	v33 =	vor.u32 v10, v13  }
0x21f: {  	v44 =	vmul.f32 v22, v63;
	v28 =	vsub.f32 $1.000000000e+00, v22;
	v26 =	vor.u32 v7, v0;
	v0 =	vld.idx.msk [tilespmem:v48+s3+$0x0], $0xffff;
	[tilespmem:$0x1FC30] =	vst v33  }
0x220: {  	v54 =	vmul.f32 v24, v5;
	v57 =	vmul.f32 v24, v18;
	v3 =	vld.idx.msk [tilespmem:v31+s3+$0x0], $0xffff  }
0x221: {  	v53 =	vmul.f32 v28, v63;
	v50 =	vmul.f32 v28, v9;
	v30 =	vsub.f32 $1.000000000e+00, v25;
	v24 =	vld.idx.msk [tilespmem:v23+s3+$0x0], $0xffff  }
0x222: {  	s22 =	simm.s32 $0x8;
	v49 =	vmul.f32 v8, v18;
	v20 =	vsub.f32 $1.000000000e+00, v1;
	v28 =	vmul.f32 v57, v29;
	v29 =	vld.idx.msk [tilespmem:v16+s3+$0x0], $0xffff  }
0x223: {  	v56 =	vor.u32 s22, v61;
	s14 =	simm.s32 $0x0;
	v19 =	vmul.f32 v50, v19;
	v18 =	vld.idx.msk [tilespmem:v17+s3+$0x0], $0xffff;
	v51 =	vmul.f32 v30, v1  }
0x224: {  	s17 =	simm.s32 $0x4;
	v34 =	vmov s14;
	v52 =	vmul.f32 v30, v20;
	v0 =	vmul.f32 v53, v0  }
0x225: {  	v35 =	vmov s17;
	v38 =	vld.idx.msk [tilespmem:v33+s3+$0x0], $0xffff;
	v40 =	vmul.f32 v25, v20;
	v27 =	vmul.f32 v51, v27  }
0x226: {  	v3 =	vmul.f32 v52, v3;
	v0 =	vadd.f32 v19, v0;
	v20 =	vmul.f32 v24, v44  }
0x227: {  	v13 =	vmov s22;
	v46 =	vmul.f32 v25, v1;
	v43 =	vmul.f32 v29, v40  }
0x228: {  	v36 =	vld.idx.msk [tilespmem:v32+s3+$0x0], $0xffff;
	v47 =	vmul.f32 v18, v45;
	v3 =	vadd.f32 v27, v3;
	v0 =	vadd.f32 v20, v0  }
0x229: {  	v42 =	vor.u32 s17, v61;
	v13 =	vshll.u32 v13, $0x2;
	v2 =	vmul.f32 v54, v2  }
0x22a: {  	v30 =	vld.idx.msk [tilespmem:v26+s3+$0x0], $0xffff;
	v4 =	vmul.f32 v38, v46;
	v3 =	vadd.f32 v43, v3;
	v0 =	vadd.f32 v47, v0  }
0x22b: {  	s11 =	simm.s32 $0x1C460;
	v6 =	vshll.u32 v34, $0x2;
	v7 =	vshll.u32 v35, $0x2;
	v58 =	vand.u32 $0x200, v13  }
0x22c: {  	v2 =	vadd.f32 v2, v28;
	v19 =	vor.u32 s14, v61;
	v18 =	vld [tilespmem:s11+$0x10];
	[tilespmem:$0x1FC00] =	vst v0;
	v0 =	vadd.f32 v4, v3  }
0x22d: {  	v10 =	vmul.f32 v36, v49;
	v13 =	vand.u32 $0x73, v19;
	v19 =	vand.u32 $0x7B, v56  }
0x22e: {  	s22 =	simm.s32 $0x1C;
	v5 =	vand.u32 $0x77, v42;
	v7 =	vand.u32 $0x200, v7;
	v15 =	vor.u32 v19, v58;
	[tilespmem:$0x1FC20] =	vst v0;
	v0 =	vld [tilespmem:$0x1FFD0]  }
0x22f: {  	v58 =	vmov s22;
	v2 =	vadd.f32 v10, v2;
	v1 =	vmul.f32 v30, v41  }
0x230: {  	v6 =	vand.u32 $0x200, v6;
	v14 =	vor.u32 v5, v7;
	v42 =	vshll.u32 v58, $0x2  }
0x231: {  	v42 =	vand.u32 $0x200, v42;
	v12 =	vadd.f32 v1, v2;
	v1 =	vor.u32 v13, v6  }
0x232: {  	v59 =	vand.u32 $0x7F, v18;
	v62 =	vshll.u32 v18, $0x3;
	v63 =	vshrl.u32 v18, $0x1  }
0x233: {  	v3 =	vand.u32 $0xFFFFF800, v18;
	v5 =	vand.u32 $0x400, v62;
	v11 =	vor.u32 v0, v1  }
0x234: {  	v7 =	vand.u32 $0x380, v63;
	v4 =	vor.u32 v59, v5;
	v1 =	vand.u32 $0xFF, v18;
	[tilespmem:$0x1FCC0] =	vst v11  }
0x235: {  	v0 =	vshrl.u32 v18, $0x8;
	v18 =	vor.u32 v3, v4;
	v1 =	vadd.s32 $0x1, v1;
	v6 =	vld [tilespmem:s11+$0xFFFFFFF0]  }
0x236: {  	v0 =	vadd.s32 $0x1, v0;
	v18 =	vor.u32 v7, v18;
	v8 =	vld [tilespmem:s11+$0xFFFFFFE0];
	v13 =	vshll.u32 v1, $0x3  }
0x237: {  	s17 =	simm.s32 $0x1D460;
	v5 =	vld [tilespmem:s11+$0x0];
	v1 =	vand.u32 $0x7F, v1;
	v19 =	vshll.u32 v0, $0x8;
	v13 =	vand.u32 $0xC00, v13  }
0x238: {  	v0 =	vshll.u32 v0, $0x7;
	v24 =	vld [tilespmem:s17+$0x10];
	v9 =	vand.u32 $0xFFFFF800, v19;
	v3 =	vadd.s32 v3, v13  }
0x239: {  	s14 =	simm.s32 $0x1CC60;
	v0 =	vand.u32 $0x380, v0;
	v4 =	vor.u32 v9, v4;
	v3 =	vor.u32 v7, v3  }
0x23a: {  	v19 =	vld [tilespmem:s14+$0x10];
	v4 =	vor.u32 v0, v4;
	v7 =	vadd.s32 v13, v9;
	v3 =	vor.u32 v1, v3  }
0x23b: {  	v0 =	vor.u32 v0, v7;
	v20 =	vand.u32 $0xFF, v8;
	v22 =	vand.u32 $0xFF, v6  }
0x23c: {  	v0 =	vor.u32 v1, v0;
	v29 =	vshll.u32 v8, $0x3;
	v30 =	vshll.u32 v6, $0x3  }
0x23d: {  	v10 =	vshll.u32 v5, $0x3;
	v56 =	vsub.f32 $1.000000000e+00, v24;
	v63 =	vand.u32 $0x7F, v8  }
0x23e: {  	v43 =	vand.u32 $0xFFFFF800, v6;
	v13 =	vadd.s32 $0x1, v20;
	v20 =	vand.u32 $0xFF, v5  }
0x23f: {  	v7 =	vadd.s32 $0x1, v22;
	v22 =	vld.idx.msk [tilespmem:v18+s3+$0x0], $0xffff;
	v47 =	vsub.f32 $1.000000000e+00, v19;
	v29 =	vand.u32 $0x400, v29  }
0x240: {  	v30 =	vand.u32 $0x400, v30;
	v33 =	vand.u32 $0x400, v10;
	v10 =	vand.u32 $0x7F, v6;
	v28 =	vld.idx.msk [tilespmem:v3+s3+$0x0], $0xffff  }
0x241: {  	v20 =	vadd.s32 $0x1, v20;
	v1 =	vshll.u32 v13, $0x3;
	v25 =	vshll.u32 v7, $0x3  }
0x242: {  	v35 =	vmul.f32 v56, v19;
	v19 =	vmul.f32 v24, v19;
	v27 =	vshll.u32 v20, $0x3;
	v36 =	vld.idx.msk [tilespmem:v4+s3+$0x0], $0xffff  }
0x243: {  	v62 =	vld [tilespmem:$0x1FFD0];
	v29 =	vor.u32 v63, v29;
	v39 =	vand.u32 $0xC00, v27;
	v27 =	vmul.f32 v56, v47  }
0x244: {  	v30 =	vor.u32 v10, v30;
	v2 =	vand.u32 $0xC00, v25;
	v34 =	vmul.f32 v24, v47;
	v59 =	vld.idx.msk [tilespmem:v0+s3+$0x0], $0xffff  }
0x245: {  	v25 =	vor.u32 s22, v61;
	v22 =	vmul.f32 v27, v22;
	v28 =	vmul.f32 v35, v28  }
0x246: {  	v13 =	vand.u32 $0x7F, v13;
	v38 =	vand.u32 $0x7F, v7;
	v25 =	vand.u32 $0x7F, v25  }
0x247: {  	v25 =	vor.u32 v25, v42;
	v22 =	vadd.f32 v28, v22;
	v28 =	vmul.f32 v36, v34  }
0x248: {  	v1 =	vand.u32 $0xC00, v1;
	v24 =	vshrl.u32 v8, $0x8;
	v9 =	vor.u32 v62, v25  }
0x249: {  	v20 =	vand.u32 $0x7F, v20;
	v22 =	vadd.f32 v28, v22;
	v28 =	vmul.f32 v59, v19  }
0x24a: {  	v56 =	vand.u32 $0xFFFFF800, v5;
	v24 =	vadd.s32 $0x1, v24;
	v42 =	vshrl.u32 v6, $0x8  }
0x24b: {  	v6 =	vshrl.u32 v6, $0x1;
	v63 =	vadd.s32 v56, v39;
	v22 =	vadd.f32 v28, v22  }
0x24c: {  	v10 =	vshll.u32 v24, $0x8;
	v25 =	vand.u32 $0xFFFFF800, v8;
	v8 =	vshrl.u32 v8, $0x1;
	[tilespmem:$0x1FC90] =	vst v9  }
0x24d: {  	v42 =	vadd.s32 $0x1, v42;
	v6 =	vand.u32 $0x380, v6;
	v62 =	vadd.s32 v25, v1;
	[tilespmem:v9+s0+$0x0] =	vst.idx.msk $0xffff, v22  }
0x24e: {  	v8 =	vand.u32 $0x380, v8;
	v25 =	vor.u32 v25, v29;
	v59 =	vand.u32 $0x7F, v5;
	v18 =	vld.idx.msk [tilespmem:v18+s25+$0x0], $0xffff  }
0x24f: {  	v36 =	vor.u32 v43, v30;
	v47 =	vor.u32 v59, v33;
	v33 =	vor.u32 v8, v62;
	v3 =	vld.idx.msk [tilespmem:v3+s25+$0x0], $0xffff  }
0x250: {  	v59 =	vor.u32 v6, v36;
	v28 =	vshrl.u32 v5, $0x8;
	v5 =	vshrl.u32 v5, $0x1  }
0x251: {  	v7 =	vor.u32 v13, v33;
	v5 =	vand.u32 $0x380, v5;
	v22 =	vadd.s32 v43, v2;
	v4 =	vld.idx.msk [tilespmem:v4+s25+$0x0], $0xffff  }
0x252: {  	v58 =	vadd.s32 $0x1, v28;
	v28 =	vor.u32 v5, v63;
	v22 =	vor.u32 v6, v22;
	v0 =	vld.idx.msk [tilespmem:v0+s25+$0x0], $0xffff;
	[tilespmem:$0x1FC60] =	vst v7  }
0x253: {  	v9 =	vor.u32 v56, v47;
	[tilespmem:$0x1FC70] =	vst v59;
	v18 =	vmul.f32 v18, v27;
	v27 =	vor.u32 v38, v22  }
0x254: {  	v63 =	vshll.u32 v42, $0x8;
	v3 =	vmul.f32 v3, v35;
	v22 =	vor.u32 v20, v28;
	[tilespmem:$0x1FC80] =	vst v27  }
0x255: {  	v56 =	vor.u32 v8, v25;
	v43 =	vshll.u32 v24, $0x7;
	v28 =	vor.u32 v5, v9;
	[tilespmem:$0x1FCD0] =	vst v22  }
0x256: {  	v24 =	vshll.u32 v42, $0x7;
	v4 =	vmul.f32 v4, v34;
	v3 =	vadd.f32 v3, v18;
	v6 =	vld [tilespmem:s14+$0xFFFFFFE0];
	[tilespmem:$0x1FCB0] =	vst v28  }
0x257: {  	v25 =	vshll.u32 v58, $0x7;
	v35 =	vshll.u32 v58, $0x8;
	v9 =	vmul.f32 v0, v19;
	v19 =	vld [tilespmem:s14+$0xFFFFFFF0]  }
0x258: {  	v5 =	vand.u32 $0xFFFFF800, v10;
	v18 =	vand.u32 $0xFFFFF800, v63;
	v10 =	vadd.f32 v4, v3;
	v3 =	vld [tilespmem:s17+$0xFFFFFFE0]  }
0x259: {  	v42 =	vand.u32 $0x380, v24;
	v34 =	vand.u32 $0xFFFFF800, v35;
	v58 =	vld [tilespmem:s17+$0xFFFFFFF0];
	v35 =	vor.u32 v18, v30  }
0x25a: {  	v29 =	vor.u32 v5, v29;
	v62 =	vld [tilespmem:s14+$0x0];
	v4 =	vand.u32 $0x380, v43;
	v33 =	vor.u32 v42, v35  }
0x25b: {  	v8 =	vor.u32 v34, v47;
	v63 =	vld [tilespmem:s17+$0x0];
	v43 =	vand.u32 $0x380, v25;
	v29 =	vor.u32 v4, v29;
	[tilespmem:$0x1FCF0] =	vst v33  }
0x25c: {  	v1 =	vadd.s32 v1, v5;
	v30 =	vor.u32 v43, v8;
	[tilespmem:$0x1FCE0] =	vst v29  }
0x25d: {  	v47 =	vadd.s32 v39, v34;
	[tilespmem:$0x1FD20] =	vst v30;
	v34 =	vsub.f32 $1.000000000e+00, v6;
	v36 =	vsub.f32 $1.000000000e+00, v3  }
0x25e: {  	v1 =	vor.u32 v4, v1;
	v35 =	vld.idx.msk [tilespmem:v7+s3+$0x0], $0xffff  }
0x25f: {  	v4 =	vor.u32 v13, v1;
	v7 =	vld.idx.msk [tilespmem:v27+s3+$0x0], $0xffff;
	v27 =	vmul.f32 v36, v34  }
0x260: {  	v5 =	vadd.s32 v2, v18;
	v8 =	vld.idx.msk [tilespmem:v22+s3+$0x0], $0xffff;
	[tilespmem:$0x1FD30] =	vst v4;
	v36 =	vmul.f32 v36, v6  }
0x261: {  	v5 =	vor.u32 v42, v5;
	v43 =	vor.u32 v43, v47;
	v2 =	vsub.f32 $1.000000000e+00, v19;
	v13 =	vld.idx.msk [tilespmem:v56+s3+$0x0], $0xffff;
	[tilespmem:$0x1FD00] =	vst v27  }
0x262: {  	v22 =	vor.u32 v38, v5;
	v39 =	vsub.f32 $1.000000000e+00, v58;
	v18 =	vsub.f32 $1.000000000e+00, v62;
	[tilespmem:$0x1FD10] =	vst v36  }
0x263: {  	v0 =	vsub.f32 $1.000000000e+00, v63;
	v25 =	vmul.f32 v3, v34;
	v24 =	vmul.f32 v3, v6;
	v1 =	vld.idx.msk [tilespmem:v59+s3+$0x0], $0xffff  }
0x264: {  	v3 =	vadd.f32 v9, v10;
	v47 =	vmul.f32 v39, v19;
	v6 =	vld.idx.msk [tilespmem:v28+s3+$0x0], $0xffff;
	[tilespmem:$0x1FD40] =	vst v22  }
0x265: {  	v42 =	vmul.f32 v39, v2;
	v39 =	vmul.f32 v0, v18;
	v59 =	vor.u32 v20, v43;
	v20 =	vld.idx.msk [tilespmem:v33+s3+$0x0], $0xffff  }
0x266: {  	v38 =	vmul.f32 v47, v7;
	v43 =	vmul.f32 v0, v62;
	v5 =	vld.idx.msk [tilespmem:v29+s3+$0x0], $0xffff;
	[tilespmem:v11+s0+$0x0] =	vst.idx.msk $0xffff, v12  }
0x267: {  	v0 =	vmul.f32 v36, v35;
	v33 =	vmul.f32 v27, v13;
	v13 =	vld.idx.msk [tilespmem:v30+s3+$0x0], $0xffff;
	[tilespmem:$0x1FCA0] =	vst v3  }
0x268: {  	v34 =	vmul.f32 v43, v8;
	v3 =	vmul.f32 v58, v2;
	v10 =	vld.idx.msk [tilespmem:v4+s3+$0x0], $0xffff  }
0x269: {  	v4 =	vmul.f32 v63, v18;
	v11 =	vld.idx.msk [tilespmem:v22+s3+$0x0], $0xffff;
	v6 =	vmul.f32 v39, v6  }
0x26a: {  	v0 =	vadd.f32 v0, v33;
	[tilespmem:$0x1FBD0] =	vst v3;
	v1 =	vmul.f32 v42, v1;
	v35 =	vmul.f32 v20, v3;
	v3 =	vld [tilespmem:$0x1FFD0]  }
0x26b: {  	v2 =	vmul.f32 v5, v25;
	v18 =	vadd.f32 v34, v6;
	v34 =	vmul.f32 v58, v19;
	v19 =	vld.idx.msk [tilespmem:v59+s3+$0x0], $0xffff;
	_ =	sdelay $0x1  }
0x26c: {  	v1 =	vadd.f32 v38, v1;
	v0 =	vadd.f32 v2, v0;
	v2 =	vmul.f32 v13, v4  }
0x26d: {  	v36 =	vmul.f32 v63, v62;
	[tilespmem:$0x1FBE0] =	vst v4  }
0x26e: {  	s14 =	simm.s32 $0x10;
	v12 =	vmul.f32 v10, v24;
	v13 =	vld.idx.msk [tilespmem:v55+s25+$0x0], $0xffff;
	v1 =	vadd.f32 v35, v1;
	v2 =	vadd.f32 v2, v18  }
0x26f: {  	s22 =	simm.s32 $0x1C4A0;
	v38 =	vor.u32 v3, v14;
	v3 =	vld [tilespmem:$0x1FFD0];
	v14 =	vmov s14;
	v18 =	vmul.f32 v19, v36  }
0x270: {  	s17 =	simm.s32 $0x14;
	v11 =	vmul.f32 v11, v34;
	v58 =	vadd.f32 v12, v0;
	v12 =	vshll.u32 v14, $0x2;
	v14 =	vld [tilespmem:s22+$0x10]  }
0x271: {  	v20 =	vor.u32 s17, v61;
	v0 =	vmov s17;
	v10 =	vadd.f32 v18, v2;
	v2 =	vld [tilespmem:$0x1FC00]  }
0x272: {  	v20 =	vand.u32 $0x77, v20;
	v0 =	vshll.u32 v0, $0x2;
	v55 =	vadd.f32 v11, v1  }
0x273: {  	v19 =	vor.u32 s14, v61;
	v0 =	vand.u32 $0x200, v0;
	v12 =	vand.u32 $0x200, v12  }
0x274: {  	v19 =	vand.u32 $0x73, v19;
	v62 =	vor.u32 v20, v0;
	v0 =	vmul.f32 v13, v57  }
0x275: {  	[tilespmem:$0x1FBF0] =	vst v38;
	v63 =	vor.u32 v19, v12;
	v3 =	vor.u32 v3, v15;
	v1 =	vshll.u32 v14, $0x3  }
0x276: {  	v5 =	vand.u32 $0xFF, v14;
	v12 =	vand.u32 $0x7F, v14;
	v1 =	vand.u32 $0x400, v1;
	[tilespmem:v38+s0+$0x0] =	vst.idx.msk $0xffff, v2;
	v2 =	vld.idx.msk [tilespmem:v37+s25+$0x0], $0xffff  }
0x277: {  	v19 =	vand.u32 $0xFFFFF800, v14;
	v11 =	vadd.s32 $0x1, v5;
	v1 =	vor.u32 v12, v1;
	v13 =	vld.idx.msk [tilespmem:v48+s25+$0x0], $0xffff  }
0x278: {  	v12 =	vshrl.u32 v14, $0x8;
	v14 =	vshrl.u32 v14, $0x1;
	v20 =	vshll.u32 v11, $0x3;
	[tilespmem:$0x1FC10] =	vst v3;
	v4 =	vld [tilespmem:$0x1FC20]  }
0x279: {  	s29 =	simm.s32 $0x1D4A0;
	v14 =	vand.u32 $0x380, v14;
	v20 =	vand.u32 $0xC00, v20;
	v18 =	vld.idx.msk [tilespmem:v21+s25+$0x0], $0xffff  }
0x27a: {  	v29 =	vor.u32 v19, v1;
	v12 =	vadd.s32 $0x1, v12;
	v19 =	vadd.s32 v19, v20;
	v6 =	vld [tilespmem:s29+$0x10]  }
0x27b: {  	v29 =	vor.u32 v14, v29;
	v32 =	vld.idx.msk [tilespmem:v32+s25+$0x0], $0xffff;
	v14 =	vor.u32 v14, v19;
	v19 =	vshll.u32 v12, $0x8  }
0x27c: {  	v17 =	vld.idx.msk [tilespmem:v17+s25+$0x0], $0xffff;
	v19 =	vand.u32 $0xFFFFF800, v19  }
0x27d: {  	s9 =	simm.s32 $0x2C;
	v1 =	vor.u32 v19, v1;
	v19 =	vadd.s32 v20, v19;
	v20 =	vld.idx.msk [tilespmem:v23+s25+$0x0], $0xffff;
	[tilespmem:v3+s0+$0x0] =	vst.idx.msk $0xffff, v4  }
0x27e: {  	v57 =	vmov s9;
	v11 =	vand.u32 $0x7F, v11;
	v21 =	vld.idx.msk [tilespmem:v31+s25+$0x0], $0xffff  }
0x27f: {  	s28 =	simm.s32 $0x1CCA0;
	s12 =	simm.s32 $0x18;
	v38 =	vor.u32 s9, v61;
	v12 =	vshll.u32 v12, $0x7;
	v14 =	vor.u32 v11, v14;
	v15 =	vld.idx.msk [tilespmem:v60+s25+$0x0], $0xffff  }
0x280: {  	v12 =	vand.u32 $0x380, v12;
	v2 =	vmul.f32 v2, v54;
	v23 =	vmov s12;
	v31 =	vld [tilespmem:s28+$0x10]  }
0x281: {  	v1 =	vor.u32 v12, v1;
	v13 =	vmul.f32 v13, v53;
	v12 =	vor.u32 v12, v19;
	v19 =	vld.idx.msk [tilespmem:v16+s25+$0x0], $0xffff  }
0x282: {  	v16 =	vshll.u32 v23, $0x2;
	v11 =	vor.u32 v11, v12;
	v23 =	vld.idx.msk [tilespmem:v29+s3+$0x0], $0xffff;
	v0 =	vadd.f32 v2, v0  }
0x283: {  	v3 =	vld [tilespmem:$0x1FC30];
	v32 =	vmul.f32 v32, v49;
	v12 =	vand.u32 $0x200, v16;
	v16 =	vor.u32 s12, v61  }
0x284: {  	v9 =	vsub.f32 $1.000000000e+00, v6;
	v49 =	vld [tilespmem:s22+$0xFFFFFFF0];
	v35 =	vmul.f32 v17, v45;
	v16 =	vand.u32 $0x7B, v16  }
0x285: {  	v7 =	vld.idx.msk [tilespmem:v14+s3+$0x0], $0xffff;
	v0 =	vadd.f32 v32, v0;
	v33 =	vor.u32 v16, v12;
	v12 =	vmul.f32 v18, v50  }
0x286: {  	v20 =	vmul.f32 v20, v44;
	v44 =	vld [tilespmem:s22+$0x0];
	v8 =	vsub.f32 $1.000000000e+00, v31;
	v18 =	vmul.f32 v21, v52  }
0x287: {  	v21 =	vld.idx.msk [tilespmem:v26+s25+$0x0], $0xffff;
	v2 =	vmul.f32 v15, v51;
	v50 =	vmul.f32 v9, v31;
	v51 =	vand.u32 $0x7F, v38  }
0x288: {  	v15 =	vld.idx.msk [tilespmem:v1+s3+$0x0], $0xffff;
	v52 =	vshll.u32 v57, $0x2;
	v12 =	vadd.f32 v12, v13;
	v31 =	vmul.f32 v6, v31  }
0x289: {  	v52 =	vand.u32 $0x200, v52;
	v26 =	vmul.f32 v9, v8;
	v18 =	vadd.f32 v2, v18;
	v2 =	vld [tilespmem:$0x1FFD0]  }
0x28a: {  	v60 =	vld.idx.msk [tilespmem:v11+s3+$0x0], $0xffff;
	v53 =	vmul.f32 v6, v8;
	v48 =	vmul.f32 v50, v7;
	v13 =	vor.u32 v51, v52  }
0x28b: {  	v9 =	vadd.f32 v20, v12;
	v51 =	vand.u32 $0x7F, v49;
	v5 =	vld.idx.msk [tilespmem:v3+s25+$0x0], $0xffff;
	v17 =	vand.u32 $0xFF, v44  }
0x28c: {  	v4 =	vshll.u32 v44, $0x3;
	v54 =	vand.u32 $0x7F, v44;
	v23 =	vmul.f32 v26, v23  }
0x28d: {  	v15 =	vmul.f32 v15, v53;
	v12 =	vmul.f32 v21, v41;
	v41 =	vand.u32 $0x400, v4  }
0x28e: {  	v23 =	vadd.f32 v48, v23;
	v28 =	vor.u32 v2, v13;
	v13 =	vmul.f32 v19, v40  }
0x28f: {  	v48 =	vld [tilespmem:s22+$0xFFFFFFE0];
	v19 =	vmul.f32 v60, v31;
	v30 =	vadd.f32 v12, v0;
	v12 =	vand.u32 $0xFF, v49  }
0x290: {  	v60 =	vshll.u32 v49, $0x3;
	v15 =	vadd.f32 v15, v23;
	v7 =	vmul.f32 v5, v46  }
0x291: {  	v12 =	vadd.s32 $0x1, v12;
	v40 =	vand.u32 $0x400, v60;
	v60 =	vshrl.u32 v49, $0x1  }
0x292: {  	v8 =	vadd.f32 v13, v18;
	v23 =	vshll.u32 v12, $0x3;
	v46 =	vor.u32 v51, v40  }
0x293: {  	v4 =	vand.u32 $0x380, v60;
	v3 =	vand.u32 $0x7F, v12;
	v15 =	vadd.f32 v19, v15  }
0x294: {  	v23 =	vand.u32 $0xC00, v23;
	v0 =	vand.u32 $0xFF, v48;
	v57 =	vshll.u32 v48, $0x3  }
0x295: {  	v5 =	vand.u32 $0x7F, v48;
	v6 =	vshrl.u32 v48, $0x8;
	v37 =	vshrl.u32 v48, $0x1;
	[tilespmem:v28+s0+$0x0] =	vst.idx.msk $0xffff, v15  }
0x296: {  	v0 =	vadd.s32 $0x1, v0;
	v15 =	vadd.s32 $0x1, v17;
	v32 =	vand.u32 $0x400, v57;
	v21 =	vld.idx.msk [tilespmem:v29+s25+$0x0], $0xffff  }
0x297: {  	v57 =	vand.u32 $0xFFFFF800, v49;
	v37 =	vand.u32 $0x380, v37;
	v49 =	vshrl.u32 v49, $0x8;
	v14 =	vld.idx.msk [tilespmem:v14+s25+$0x0], $0xffff  }
0x298: {  	v45 =	vadd.s32 $0x1, v6;
	v17 =	vshll.u32 v0, $0x3;
	v29 =	vshll.u32 v15, $0x3;
	v1 =	vld.idx.msk [tilespmem:v1+s25+$0x0], $0xffff  }
0x299: {  	v32 =	vor.u32 v5, v32;
	v11 =	vld.idx.msk [tilespmem:v11+s25+$0x0], $0xffff;
	v40 =	vor.u32 v57, v46;
	v5 =	vshrl.u32 v44, $0x8  }
0x29a: {  	v49 =	vadd.s32 $0x1, v49;
	v16 =	vand.u32 $0x7F, v0;
	v20 =	vand.u32 $0x7F, v15  }
0x29b: {  	v17 =	vand.u32 $0xC00, v17;
	v52 =	vand.u32 $0xC00, v29;
	v15 =	vshll.u32 v49, $0x8  }
0x29c: {  	v15 =	vand.u32 $0xFFFFF800, v15;
	v21 =	vmul.f32 v21, v26;
	v14 =	vmul.f32 v14, v50  }
0x29d: {  	v26 =	vand.u32 $0xFFFFF800, v48;
	v48 =	vor.u32 v54, v41;
	v1 =	vmul.f32 v1, v53  }
0x29e: {  	v11 =	vmul.f32 v11, v31;
	v14 =	vadd.f32 v14, v21;
	v21 =	vadd.s32 v26, v17  }
0x29f: {  	v50 =	vadd.s32 $0x1, v5;
	v26 =	vor.u32 v26, v32;
	v21 =	vor.u32 v37, v21  }
0x2a0: {  	v41 =	vor.u32 v37, v26;
	v26 =	vadd.s32 v57, v23;
	v37 =	vor.u32 v4, v40  }
0x2a1: {  	v1 =	vadd.f32 v1, v14;
	v14 =	vand.u32 $0xFFFFF800, v44;
	v44 =	vshrl.u32 v44, $0x1  }
0x2a2: {  	v13 =	vld [tilespmem:s29+$0x0];
	v26 =	vor.u32 v4, v26;
	v31 =	vadd.s32 v14, v52;
	v6 =	vand.u32 $0x380, v44  }
0x2a3: {  	v19 =	vld [tilespmem:s28+$0x0];
	v14 =	vor.u32 v14, v48;
	v44 =	vor.u32 v16, v21;
	v40 =	vor.u32 v3, v26  }
0x2a4: {  	v29 =	vld [tilespmem:$0x1FFD0];
	v21 =	vshll.u32 v50, $0x8;
	v26 =	vor.u32 v15, v46;
	v15 =	vadd.s32 v23, v15  }
0x2a5: {  	v53 =	vld [tilespmem:s28+$0xFFFFFFE0];
	v23 =	vshll.u32 v45, $0x7;
	v50 =	vshll.u32 v50, $0x7;
	v38 =	vor.u32 v6, v31  }
0x2a6: {  	v57 =	vld [tilespmem:s28+$0xFFFFFFF0];
	v31 =	vor.u32 v6, v14;
	v14 =	vshll.u32 v45, $0x8;
	v27 =	vadd.f32 v11, v1  }
0x2a7: {  	v21 =	vand.u32 $0xFFFFF800, v21;
	v23 =	vand.u32 $0x380, v23;
	v1 =	vld [tilespmem:$0x1FC40];
	v14 =	vand.u32 $0xFFFFF800, v14  }
0x2a8: {  	v54 =	vld [tilespmem:s29+$0xFFFFFFE0];
	v60 =	vor.u32 v21, v48;
	v11 =	vor.u32 v14, v32;
	v14 =	vadd.s32 v17, v14  }
0x2a9: {  	v5 =	vld [tilespmem:s29+$0xFFFFFFF0];
	v48 =	vor.u32 v23, v11;
	v23 =	vor.u32 v23, v14;
	v14 =	vand.u32 $0x380, v50  }
0x2aa: {  	v18 =	vsub.f32 $1.000000000e+00, v19;
	v32 =	vor.u32 v20, v38;
	v45 =	vor.u32 v14, v60;
	v60 =	vld [tilespmem:$0x1FC50]  }
0x2ab: {  	v0 =	vsub.f32 $1.000000000e+00, v53;
	v51 =	vadd.s32 v52, v21;
	v38 =	vshll.u32 v49, $0x7;
	v17 =	vld.idx.msk [tilespmem:v41+s3+$0x0], $0xffff  }
0x2ac: {  	v21 =	vsub.f32 $1.000000000e+00, v13;
	v2 =	vsub.f32 $1.000000000e+00, v57;
	v49 =	vand.u32 $0x380, v38;
	v52 =	vld.idx.msk [tilespmem:v44+s3+$0x0], $0xffff  }
0x2ad: {  	v46 =	vor.u32 v49, v26;
	v49 =	vor.u32 v49, v15;
	v22 =	vld.idx.msk [tilespmem:v40+s3+$0x0], $0xffff;
	v15 =	vsub.f32 $1.000000000e+00, v54  }
0x2ae: {  	v50 =	vsub.f32 $1.000000000e+00, v5;
	v26 =	vor.u32 v16, v23;
	v12 =	vld.idx.msk [tilespmem:v31+s3+$0x0], $0xffff;
	v23 =	vor.u32 v3, v49  }
0x2af: {  	v49 =	vmul.f32 v21, v19;
	v38 =	vmul.f32 v15, v0;
	v4 =	vld.idx.msk [tilespmem:v32+s3+$0x0], $0xffff;
	[tilespmem:v1+s1+$0x0] =	vst.idx.msk $0xffff, v60  }
0x2b0: {  	v1 =	vor.u32 v14, v51;
	v14 =	vmul.f32 v15, v53;
	v15 =	vmul.f32 v50, v2  }
0x2b1: {  	v51 =	vmul.f32 v50, v57;
	v50 =	vmul.f32 v21, v18  }
0x2b2: {  	v16 =	vld.idx.msk [tilespmem:v48+s3+$0x0], $0xffff;
	v21 =	vor.u32 v20, v1;
	v20 =	vmul.f32 v38, v17;
	v3 =	vmul.f32 v14, v52  }
0x2b3: {  	v60 =	vmul.f32 v54, v0;
	v1 =	vmul.f32 v51, v22  }
0x2b4: {  	v22 =	vld.idx.msk [tilespmem:v46+s3+$0x0], $0xffff;
	v12 =	vmul.f32 v50, v12;
	v0 =	vadd.f32 v3, v20;
	v20 =	vmul.f32 v49, v4  }
0x2b5: {  	v17 =	vor.u32 v29, v63;
	v4 =	vld.idx.msk [tilespmem:v26+s3+$0x0], $0xffff  }
0x2b6: {  	v20 =	vadd.f32 v20, v12;
	v12 =	vor.u32 v29, v62  }
0x2b7: {  	v52 =	vmul.f32 v5, v2;
	v2 =	vmul.f32 v16, v60  }
0x2b8: {  	v11 =	vld.idx.msk [tilespmem:v37+s3+$0x0], $0xffff;
	v54 =	vmul.f32 v54, v53  }
0x2b9: {  	v0 =	vadd.f32 v2, v0  }
0x2ba: {  	[tilespmem:v17+s0+$0x0] =	vst.idx.msk $0xffff, v58;
	v2 =	vmul.f32 v22, v52;
	v22 =	vmul.f32 v4, v54  }
0x2bb: {  	[tilespmem:v12+s0+$0x0] =	vst.idx.msk $0xffff, v55  }
0x2bc: {  	v63 =	vadd.f32 v22, v0;
	v0 =	vld [tilespmem:$0x1FC70]  }
0x2bd: {  	v6 =	vmul.f32 v15, v11;
	v3 =	vld.idx.msk [tilespmem:v45+s3+$0x0], $0xffff;
	_ =	sdelay $0x1  }
0x2be: {  	v1 =	vadd.f32 v1, v6;
	v16 =	vor.u32 v29, v33  }
0x2bf: {  	s14 =	simm.s32 $0x20;
	v53 =	vmul.f32 v5, v57;
	v58 =	vmul.f32 v13, v18  }
0x2c0: {  	v57 =	vmul.f32 v13, v19;
	v18 =	vmov s14;
	v1 =	vadd.f32 v2, v1  }
0x2c1: {  	v2 =	vshll.u32 v18, $0x2;
	v19 =	vmul.f32 v3, v58;
	v3 =	vor.u32 s14, v61  }
0x2c2: {  	v2 =	vand.u32 $0x200, v2;
	v3 =	vand.u32 $0x73, v3;
	v55 =	vld [tilespmem:$0x1FC60]  }
0x2c3: {  	v6 =	vor.u32 v3, v2;
	[tilespmem:v16+s0+$0x0] =	vst.idx.msk $0xffff, v10;
	v2 =	vld.idx.msk [tilespmem:v0+s25+$0x0], $0xffff  }
0x2c4: {  	v0 =	vld [tilespmem:$0x1FC80]  }
0x2c5: {  	v11 =	vld.idx.msk [tilespmem:v23+s3+$0x0], $0xffff;
	_ =	sdelay $0x4  }
0x2c6: {  	v5 =	vmul.f32 v11, v53;
	_ =	sdelay $0x1  }
0x2c7: {  	v62 =	vadd.f32 v5, v1;
	v1 =	vld.idx.msk [tilespmem:v0+s25+$0x0], $0xffff  }
0x2c8: {  	v0 =	vld [tilespmem:$0x1FC90];
	_ =	sdelay $0x2  }
0x2c9: {  	v3 =	vld [tilespmem:$0x1FCA0];
	_ =	sdelay $0x4  }
0x2ca: {  	v18 =	vld.idx.msk [tilespmem:v56+s25+$0x0], $0xffff;
	[tilespmem:v0+s1+$0x0] =	vst.idx.msk $0xffff, v3  }
0x2cb: {  	v56 =	vld [tilespmem:$0x1FCC0];
	_ =	sdelay $0x3  }
0x2cc: {  	v13 =	vld.idx.msk [tilespmem:v21+s3+$0x0], $0xffff  }
0x2cd: {  	v0 =	vld [tilespmem:$0x1FCB0];
	_ =	sdelay $0x2  }
0x2ce: {  	[tilespmem:v56+s1+$0x0] =	vst.idx.msk $0xffff, v30  }
0x2cf: {  	s17 =	simm.s32 $0x24;
	s22 =	simm.s32 $0x28;
	v19 =	vadd.f32 v19, v20;
	v13 =	vmul.f32 v13, v57;
	v5 =	vld [tilespmem:$0x1FCD0];
	[tilespmem:v28+s1+$0x0] =	vst.idx.msk $0xffff, v27  }
0x2d0: {  	v10 =	vor.u32 s22, v61;
	v30 =	vor.u32 s17, v61;
	v61 =	vld [tilespmem:$0x1FD00]  }
0x2d1: {  	v56 =	vadd.f32 v13, v19;
	v13 =	vmul.f32 v1, v47;
	v1 =	vld [tilespmem:$0x1FD30]  }
0x2d2: {  	v4 =	vld.idx.msk [tilespmem:v55+s25+$0x0], $0xffff  }
0x2d3: {  	v3 =	vld.idx.msk [tilespmem:v0+s25+$0x0], $0xffff  }
0x2d4: {  	v11 =	vld [tilespmem:$0x1FCE0]  }
0x2d5: {  	v22 =	vmov s22;
	v33 =	vand.u32 $0x7B, v10;
	v10 =	vld [tilespmem:$0x1FCF0]  }
0x2d6: {  	v0 =	vshll.u32 v22, $0x2;
	v18 =	vmul.f32 v18, v61;
	v61 =	vld [tilespmem:$0x1FD20]  }
0x2d7: {  	v27 =	vand.u32 $0x200, v0;
	v55 =	vld.idx.msk [tilespmem:v5+s25+$0x0], $0xffff  }
0x2d8: {  	v5 =	vor.u32 v33, v27;
	v33 =	vld [tilespmem:$0x1FD10]  }
0x2d9: {  	v28 =	vand.u32 $0x77, v30;
	v30 =	vmul.f32 v2, v42;
	v42 =	vld.idx.msk [tilespmem:v1+s25+$0x0], $0xffff  }
0x2da: {  	v1 =	vld [tilespmem:$0x1FD40];
	_ =	sdelay $0x1  }
0x2db: {  	v20 =	vmov s17  }
0x2dc: {  	v20 =	vshll.u32 v20, $0x2  }
0x2dd: {  	v20 =	vand.u32 $0x200, v20;
	v22 =	vld.idx.msk [tilespmem:v11+s25+$0x0], $0xffff  }
0x2de: {  	v0 =	vor.u32 v28, v20;
	v27 =	vld.idx.msk [tilespmem:v10+s25+$0x0], $0xffff;
	v19 =	vmul.f32 v4, v33  }
0x2df: {  	v47 =	vor.u32 v29, v0;
	v2 =	vor.u32 v29, v5;
	v28 =	vld.idx.msk [tilespmem:v61+s25+$0x0], $0xffff  }
0x2e0: {  	v33 =	vadd.f32 v35, v9;
	v20 =	vadd.f32 v19, v18;
	v19 =	vmul.f32 v55, v43;
	v43 =	vld.idx.msk [tilespmem:v59+s25+$0x0], $0xffff  }
0x2e1: {  	s22 =	simm.s32 $0x1C4E0;
	s17 =	simm.s32 $0x8;
	v35 =	vadd.f32 v7, v8;
	v18 =	vmul.f32 v3, v39;
	v55 =	vor.u32 v29, v6;
	v39 =	vld.idx.msk [tilespmem:v1+s25+$0x0], $0xffff  }
.LBB2_6:
0x2e2: {  	v3 =	vld [tilespmem:$0x1FBD0];
	_ =	sdelay $0x4  }
0x2e3: {  	v7 =	vmul.f32 v27, v3;
	v3 =	vmov v51  }
0x2e4: {  	[tilespmem:$0x1FB60] =	vst v3;
	v3 =	vld [tilespmem:$0x1FBE0];
	_ =	sdelay $0x3  }
0x2e5: {  	v1 =	vmul.f32 v22, v25  }
0x2e6: {  	v8 =	vmul.f32 v28, v3;
	v3 =	vmov v49  }
0x2e7: {  	v1 =	vadd.f32 v1, v20;
	[tilespmem:$0x1FBB0] =	vst v3;
	v3 =	vmul.f32 v42, v24;
	_ =	sdelay $0x1  }
0x2e8: {  	v1 =	vadd.f32 v3, v1;
	v3 =	vld [tilespmem:$0x1FC10]  }
0x2e9: {  	v0 =	vld [tilespmem:s22+$0x10]  }
0x2ea: {  	[tilespmem:v55+s0+$0x0] =	vst.idx.msk $0xffff, v63;
	v5 =	vmov v50;
	v50 =	vld [tilespmem:s22+$0x0]  }
0x2eb: {  	v11 =	vld.idx.msk [tilespmem:v41+s25+$0x0], $0xffff  }
0x2ec: {  	v41 =	vmul.f32 v39, v34;
	v42 =	vmul.f32 v43, v36;
	v43 =	vld [tilespmem:$0x1FBF0]  }
0x2ed: {  	[tilespmem:v2+s0+$0x0] =	vst.idx.msk $0xffff, v56;
	v51 =	vld [tilespmem:s22+$0xFFFFFFF0]  }
0x2ee: {  	s28 =	sadd.s32 $0x40, s28;
	[tilespmem:$0x1FB50] =	vst v41  }
0x2ef: {  	v4 =	vadd.f32 v13, v30;
	v22 =	vadd.f32 v19, v18;
	v41 =	vld [tilespmem:s28+$0x10];
	[tilespmem:v47+s0+$0x0] =	vst.idx.msk $0xffff, v62;
	v6 =	vshrl.u32 v0, $0x8  }
0x2f0: {  	v56 =	vand.u32 $0xFF, v0;
	v9 =	vand.u32 $0x7F, v0;
	v27 =	vshll.u32 v0, $0x3;
	v49 =	vld [tilespmem:s22+$0xFFFFFFE0];
	[tilespmem:v3+s1+$0x0] =	vst.idx.msk $0xffff, v35;
	v3 =	vmovc v58  }
0x2f1: {  	v59 =	vmovc v12;
	v63 =	vand.u32 $0xFF, v50;
	v27 =	vand.u32 $0x400, v27;
	v10 =	vadd.f32 v8, v22;
	[tilespmem:$0x1FBE0] =	vst v3;
	v3 =	vld.idx.msk [tilespmem:v31+s25+$0x0], $0xffff  }
0x2f2: {  	v4 =	vadd.f32 v7, v4;
	v62 =	vand.u32 $0xFF, v51;
	v7 =	vshll.u32 v51, $0x3;
	[tilespmem:$0x1FBF0] =	vst v59  }
0x2f3: {  	v59 =	vshll.u32 v50, $0x3;
	v24 =	vand.u32 $0x7F, v50;
	v22 =	vadd.s32 $0x1, v56;
	[tilespmem:$0x1FB70] =	vst v10  }
0x2f4: {  	v36 =	vld [tilespmem:$0x1FFF0];
	v8 =	vsub.f32 $1.000000000e+00, v41;
	v10 =	vand.u32 $0xFFFFF800, v0;
	v0 =	vshrl.u32 v0, $0x1;
	[tilespmem:v43+s1+$0x0] =	vst.idx.msk $0xffff, v33  }
0x2f5: {  	v30 =	vmovc v60;
	v28 =	vshll.u32 v22, $0x3;
	v60 =	vand.u32 $0x7F, v22;
	v0 =	vand.u32 $0x380, v0;
	v33 =	vld.idx.msk [tilespmem:v44+s25+$0x0], $0xffff;
	[tilespmem:v17+s1+$0x0] =	vst.idx.msk $0xffff, v1  }
0x2f6: {  	v61 =	vand.u32 $0xFF, v49;
	v1 =	vadd.s32 $0x1, v6;
	v6 =	vshll.u32 v49, $0x3;
	[tilespmem:$0x1FBA0] =	vst v3;
	v3 =	vld.idx.msk [tilespmem:v32+s25+$0x0], $0xffff  }
0x2f7: {  	v44 =	vmovc v52;
	v20 =	vld.idx.msk [tilespmem:v37+s25+$0x0], $0xffff;
	v37 =	vadd.s32 $0x1, v61;
	v58 =	vand.u32 $0xC00, v28;
	v31 =	vor.u32 v9, v27  }
0x2f8: {  	s9 =	sadd.s32 $0x10, s9;
	[tilespmem:$0x1FBD0] =	vst v44;
	v44 =	vadd.s32 $0x1, v62;
	v28 =	vadd.s32 v10, v58;
	v27 =	vor.u32 v10, v31  }
0x2f9: {  	v35 =	vld.idx.msk [tilespmem:v40+s25+$0x0], $0xffff;
	v9 =	vor.u32 s9, v36;
	v10 =	vmov s9;
	v40 =	vor.u32 v0, v27  }
0x2fa: {  	s29 =	sadd.s32 $0x40, s29;
	[tilespmem:$0x1FB80] =	vst v42;
	v0 =	vor.u32 v0, v28;
	v28 =	vshll.u32 v1, $0x8;
	v1 =	vshll.u32 v1, $0x7  }
0x2fb: {  	v43 =	vld [tilespmem:s29+$0x10];
	v42 =	vshll.u32 v10, $0x2;
	v0 =	vor.u32 v60, v0;
	[tilespmem:$0x1FBC0] =	vst v3;
	v3 =	vmovc v16;
	v16 =	vmovc v2;
	v2 =	vand.u32 $0xFFFFF800, v28  }
0x2fc: {  	v22 =	vld.idx.msk [tilespmem:v48+s25+$0x0], $0xffff;
	v1 =	vand.u32 $0x380, v1;
	v42 =	vand.u32 $0x200, v42;
	v31 =	vor.u32 v2, v31  }
0x2fd: {  	v27 =	vld.idx.msk [tilespmem:v46+s25+$0x0], $0xffff;
	v32 =	vand.u32 $0x7F, v9;
	v2 =	vadd.s32 v58, v2;
	v31 =	vor.u32 v1, v31  }
0x2fe: {  	v48 =	vand.u32 $0x400, v6;
	v32 =	vor.u32 v32, v42;
	v42 =	vld.idx.msk [tilespmem:v26+s25+$0x0], $0xffff;
	v1 =	vor.u32 v1, v2  }
0x2ff: {  	[tilespmem:$0x1FB40] =	vst v4;
	v6 =	vand.u32 $0x7F, v51;
	v4 =	vshll.u32 v44, $0x3;
	v39 =	vld.idx.msk [tilespmem:v40+s3+$0x0], $0xffff;
	v1 =	vor.u32 v60, v1  }
0x300: {  	v19 =	vmovc v54;
	v54 =	vand.u32 $0xC00, v4;
	v4 =	vand.u32 $0x400, v7;
	v46 =	vld.idx.msk [tilespmem:v0+s3+$0x0], $0xffff;
	v2 =	vshll.u32 v37, $0x3  }
0x301: {  	v7 =	vand.u32 $0xFFFFF800, v50;
	v28 =	vld.idx.msk [tilespmem:v45+s25+$0x0], $0xffff;
	v52 =	vand.u32 $0xC00, v2;
	v2 =	vsub.f32 $1.000000000e+00, v43  }
0x302: {  	[tilespmem:$0x1FB90] =	vst v5;
	v4 =	vor.u32 v6, v4;
	v26 =	vshrl.u32 v49, $0x8;
	v45 =	vadd.s32 $0x1, v63;
	v60 =	vld.idx.msk [tilespmem:v31+s3+$0x0], $0xffff  }
0x303: {  	[tilespmem:$0x1FB30] =	vst v11;
	v5 =	vshll.u32 v45, $0x3;
	v61 =	vmul.f32 v2, v8;
	v62 =	vmul.f32 v2, v41  }
0x304: {  	[tilespmem:$0x1FC10] =	vst v3;
	v3 =	vmul.f32 v43, v8;
	v58 =	vand.u32 $0xC00, v5;
	v5 =	vmul.f32 v43, v41;
	v11 =	vld.idx.msk [tilespmem:v1+s3+$0x0], $0xffff  }
0x305: {  	v43 =	vld.idx.msk [tilespmem:v21+s25+$0x0], $0xffff;
	v21 =	vand.u32 $0x7F, v49;
	v39 =	vmul.f32 v61, v39;
	v46 =	vmul.f32 v62, v46  }
0x306: {  	v26 =	vadd.s32 $0x1, v26;
	v63 =	vand.u32 $0xFFFFF800, v51;
	v21 =	vor.u32 v21, v48  }
0x307: {  	v48 =	vadd.s32 v7, v58;
	v8 =	vadd.f32 v46, v39;
	v9 =	vmul.f32 v60, v3  }
0x308: {  	v46 =	vand.u32 $0x400, v59;
	v59 =	vor.u32 v29, v32;
	v39 =	vld.idx.msk [tilespmem:v23+s25+$0x0], $0xffff;
	v23 =	vand.u32 $0xFFFFF800, v49  }
0x309: {  	v49 =	vshrl.u32 v49, $0x1;
	v11 =	vmul.f32 v11, v5;
	v10 =	vadd.f32 v9, v8  }
0x30a: {  	v41 =	vshrl.u32 v51, $0x1;
	v6 =	vor.u32 v24, v46;
	v24 =	vand.u32 $0x380, v49  }
0x30b: {  	v49 =	vand.u32 $0x380, v41;
	v7 =	vor.u32 v7, v6;
	v32 =	vadd.f32 v11, v10  }
0x30c: {  	v60 =	vshrl.u32 v51, $0x8;
	v51 =	vshrl.u32 v50, $0x8;
	v50 =	vshrl.u32 v50, $0x1  }
0x30d: {  	v2 =	vld [tilespmem:s29+$0xFFFFFFF0];
	v46 =	vadd.s32 $0x1, v60;
	v51 =	vadd.s32 $0x1, v51;
	v50 =	vand.u32 $0x380, v50;
	[tilespmem:v59+s0+$0x0] =	vst.idx.msk $0xffff, v32  }
0x30e: {  	v60 =	vand.u32 $0x7F, v37;
	v37 =	vor.u32 v63, v4;
	v8 =	vadd.s32 v23, v52;
	v40 =	vld.idx.msk [tilespmem:v40+s25+$0x0], $0xffff  }
0x30f: {  	v23 =	vor.u32 v23, v21;
	v34 =	vor.u32 v50, v48;
	v48 =	vshll.u32 v26, $0x8;
	v0 =	vld.idx.msk [tilespmem:v0+s25+$0x0], $0xffff  }
0x310: {  	v9 =	vshll.u32 v46, $0x8;
	v37 =	vor.u32 v49, v37;
	v8 =	vor.u32 v24, v8;
	v31 =	vld.idx.msk [tilespmem:v31+s25+$0x0], $0xffff  }
0x311: {  	v56 =	vld [tilespmem:s28+$0x0];
	v41 =	vor.u32 v24, v23;
	v23 =	vshll.u32 v46, $0x7;
	v24 =	vshll.u32 v51, $0x7  }
0x312: {  	v10 =	vand.u32 $0x7F, v45;
	v32 =	vadd.s32 v63, v54;
	v63 =	vand.u32 $0x7F, v44;
	v1 =	vld.idx.msk [tilespmem:v1+s25+$0x0], $0xffff  }
0x313: {  	v13 =	vmovc v57;
	v57 =	vld [tilespmem:s29+$0x0];
	v44 =	vor.u32 v60, v8;
	v32 =	vor.u32 v49, v32;
	v49 =	vsub.f32 $1.000000000e+00, v2  }
0x314: {  	v17 =	vmovc v55;
	v55 =	vld [tilespmem:s28+$0xFFFFFFF0];
	v61 =	vmul.f32 v40, v61;
	v0 =	vmul.f32 v0, v62;
	v40 =	vor.u32 v63, v32  }
0x315: {  	v62 =	vshll.u32 v51, $0x8;
	v32 =	vor.u32 v10, v34;
	v3 =	vmul.f32 v31, v3  }
0x316: {  	v31 =	vor.u32 v50, v7;
	v7 =	vand.u32 $0xFFFFF800, v48;
	v34 =	vand.u32 $0xFFFFF800, v9  }
0x317: {  	v1 =	vmul.f32 v1, v5;
	v4 =	vor.u32 v34, v4;
	v0 =	vadd.f32 v0, v61  }
0x318: {  	v5 =	vadd.s32 v54, v34;
	v54 =	vsub.f32 $1.000000000e+00, v56;
	v34 =	vsub.f32 $1.000000000e+00, v57  }
0x319: {  	v12 =	vmovc v47;
	v47 =	vld [tilespmem:s28+$0xFFFFFFE0];
	v51 =	vmul.f32 v49, v55;
	v8 =	vand.u32 $0xFFFFF800, v62;
	v0 =	vadd.f32 v3, v0  }
0x31a: {  	v18 =	vmovc v53;
	v53 =	vld [tilespmem:s29+$0xFFFFFFE0];
	v6 =	vor.u32 v8, v6;
	v50 =	vmul.f32 v34, v54;
	v3 =	vshll.u32 v26, $0x7  }
0x31b: {  	v9 =	vld.idx.msk [tilespmem:v44+s3+$0x0], $0xffff;
	v3 =	vand.u32 $0x380, v3;
	v0 =	vadd.f32 v1, v0;
	v1 =	vor.u32 v7, v21  }
0x31c: {  	v61 =	vld.idx.msk [tilespmem:v40+s3+$0x0], $0xffff;
	v21 =	vand.u32 $0x380, v23;
	v23 =	vand.u32 $0x380, v24;
	v24 =	vsub.f32 $1.000000000e+00, v55  }
0x31d: {  	v62 =	vld.idx.msk [tilespmem:v32+s3+$0x0], $0xffff;
	v48 =	vor.u32 v3, v1;
	v46 =	vor.u32 v21, v4;
	v1 =	vadd.s32 v52, v7  }
0x31e: {  	v45 =	vor.u32 v23, v6;
	v4 =	vld.idx.msk [tilespmem:v37+s3+$0x0], $0xffff;
	v5 =	vor.u32 v21, v5;
	v1 =	vor.u32 v3, v1  }
0x31f: {  	v7 =	vsub.f32 $1.000000000e+00, v47;
	[tilespmem:v59+s1+$0x0] =	vst.idx.msk $0xffff, v0;
	v59 =	vadd.s32 v58, v8;
	v26 =	vor.u32 v60, v1  }
0x320: {  	s12 =	sadd.s32 $0xFFFFFFF8, s9;
	v0 =	vld.idx.msk [tilespmem:v41+s3+$0x0], $0xffff;
	v8 =	vsub.f32 $1.000000000e+00, v53;
	v6 =	vor.u32 v23, v59;
	v23 =	vor.u32 v63, v5  }
0x321: {  	v3 =	vld.idx.msk [tilespmem:v31+s3+$0x0], $0xffff;
	v58 =	vmov s12;
	v52 =	vmul.f32 v2, v24;
	v60 =	vmul.f32 v53, v7  }
0x322: {  	v25 =	vshll.u32 v58, $0x2;
	v58 =	vmul.f32 v57, v54;
	v54 =	vmul.f32 v53, v47;
	v59 =	vld.idx.msk [tilespmem:v48+s3+$0x0], $0xffff  }
0x323: {  	v1 =	vmul.f32 v8, v7;
	v5 =	vmul.f32 v8, v47;
	v63 =	vld.idx.msk [tilespmem:v45+s3+$0x0], $0xffff  }
0x324: {  	v21 =	vor.u32 v10, v6;
	v10 =	vmul.f32 v49, v24;
	v49 =	vmul.f32 v34, v56;
	v11 =	vld.idx.msk [tilespmem:v26+s3+$0x0], $0xffff  }
0x325: {  	v9 =	vmul.f32 v5, v9;
	v0 =	vmul.f32 v1, v0;
	v29 =	vld.idx.msk [tilespmem:v23+s3+$0x0], $0xffff  }
0x326: {  	v62 =	vmul.f32 v49, v62;
	v3 =	vmul.f32 v50, v3  }
0x327: {  	v53 =	vmul.f32 v2, v55;
	v0 =	vadd.f32 v9, v0;
	v24 =	vmul.f32 v59, v60  }
0x328: {  	v61 =	vmul.f32 v51, v61;
	v3 =	vadd.f32 v62, v3;
	v63 =	vmul.f32 v63, v58  }
0x329: {  	v4 =	vmul.f32 v10, v4;
	v62 =	vor.u32 s12, v36;
	v0 =	vadd.f32 v24, v0  }
0x32a: {  	s11 =	sadd.s32 $0xFFFFFFFC, s9;
	v2 =	vmul.f32 v11, v54;
	v3 =	vadd.f32 v63, v3;
	v59 =	vmul.f32 v29, v53  }
0x32b: {  	v8 =	vld.idx.msk [tilespmem:v46+s3+$0x0], $0xffff;
	v63 =	vor.u32 s11, v36;
	v24 =	vand.u32 $0x200, v25;
	v29 =	vand.u32 $0x77, v62  }
0x32c: {  	s14 =	sadd.s32 $0xFFFFFFF4, s9;
	v11 =	vand.u32 $0x7B, v63;
	v63 =	vadd.f32 v2, v0;
	v2 =	vor.u32 v29, v24;
	v29 =	vld [tilespmem:$0x1FFD0]  }
0x32d: {  	v6 =	vmov s14  }
0x32e: {  	v6 =	vshll.u32 v6, $0x2;
	v4 =	vadd.f32 v61, v4;
	v61 =	vor.u32 s14, v36  }
0x32f: {  	v6 =	vand.u32 $0x200, v6;
	v9 =	vand.u32 $0x73, v61  }
0x330: {  	v0 =	vor.u32 v9, v6  }
0x331: {  	v8 =	vmul.f32 v8, v52;
	v55 =	vor.u32 v29, v0;
	v0 =	vld [tilespmem:$0x1FB30];
	_ =	sdelay $0x1  }
0x332: {  	v7 =	vld.idx.msk [tilespmem:v21+s3+$0x0], $0xffff;
	v4 =	vadd.f32 v8, v4;
	_ =	sdelay $0x1  }
0x333: {  	v62 =	vadd.f32 v59, v4;
	v59 =	vld [tilespmem:$0x1FB50]  }
0x334: {  	v57 =	vmul.f32 v57, v56;
	v0 =	vmul.f32 v0, v38;
	v38 =	vld [tilespmem:$0x1FB40]  }
0x335: {  	v34 =	vmov s11  }
0x336: {  	v34 =	vshll.u32 v34, $0x2;
	v7 =	vmul.f32 v7, v57  }
0x337: {  	v25 =	vand.u32 $0x200, v34  }
0x338: {  	v56 =	vadd.f32 v7, v3;
	v3 =	vor.u32 v11, v25;
	v47 =	vor.u32 v29, v2  }
0x339: {  	v2 =	vor.u32 v29, v3;
	v3 =	vmul.f32 v33, v14;
	v33 =	vadd.f32 v59, v38;
	v38 =	vmovc v1;
	v1 =	vld [tilespmem:$0x1FB60];
	_ =	sdelay $0x3  }
0x33a: {  	v61 =	vld [tilespmem:$0x1FB80]  }
0x33b: {  	v36 =	vmov v13;
	v13 =	vmul.f32 v35, v1;
	v1 =	vld [tilespmem:$0x1FB70];
	_ =	sdelay $0x3  }
0x33c: {  	v25 =	vmov v30;
	v30 =	vmul.f32 v20, v15;
	v20 =	vadd.f32 v3, v0;
	v0 =	vld [tilespmem:$0x1FB90]  }
0x33d: {  	v35 =	vadd.f32 v61, v1;
	v1 =	vld [tilespmem:$0x1FBA0];
	_ =	sdelay $0x4  }
0x33e: {  	s17 =	sadd.s32 $0x4, s17;
	v34 =	vmov v18;
	v18 =	vmul.f32 v1, v0;
	v0 =	vld [tilespmem:$0x1FBB0]  }
0x33f: {  	p1 =	slt.u32 s17, $0x3C;
	v1 =	vld [tilespmem:$0x1FBC0]  }
.Ltmp1:
0x340: {  	_ = 	snop;
	(pc) =	sbr.rel @p1 .LBB2_6-.Ltmp1, $2  }
0x341: {  	_ =	sdelay $0x2  }
0x342: {  	s22 =	sadd.s32 $0x40, s22;
	v24 =	vmovc v19;
	v15 =	vmov v10;
	v14 =	vmov v5;
	v19 =	vmul.f32 v1, v0  }
0x343: {  	_ =	sdelay $0x3  }
0x344: {  	[tilespmem:v55+s0+$0x0] =	vst.idx.msk $0xffff, v63  }
0x345: {  	v0 =	vld.idx.msk [tilespmem:v41+s25+$0x0], $0xffff  }
0x346: {  	[tilespmem:v47+s0+$0x0] =	vst.idx.msk $0xffff, v62;
	v1 =	vld.idx.msk [tilespmem:v44+s25+$0x0], $0xffff  }
0x347: {  	v3 =	vld.idx.msk [tilespmem:v37+s25+$0x0], $0xffff  }
0x348: {  	[tilespmem:v2+s0+$0x0] =	vst.idx.msk $0xffff, v56;
	v4 =	vld.idx.msk [tilespmem:v40+s25+$0x0], $0xffff  }
0x349: {  	v7 =	vld.idx.msk [tilespmem:v31+s25+$0x0], $0xffff  }
0x34a: {  	v8 =	vld [tilespmem:$0x1FBD0]  }
0x34b: {  	v10 =	vld [tilespmem:$0x1FBE0]  }
0x34c: {  	v11 =	vld.idx.msk [tilespmem:v32+s25+$0x0], $0xffff  }
0x34d: {  	v32 =	vld.idx.msk [tilespmem:v48+s25+$0x0], $0xffff  }
0x34e: {  	v5 =	vmul.f32 v22, v25;
	v41 =	vld.idx.msk [tilespmem:v46+s25+$0x0], $0xffff  }
0x34f: {  	v25 =	vmul.f32 v42, v24;
	v42 =	vmul.f32 v43, v36;
	v43 =	vld [tilespmem:$0x1FBF0]  }
0x350: {  	v40 =	vmul.f32 v39, v34;
	v44 =	vld.idx.msk [tilespmem:v45+s25+$0x0], $0xffff  }
0x351: {  	v45 =	vld.idx.msk [tilespmem:v26+s25+$0x0], $0xffff;
	v8 =	vmul.f32 v27, v8;
	v10 =	vmul.f32 v28, v10  }
0x352: {  	v6 =	vadd.f32 v13, v30;
	v0 =	vmul.f32 v0, v38;
	v1 =	vmul.f32 v1, v14  }
0x353: {  	v48 =	vld.idx.msk [tilespmem:v21+s25+$0x0], $0xffff;
	v5 =	vadd.f32 v5, v20;
	v3 =	vmul.f32 v3, v15;
	v4 =	vmul.f32 v4, v51  }
0x354: {  	v9 =	vadd.f32 v19, v18;
	v7 =	vmul.f32 v7, v50;
	v50 =	vmul.f32 v11, v49  }
0x355: {  	v46 =	vld.idx.msk [tilespmem:v23+s25+$0x0], $0xffff;
	v5 =	vadd.f32 v25, v5;
	v51 =	vmul.f32 v32, v60;
	v56 =	vmul.f32 v41, v52  }
0x356: {  	v58 =	vmul.f32 v44, v58;
	v59 =	vmul.f32 v45, v54;
	v6 =	vadd.f32 v8, v6  }
0x357: {  	v37 =	vadd.f32 v10, v9;
	v0 =	vadd.f32 v1, v0;
	[tilespmem:v43+s1+$0x0] =	vst.idx.msk $0xffff, v33  }
0x358: {  	v61 =	vmul.f32 v48, v57;
	v3 =	vadd.f32 v4, v3;
	v7 =	vadd.f32 v50, v7;
	v20 =	vld [tilespmem:$0x1FC10]  }
0x359: {  	[tilespmem:v17+s1+$0x0] =	vst.idx.msk $0xffff, v5;
	v6 =	vadd.f32 v40, v6;
	v0 =	vadd.f32 v51, v0  }
0x35a: {  	v8 =	vadd.f32 v42, v37;
	v3 =	vadd.f32 v56, v3;
	v5 =	vmul.f32 v46, v53  }
0x35b: {  	v60 =	vadd.f32 v58, v7;
	[tilespmem:v12+s1+$0x0] =	vst.idx.msk $0xffff, v6;
	v0 =	vadd.f32 v59, v0  }
0x35c: {  	[tilespmem:v16+s1+$0x0] =	vst.idx.msk $0xffff, v8;
	v62 =	vadd.f32 v5, v3  }
0x35d: {  	v63 =	vadd.f32 v61, v60;
	[tilespmem:v55+s1+$0x0] =	vst.idx.msk $0xffff, v0  }
0x35e: {  	s9 =	sadd.s32 @!p0 s26, s18;
	[tilespmem:v47+s1+$0x0] =	vst.idx.msk $0xffff, v62  }
0x35f: {  	s9 =	sshrl.u32 @!p0 s9, $0x3;
	[tilespmem:v2+s1+$0x0] =	vst.idx.msk $0xffff, v63  }
0x360: {  	s12 =	simm.s32 @!p0 $0x0;
	s14 =	simm.s32 @!p0 $0x1C400;
	s11 =	sadd.s32 @!p0 s5, s9;
	[tilespmem:v20+s1+$0x0] =	vst.idx.msk $0xffff, v35  }
0x361: {  	[tilespmem:s14], [sflag:$0x2] =	stream.linear.gather @!p0 [hbm4b:s11+s12], $0x400, $0x38;
	[tilespmem:$0x1EC00] =	vst v63  }
0x362: {  	s28 =	sor.u32 $0x400, s26;
	s11 =	sadd.s32 @!p0 s6, s9;
	s14 =	simm.s32 @!p0 $0x1CC00  }
0x363: {  	[tilespmem:s14], [sflag:$0x2] =	stream.linear.gather @!p0 [hbm4b:s11+s12], $0x400, $0x38;
	[tilespmem:$0x1EC00] =	vst v63  }
0x364: {  	s19 =	sadd.s32 $0x1, s19;
	s9 =	sadd.s32 @!p0 s7, s9;
	s11 =	simm.s32 @!p0 $0x1D400  }
0x365: {  	[tilespmem:s11], [sflag:$0x2] =	stream.linear.gather @!p0 [hbm4b:s9+s12], $0x400, $0x38;
	[tilespmem:$0x1EC00] =	vst v63  }
0x366: {  	s29 =	sadd.s32 s20, s28;
	p0 =	sne.s32 s19, $0x27  }
.Ltmp2:
0x367: {  	s11 =	sshrl.u32 s29, $0x3;
	s9 =	sadd.s32 s21, s28;
	(pc) =	sbr.rel @p0 .LBB2_3-.Ltmp2, $4  }
0x368: {  	s11 =	sadd.s32 s2, s11;
	s9 =	sshrl.u32 s9, $0x3  }
0x369: {  	[hbm4b:s11+s3] =	stream.linear.scatter [tilespmem:s0], [sflag:$0x4], $0x400, $0x38;
	[tilespmem:$0x1EC00] =	vst v63  }
0x36a: {  	s9 =	sadd.s32 s2, s9  }
0x36b: {  	v43 =	vld [tilespmem:$0x1FFF0];
	[hbm4b:s9+s3] =	stream.linear.scatter [tilespmem:s1], [sflag:$0x4], $0x400, $0x38  }
0x36c: {  	s11 =	simm.s32 $0x0;
	s9 =	rddreg [dreg:$0xd];
	s20 =	simm.s32 $0x1C000  }
0x36d: {  	[tilespmem:s20], [sflag:$0x5] =	stream.linear.gather [hbm4b:s9+s11], $0x80, $0x38;
	[tilespmem:$0x1EC00] =	vst v63  }
0x36e: {  	_ =	swait.ge [sflag:s24], $0x80  }
0x36f: {  	[sflag:s24] =	ssyncset.done $0x0  }
0x370: {  	s21 =	simm.s32 $0x1C800;
	s28 =	rddreg [dreg:$0xe];
	[sflag:s24] =	ssyncadd.s32 $0xFFFFFF80  }
0x371: {  	[tilespmem:s21], [sflag:$0x5] =	stream.linear.gather [hbm4b:s28+s11], $0x80, $0x38;
	[tilespmem:$0x1EC00] =	vst v63  }
0x372: {  	_ =	swait.ge [sflag:s24], $0x80  }
0x373: {  	[sflag:s24] =	ssyncset.done $0x0  }
0x374: {  	s22 =	simm.s32 $0x1D000;
	s29 =	rddreg [dreg:$0xf];
	[sflag:s24] =	ssyncadd.s32 $0xFFFFFF80  }
0x375: {  	[tilespmem:s22], [sflag:$0x5] =	stream.linear.gather [hbm4b:s29+s11], $0x80, $0x38;
	[tilespmem:$0x1EC00] =	vst v63  }
0x376: {  	_ =	swait.ge [sflag:s24], $0x80  }
0x377: {  	[sflag:s24] =	ssyncset.done $0x0  }
0x378: {  	p0 =	por $0x1, $0x1;
	v44 =	vld [tilespmem:$0x1FFE0];
	[sflag:s24] =	ssyncadd.s32 $0xFFFFFF80  }
.LBB2_9:
0x379: {  	s12 =	sshll.u32 s11, $0x4  }
0x37a: {  	v0 =	vld [tilespmem:s12+$0x1C000]  }
0x37b: {  	v1 =	vld [tilespmem:s12+$0x1C800]  }
0x37c: {  	s9 =	sor.u32 $0x1, s11;
	v12 =	vld [tilespmem:s12+$0x1D000]  }
0x37d: {  	s14 =	sshll.u32 s9, $0x4  }
0x37e: {  	v8 =	vld [tilespmem:s14+$0x1C000]  }
0x37f: {  	s28 =	sor.u32 $0x2, s11;
	v18 =	vld [tilespmem:s14+$0x1C800];
	v2 =	vshrl.u32 v0, $0x8;
	v3 =	vand.u32 $0xFF, v0  }
0x380: {  	s19 =	sor.u32 $0x3, s11;
	s29 =	sshll.u32 s28, $0x4;
	v20 =	vld [tilespmem:s14+$0x1D000];
	v4 =	vshll.u32 v0, $0x3;
	v5 =	vand.u32 $0x7F, v0;
	v6 =	vand.u32 $0xFFFFF800, v0  }
0x381: {  	s26 =	sshll.u32 s19, $0x4;
	v57 =	vld [tilespmem:s29+$0x1C000];
	v0 =	vshrl.u32 v0, $0x1;
	v10 =	vsub.f32 $1.000000000e+00, v1;
	v52 =	vsub.f32 $1.000000000e+00, v12  }
0x382: {  	v29 =	vld [tilespmem:s26+$0x1C000];
	v2 =	vadd.s32 $0x1, v2;
	v4 =	vand.u32 $0x400, v4;
	v38 =	vadd.s32 $0x1, v3  }
0x383: {  	v0 =	vand.u32 $0x380, v0;
	v46 =	vand.u32 $0xFF, v8;
	v47 =	vshrl.u32 v8, $0x8  }
0x384: {  	v48 =	vshll.u32 v8, $0x3;
	v49 =	vand.u32 $0xFFFFF800, v8;
	v11 =	vand.u32 $0x7F, v8  }
0x385: {  	v8 =	vshrl.u32 v8, $0x1;
	v24 =	vsub.f32 $1.000000000e+00, v18;
	v25 =	vsub.f32 $1.000000000e+00, v20  }
0x386: {  	v34 =	vshrl.u32 v57, $0x8;
	v35 =	vand.u32 $0xFF, v57;
	v36 =	vshll.u32 v57, $0x3  }
0x387: {  	v37 =	vand.u32 $0xFFFFF800, v57;
	v31 =	vshll.u32 v29, $0x3;
	v32 =	vand.u32 $0xFFFFF800, v29  }
0x388: {  	v33 =	vand.u32 $0x7F, v29;
	v4 =	vor.u32 v5, v4;
	v7 =	vshll.u32 v38, $0x3  }
0x389: {  	v9 =	vand.u32 $0x7F, v38;
	v41 =	vshll.u32 v2, $0x8;
	v2 =	vshll.u32 v2, $0x7  }
0x38a: {  	v8 =	vand.u32 $0x380, v8;
	v38 =	vand.u32 $0x7F, v57;
	v31 =	vand.u32 $0x400, v31  }
0x38b: {  	v39 =	vor.u32 v6, v4;
	v40 =	vand.u32 $0xC00, v7;
	v7 =	vand.u32 $0xFFFFF800, v41  }
0x38c: {  	v2 =	vand.u32 $0x380, v2;
	v41 =	vand.u32 $0xFF, v29;
	v31 =	vor.u32 v33, v31  }
0x38d: {  	v3 =	vor.u32 v0, v39;
	v6 =	vadd.s32 v6, v40;
	v42 =	vadd.s32 v40, v7  }
0x38e: {  	v45 =	vor.u32 v7, v4;
	v7 =	vand.u32 $0x400, v48;
	v0 =	vor.u32 v0, v6  }
0x38f: {  	v6 =	vor.u32 v2, v42;
	v4 =	vor.u32 v2, v45;
	v13 =	vor.u32 v11, v7  }
0x390: {  	v42 =	vshrl.u32 v29, $0x8;
	v5 =	vor.u32 v9, v0;
	v0 =	vadd.s32 $0x1, v46  }
0x391: {  	v2 =	vor.u32 v9, v6;
	v11 =	vor.u32 v49, v13;
	v50 =	vshll.u32 v0, $0x3  }
0x392: {  	v6 =	vadd.s32 $0x1, v47;
	v7 =	vor.u32 v8, v11;
	v17 =	vand.u32 $0xC00, v50  }
0x393: {  	v0 =	vand.u32 $0x7F, v0;
	v51 =	vshll.u32 v6, $0x8;
	v9 =	vadd.s32 v49, v17  }
0x394: {  	v6 =	vshll.u32 v6, $0x7;
	v19 =	vand.u32 $0xFFFFF800, v51;
	v15 =	vld.idx.msk [tilespmem:v3+s3+$0x0], $0xffff;
	v8 =	vor.u32 v8, v9  }
0x395: {  	v21 =	vand.u32 $0x380, v6;
	v53 =	vor.u32 v19, v13;
	v16 =	vld.idx.msk [tilespmem:v5+s3+$0x0], $0xffff;
	v11 =	vor.u32 v0, v8  }
0x396: {  	v29 =	vshrl.u32 v29, $0x1;
	v58 =	vadd.s32 v17, v19;
	v14 =	vor.u32 v21, v53  }
0x397: {  	v29 =	vand.u32 $0x380, v29;
	v54 =	vld.idx.msk [tilespmem:v4+s3+$0x0], $0xffff;
	v9 =	vmul.f32 v52, v10;
	v21 =	vor.u32 v21, v58  }
0x398: {  	s17 =	sshll.u32 s11, $0x2;
	v8 =	vmul.f32 v52, v1;
	v55 =	vld.idx.msk [tilespmem:v2+s3+$0x0], $0xffff;
	v0 =	vor.u32 v0, v21;
	v21 =	vadd.s32 $0x1, v34  }
0x399: {  	v6 =	vor.u32 s17, v44;
	v10 =	vmul.f32 v12, v10;
	v22 =	vld.idx.msk [tilespmem:v7+s3+$0x0], $0xffff;
	v40 =	vshll.u32 v21, $0x8  }
0x39a: {  	v21 =	vshll.u32 v21, $0x7;
	v15 =	vmul.f32 v9, v15;
	v16 =	vmul.f32 v8, v16;
	v23 =	vld.idx.msk [tilespmem:v11+s3+$0x0], $0xffff  }
0x39b: {  	v17 =	vmul.f32 v20, v24;
	v12 =	vmul.f32 v12, v1;
	v21 =	vand.u32 $0x380, v21;
	v26 =	vld.idx.msk [tilespmem:v14+s3+$0x0], $0xffff  }
0x39c: {  	v13 =	vmul.f32 v54, v10;
	v56 =	vadd.f32 v16, v15;
	v15 =	vmul.f32 v25, v24  }
0x39d: {  	v27 =	vmul.f32 v55, v12;
	v16 =	vmul.f32 v25, v18;
	v25 =	vshrl.u32 v57, $0x1  }
0x39e: {  	v25 =	vand.u32 $0x380, v25;
	v59 =	vmul.f32 v15, v22;
	v22 =	vadd.s32 $0x1, v35  }
0x39f: {  	v60 =	vmul.f32 v16, v23;
	v23 =	vand.u32 $0x400, v36;
	v39 =	vshll.u32 v22, $0x3  }
0x3a0: {  	v63 =	vld [tilespmem:s29+$0x1C800];
	v62 =	vmul.f32 v26, v17;
	v23 =	vor.u32 v38, v23;
	v26 =	vand.u32 $0xC00, v39  }
0x3a1: {  	v1 =	vadd.f32 v13, v56;
	v28 =	vor.u32 v37, v23;
	v24 =	vadd.s32 v37, v26  }
0x3a2: {  	v28 =	vor.u32 v25, v28;
	v24 =	vor.u32 v25, v24;
	v25 =	vand.u32 $0xFFFFF800, v40  }
0x3a3: {  	v35 =	vor.u32 v32, v31;
	v23 =	vor.u32 v25, v23;
	v25 =	vadd.s32 v26, v25  }
0x3a4: {  	v23 =	vor.u32 v21, v23;
	v21 =	vor.u32 v21, v25;
	v25 =	vadd.s32 $0x1, v41  }
0x3a5: {  	v30 =	vsub.f32 $1.000000000e+00, v63;
	v34 =	vld [tilespmem:s29+$0x1D000];
	v35 =	vor.u32 v29, v35;
	v45 =	vshll.u32 v25, $0x3  }
0x3a6: {  	v22 =	vand.u32 $0x7F, v22;
	v38 =	vld [tilespmem:s26+$0x1D000];
	v1 =	vadd.f32 v27, v1;
	v33 =	vand.u32 $0xC00, v45  }
0x3a7: {  	v37 =	vld [tilespmem:s26+$0x1C800];
	v24 =	vor.u32 v22, v24;
	v26 =	vadd.s32 $0x1, v42;
	v32 =	vadd.s32 v32, v33  }
0x3a8: {  	v36 =	vld.idx.msk [tilespmem:v0+s3+$0x0], $0xffff;
	[tilespmem:v6+s8+$0x0] =	vst.idx.msk $0xffff, v1;
	v46 =	vshll.u32 v26, $0x8;
	v25 =	vand.u32 $0x7F, v25;
	v29 =	vor.u32 v29, v32  }
0x3a9: {  	v3 =	vld.idx.msk [tilespmem:v3+s25+$0x0], $0xffff;
	v26 =	vshll.u32 v26, $0x7;
	v32 =	vand.u32 $0xFFFFF800, v46;
	v29 =	vor.u32 v25, v29  }
0x3aa: {  	v52 =	vld.idx.msk [tilespmem:v35+s3+$0x0], $0xffff;
	v21 =	vor.u32 v22, v21;
	v47 =	vand.u32 $0x380, v26;
	v48 =	vor.u32 v32, v31  }
0x3ab: {  	v13 =	vmul.f32 v20, v18;
	v39 =	vld.idx.msk [tilespmem:v28+s3+$0x0], $0xffff;
	v32 =	vadd.s32 v33, v32;
	v26 =	vor.u32 v47, v48  }
0x3ac: {  	v42 =	vsub.f32 $1.000000000e+00, v38;
	v41 =	vsub.f32 $1.000000000e+00, v37;
	v40 =	vld.idx.msk [tilespmem:v24+s3+$0x0], $0xffff;
	v22 =	vor.u32 v47, v32  }
0x3ad: {  	v49 =	vsub.f32 $1.000000000e+00, v34;
	v20 =	vmul.f32 v34, v63;
	v50 =	vld.idx.msk [tilespmem:v23+s3+$0x0], $0xffff;
	v22 =	vor.u32 v25, v22  }
0x3ae: {  	s9 =	sshll.u32 s9, $0x2;
	v61 =	vadd.f32 v60, v59;
	v51 =	vmul.f32 v36, v13;
	v58 =	vmul.f32 v42, v41;
	v53 =	vld.idx.msk [tilespmem:v29+s3+$0x0], $0xffff  }
0x3af: {  	v31 =	vmul.f32 v49, v63;
	v32 =	vmul.f32 v49, v30;
	v54 =	vld.idx.msk [tilespmem:v21+s3+$0x0], $0xffff;
	v25 =	vor.u32 s9, v44  }
0x3b0: {  	v18 =	vadd.f32 v62, v61;
	v42 =	vmul.f32 v42, v37;
	v30 =	vmul.f32 v34, v30;
	v57 =	vld.idx.msk [tilespmem:v26+s3+$0x0], $0xffff  }
0x3b1: {  	v5 =	vld.idx.msk [tilespmem:v5+s25+$0x0], $0xffff;
	v55 =	vmul.f32 v32, v39;
	v56 =	vmul.f32 v31, v40  }
0x3b2: {  	v18 =	vadd.f32 v51, v18;
	v60 =	vmul.f32 v58, v52;
	v39 =	vmul.f32 v38, v41;
	v59 =	vld.idx.msk [tilespmem:v22+s3+$0x0], $0xffff  }
0x3b3: {  	s28 =	sshll.u32 s28, $0x2;
	v4 =	vld.idx.msk [tilespmem:v4+s25+$0x0], $0xffff;
	v19 =	vmul.f32 v50, v30;
	v1 =	vadd.f32 v56, v55;
	v61 =	vmul.f32 v42, v53  }
0x3b4: {  	v36 =	vor.u32 s28, v44;
	v62 =	vmul.f32 v38, v37;
	v34 =	vmul.f32 v54, v20;
	[tilespmem:v25+s8+$0x0] =	vst.idx.msk $0xffff, v18  }
0x3b5: {  	s29 =	sshll.u32 s19, $0x2;
	v2 =	vld.idx.msk [tilespmem:v2+s25+$0x0], $0xffff;
	v1 =	vadd.f32 v19, v1;
	v63 =	vmul.f32 v57, v39;
	v18 =	vadd.f32 v61, v60  }
0x3b6: {  	v40 =	vor.u32 s29, v44;
	v7 =	vld.idx.msk [tilespmem:v7+s25+$0x0], $0xffff  }
0x3b7: {  	v11 =	vld.idx.msk [tilespmem:v11+s25+$0x0], $0xffff;
	v1 =	vadd.f32 v34, v1;
	v45 =	vmul.f32 v59, v62;
	v18 =	vadd.f32 v63, v18  }
0x3b8: {  	v14 =	vld.idx.msk [tilespmem:v14+s25+$0x0], $0xffff  }
0x3b9: {  	v0 =	vld.idx.msk [tilespmem:v0+s25+$0x0], $0xffff;
	[tilespmem:v36+s8+$0x0] =	vst.idx.msk $0xffff, v1;
	v46 =	vadd.f32 v45, v18  }
0x3ba: {  	v47 =	vld.idx.msk [tilespmem:v28+s25+$0x0], $0xffff  }
0x3bb: {  	v48 =	vld.idx.msk [tilespmem:v24+s25+$0x0], $0xffff;
	[tilespmem:v40+s8+$0x0] =	vst.idx.msk $0xffff, v46  }
0x3bc: {  	v49 =	vld.idx.msk [tilespmem:v35+s25+$0x0], $0xffff  }
0x3bd: {  	v3 =	vmul.f32 v3, v9;
	v5 =	vmul.f32 v5, v8;
	v50 =	vld.idx.msk [tilespmem:v29+s25+$0x0], $0xffff  }
0x3be: {  	v4 =	vmul.f32 v4, v10;
	v51 =	vld.idx.msk [tilespmem:v23+s25+$0x0], $0xffff  }
0x3bf: {  	v2 =	vmul.f32 v2, v12;
	v3 =	vadd.f32 v5, v3;
	v7 =	vmul.f32 v7, v15;
	v53 =	vld.idx.msk [tilespmem:v26+s25+$0x0], $0xffff  }
0x3c0: {  	v52 =	vmul.f32 v11, v16;
	v54 =	vmul.f32 v14, v17;
	v55 =	vld.idx.msk [tilespmem:v21+s25+$0x0], $0xffff  }
0x3c1: {  	v3 =	vadd.f32 v4, v3;
	v56 =	vmul.f32 v47, v32;
	v1 =	vmul.f32 v48, v31;
	v57 =	vld.idx.msk [tilespmem:v22+s25+$0x0], $0xffff  }
0x3c2: {  	v7 =	vadd.f32 v52, v7;
	v58 =	vmul.f32 v49, v58;
	v9 =	vmul.f32 v50, v42  }
0x3c3: {  	v0 =	vmul.f32 v0, v13;
	v59 =	vmul.f32 v51, v30;
	v1 =	vadd.f32 v1, v56  }
0x3c4: {  	v5 =	vadd.f32 v54, v7;
	v60 =	vmul.f32 v53, v39;
	v4 =	vadd.f32 v9, v58  }
0x3c5: {  	p1 =	por p0, p0;
	v2 =	vadd.f32 v2, v3;
	v61 =	vmul.f32 v55, v20;
	v1 =	vadd.f32 v59, v1  }
.Ltmp3:
0x3c6: {  	v0 =	vadd.f32 v0, v5;
	v62 =	vmul.f32 v57, v62;
	v4 =	vadd.f32 v60, v4;
	(pc) =	sbr.rel @p1 .LBB2_9-.Ltmp3, $4  }
0x3c7: {  	[tilespmem:v6+s10+$0x0] =	vst.idx.msk $0xffff, v2;
	v1 =	vadd.f32 v61, v1  }
0x3c8: {  	[tilespmem:v25+s10+$0x0] =	vst.idx.msk $0xffff, v0;
	v63 =	vadd.f32 v62, v4  }
0x3c9: {  	[tilespmem:v36+s10+$0x0] =	vst.idx.msk $0xffff, v1  }
0x3ca: {  	s11 =	simm.s32 $0x4;
	p0 =	por $0x0, $0x0;
	[tilespmem:v40+s10+$0x0] =	vst.idx.msk $0xffff, v63  }
0x3cb: {  	s11 =	rddreg [dreg:$0x10]  }
0x3cc: {  	s9 =	sadd.s32 s15, s11  }
0x3cd: {  	s9 =	sshrl.u32 s9, $0x3  }
0x3ce: {  	s9 =	sadd.s32 s2, s9  }
0x3cf: {  	[hbm4b:s9+s3] =	stream.linear.scatter [tilespmem:s8], [sflag:$0x5], $0x200, $0x38;
	[tilespmem:$0x1EC00] =	vst v63  }
0x3d0: {  	_ =	swait.ge [sflag:s24], $0x200  }
0x3d1: {  	s26 =	rddreg [dreg:$0x13]  }
0x3d2: {  	s9 =	sadd.s32 s26, s11  }
0x3d3: {  	[sflag:s24] =	ssyncset.done $0x0;
	s9 =	sshrl.u32 s9, $0x3  }
0x3d4: {  	[sflag:s24] =	ssyncadd.s32 $0xFFFFFE00;
	s9 =	sadd.s32 s2, s9  }
0x3d5: {  	[hbm4b:s9+s3] =	stream.linear.scatter [tilespmem:s10], [sflag:$0x5], $0x200, $0x38;
	[tilespmem:$0x1EC00] =	vst v63  }
0x3d6: {  	_ =	swait.ge [sflag:s24], $0x200  }
0x3d7: {  	[sflag:s24] =	ssyncset.done $0x0  }
0x3d8: {  	s28 =	simm.s32 $0x3;
	[sflag:s24] =	ssyncadd.s32 $0xFFFFFE00  }
0x3d9: {  	_ =	swait.ge [sflag:s28], $0x400  }
0x3da: {  	[sflag:s28] =	ssyncset.done $0x0  }
0x3db: {  	[sflag:s28] =	ssyncadd.s32 $0xFFFFFC00  }
0x3dc: {  	_ =	swait.ge [sflag:s28], $0x400  }
0x3dd: {  	[sflag:s28] =	ssyncset.done $0x0  }
0x3de: {  	s29 =	simm.s32 $0x4;
	s13 =	sadd.s32 $0x1, s13;
	[sflag:s28] =	ssyncadd.s32 $0xFFFFFC00  }
0x3df: {  	p0 =	sne.s32 s13, $0x6;
	_ =	swait.ge [sflag:s29], $0x400  }
.Ltmp4:
0x3e0: {  	[sflag:s29] =	ssyncset.done $0x0;
	(pc) =	sbr.rel @p0 .LBB2_2-.Ltmp4, $4  }
0x3e1: {  	[sflag:s29] =	ssyncadd.s32 $0xFFFFFC00  }
0x3e2: {  	_ =	swait.ge [sflag:s29], $0x400  }
0x3e3: {  	[sflag:s29] =	ssyncset.done $0x0  }
0x3e4: {  	v29 =	vld [tilespmem:$0x1FFD0];
	[sflag:s29] =	ssyncadd.s32 $0xFFFFFC00  }
0x3e5: {  	s11 =	rddreg [dreg:$0x12]  }
0x3e6: {  	s9 =	rddreg [dreg:$0x11];
	s11 =	sadd.s32 $0x1, s11  }
0x3e7: {  	p0 =	sne.s32 s11, s9  }
.Ltmp5:
0x3e8: {  	_ = 	snop;
	(pc) =	sbr.rel @p0 .LBB2_1-.Ltmp5, $1  }
0x3e9: {  	_ =	sdelay $0x3  }
0x3ea: {  	_ =	sfence.sel $0x180000  }
0x3eb: {  	[bflag:$0x0] =	sbarrier.arrive $0xFFFF  }
0x3ec: {  	_ =	strace $0x90000047  }
0x3ed: {  	s0 =	stileid.u32;
	[bflag:$0x2] =	sbarrier.arrive $0xFFFF  }
0x3ee: {  	p0 =	sne.s32 s0, $0x0;
	s0 =	rddreg [dreg:$0x3]  }
0x3ef: {  	s0 =	sadd.s32 @!p0 $0x100000, s0  }
0x3f0: {  	[sflag:s0] =	ssyncadd.tile.s32 @!p0 $0x1;
	_ =	shalt  }
.Lfunc_end2:
_tile_overlayer_lowered:
.L_overlay_start_2:
0x3f1: {  	(tag) =	ssettag $0x2  }
0x3f2: {  	s0 =	rddreg [dreg:$0x0];
	s2 =	stileid.u32  }
0x3f3: {  	s1 =	rddreg [dreg:$0x1];
	p0 =	sne.s32 s2, $0x0  }
0x3f4: {  	s3 =	rddreg [dreg:$0x2];
	[bflag:$0x3] =	sbarrier.arrive $0xFFFF;
	s2 =	simm.s32 @!p0 $0x1C05  }
0x3f5: {  	[timem:s3], [sflag:s2] =	dma.local @!p0 [hbm:s0], s1  }
0x3f6: {  	s0 =	simm.s32 @!p0 $0x5  }
0x3f7: {  	_ =	swait.ge @!p0 [sflag:s0], s1  }
0x3f8: {  	s1 =	ssub.s32 @!p0 $0x0, s1;
	[sflag:s0] =	ssyncset.done @!p0 $0x0  }
0x3f9: {  	[sflag:s0] =	ssyncadd.s32 @!p0 s1  }
0x3fa: {  	[bflag:$0x3] =	sbarrier.arrive $0xFFFF  }
0x3fb: {  	_ =	shalt  }

</sc_bundles>
